<compile_context>
chip_gen: v7x
topology: tpu7x:2x2x1
jax: 0.10.2.dev20260603
libtpu: 0.0.44.dev20260713+nightly
codegen_flags: <defaults>
</compile_context>

<pallas_src>
import functools

import jax
import jax.numpy as jnp
from jax import lax
from jax.experimental import pallas as pl
from jax.experimental.pallas import tpu as pltpu
from jax.experimental.pallas import tpu_sc as plsc

B = 2
S = 4096
D = 2048
HID = 4 * D
K = 491
KP = 512
NR = B * KP
NC = 2
NS = 16
NW = NC * NS
RPW = NR // NW
CPW = (B * S) // NW
NBLK = 8
SB = S // NBLK
HBLK = 16
HB = HID // HBLK
NEG_INF = float("-inf")


def _router_topk_body(x_ref, wra_ref, sel_ref, w_ref, aux_ref,
                      lg_s, alog_s):
    i = pl.program_id(0)

    @pl.when(i < NBLK)
    def _step():
        xb = x_ref[...].reshape(B * SB, D).astype(jnp.bfloat16)
        y = jnp.dot(xb, wra_ref[...], preferred_element_type=jnp.float32)
        lg_s[:, pl.ds(i * SB, SB)] = y[:, 0].reshape(B, SB)
        alog_s[:, pl.ds(i * SB, SB)] = y[:, 1].reshape(B, SB)

    @pl.when(i == NBLK)
    def _fin():
        _topk_compute(lg_s, alog_s, sel_ref, w_ref, aux_ref)


def _router_topk(x, wra):
    return pl.pallas_call(
        _router_topk_body,
        grid=(NBLK + 1,),
        in_specs=[
            pl.BlockSpec((B, SB, D), lambda i: (0, jnp.minimum(i, NBLK - 1), 0)),
            pl.BlockSpec((D, 128), lambda i: (0, 0)),
        ],
        out_specs=[
            pl.BlockSpec((B, KP), lambda i: (0, 0)),
            pl.BlockSpec((B, KP), lambda i: (0, 0)),
            pl.BlockSpec((1, 1), lambda i: (0, 0)),
        ],
        out_shape=[
            jax.ShapeDtypeStruct((B, KP), jnp.int32),
            jax.ShapeDtypeStruct((B, KP), jnp.float32),
            jax.ShapeDtypeStruct((1, 1), jnp.float32),
        ],
        scratch_shapes=[
            pltpu.VMEM((B, S), jnp.float32),
            pltpu.VMEM((B, S), jnp.float32),
        ],
        compiler_params=pltpu.CompilerParams(
            dimension_semantics=("arbitrary",)),
    )(x, wra)


def _excl_prefix(m):
    tri128 = (lax.broadcasted_iota(jnp.int32, (128, 128), 0)
              < lax.broadcasted_iota(jnp.int32, (128, 128), 1)).astype(jnp.float32)
    in_row = jax.lax.dot(m, tri128, precision=lax.Precision.HIGHEST)
    row_tot = jnp.sum(m, axis=1, keepdims=True)
    tri32 = (lax.broadcasted_iota(jnp.int32, (32, 32), 0)
             < lax.broadcasted_iota(jnp.int32, (32, 32), 1)).astype(jnp.float32)
    row_off = jax.lax.dot(row_tot.reshape(1, 32), tri32,
                          precision=lax.Precision.HIGHEST)
    return in_row + row_off.reshape(32, 1)


def _topk_compute(lg_ref, alog_ref, sel_ref, w_ref, aux_ref):
    gif = (lax.broadcasted_iota(jnp.int32, (32, 128), 0) * 128
           + lax.broadcasted_iota(jnp.int32, (32, 128), 1)).astype(jnp.float32)
    piota = lax.broadcasted_iota(jnp.int32, (KP, 1), 0).astype(jnp.float32)
    piota_row = lax.broadcasted_iota(jnp.int32, (1, KP), 1).astype(jnp.float32)
    jcol = lax.broadcasted_iota(jnp.int32, (KP, 1), 0)
    pmask = (piota < K)
    pmask_row = (piota_row < K)

    masks = []
    for b in range(B):
        v = lg_ref[b, :].reshape(32, 128)
        s = lax.bitcast_convert_type(v, jnp.int32)
        key = s ^ ((s >> 31) & jnp.int32(0x7FFFFFFF))

        def bs_step(_, carry):
            lo, hi = carry
            mid = (lo >> 1) + (hi >> 1) + ((lo | hi) & 1)
            cnt = jnp.sum((key >= mid).astype(jnp.int32))
            big = cnt >= K
            return (jnp.where(big, mid, lo), jnp.where(big, hi, mid - 1))

        lo0 = jnp.int32(-2147483647 - 1)
        hi0 = jnp.int32(2147483647)
        thr, _ = lax.fori_loop(0, 32, bs_step, (lo0, hi0))

        gt = (key > thr).astype(jnp.float32)
        ties = (key == thr).astype(jnp.float32)
        m_rem = (jnp.float32(K) - jnp.sum(gt)).astype(jnp.float32)
        tie_pref = _excl_prefix(ties)
        m = gt + ties * (tie_pref < m_rem).astype(jnp.float32)
        masks.append(m)

        pos = _excl_prefix(m)
        u = jnp.min(jnp.where(m == 0, gif, jnp.float32(S)))
        posr = pos.reshape(1, S)
        mr = m.reshape(1, S)
        gir = gif.reshape(1, S)
        vr = v.reshape(1, S)
        sel_asc = jnp.zeros((KP, 1), jnp.float32)
        kv = jnp.zeros((KP, 1), jnp.float32)
        CS = 512
        for ci in range(S // CS):
            lo, hi = ci * CS, (ci + 1) * CS
            Ac = ((posr[:, lo:hi] == piota).astype(jnp.float32)
                  * mr[:, lo:hi])
            sel_asc = sel_asc + jnp.sum(Ac * gir[:, lo:hi], axis=1,
                                        keepdims=True)
            kv = kv + jnp.sum(Ac * vr[:, lo:hi], axis=1, keepdims=True)
        sel_p = jnp.where(pmask, sel_asc, u)
        vsel = jnp.where(pmask, kv, jnp.float32(NEG_INF))
        vrow = jnp.transpose(vsel)
        rank = jnp.zeros((KP, 1), jnp.float32)
        for qc in range(KP // 128):
            vq = vrow[:, qc * 128:(qc + 1) * 128]
            qid = (lax.broadcasted_iota(jnp.int32, (1, 128), 1)
                   + qc * 128)
            cmp = ((vq > vsel) | ((vq == vsel) & (qid < jcol)))
            rank = rank + jnp.sum(cmp.astype(jnp.float32), axis=1,
                                  keepdims=True)
        wrow = jnp.zeros((1, KP), jnp.float32)
        for jc in range(KP // 128):
            rj = rank[jc * 128:(jc + 1) * 128, :]
            vj = vsel[jc * 128:(jc + 1) * 128, :]
            oh = (rj == piota_row).astype(jnp.float32)
            wrow = wrow + jnp.sum(oh * vj, axis=0, keepdims=True)
        wv = jnp.where(pmask_row, wrow, 0.0)
        sel_row = jnp.transpose(sel_p).astype(jnp.int32) + b * S
        sel_ref[pl.ds(b, 1), :] = sel_row
        w_ref[pl.ds(b, 1), :] = wv

    al = alog_ref[...]
    p = jnp.clip(jax.nn.sigmoid(al), 1e-7, 1.0 - 1e-7)
    logp = jnp.log(p)
    log1mp = jnp.log(1.0 - p)
    base = jnp.sum(log1mp)
    mu = jnp.minimum(masks[0] + masks[1], 1.0)
    c0 = (logp[0, :] - log1mp[0, :]).reshape(32, 128)
    corr = jnp.sum(mu * c0)
    aux_ref[...] = (-(base + corr) / jnp.float32(B * S)).reshape(1, 1)


@functools.lru_cache(maxsize=None)
def _sc_kernels():
    mesh = plsc.VectorSubcoreMesh(core_axis_name="c", subcore_axis_name="s",
                                  num_cores=NC, num_subcores=NS)

    @functools.partial(
        pl.kernel,
        out_type=jax.ShapeDtypeStruct((NR, D), jnp.float32),
        mesh=mesh,
        scratch_types=[
            pltpu.VMEM((RPW,), jnp.int32),
            pltpu.VMEM((RPW, D), jnp.float32),
            pltpu.SemaphoreType.DMA,
        ],
    )
    def gather_k(x2d, idx2d, fx, idx_v, rows_v, sem):
        w = lax.axis_index("c") * NS + lax.axis_index("s")
        pltpu.sync_copy(idx2d.at[w], idx_v)
        pltpu.async_copy(x2d.at[idx_v], rows_v, sem).wait()
        pltpu.sync_copy(rows_v, fx.at[pl.ds(w * RPW, RPW)])

    @functools.partial(
        pl.kernel,
        out_type=jax.ShapeDtypeStruct((B * S, D), jnp.float32),
        mesh=mesh,
        scratch_types=[
            pltpu.VMEM((RPW // 2,), jnp.int32),
            pltpu.VMEM((RPW // 2,), jnp.int32),
            pltpu.VMEM((RPW // 2, D), jnp.float32),
            pltpu.VMEM((RPW // 2, D), jnp.float32),
            pltpu.SemaphoreType.DMA,
            pltpu.SemaphoreType.DMA,
        ],
    )
    def scatter_k(x2d, rows, idx2d, out, idx_a, idx_b, buf_a, buf_b,
                  sem_a, sem_b):
        c = lax.axis_index("c")
        w = c * NS + lax.axis_index("s")
        base = w * CPW
        half = RPW // 2
        pltpu.sync_copy(idx2d.at[w, pl.ds(0, half)], idx_a)
        pltpu.sync_copy(idx2d.at[w, pl.ds(half, half)], idx_b)
        bufs = (buf_a, buf_b)
        sems = (sem_a, sem_b)
        nchunk = CPW // half
        rd = pltpu.async_copy(x2d.at[pl.ds(base, half)], buf_a, sem_a)
        for t in range(nchunk):
            rd.wait()
            if t + 1 < nchunk:
                rd = pltpu.async_copy(
                    x2d.at[pl.ds(base + (t + 1) * half, half)],
                    bufs[(t + 1) % 2], sems[(t + 1) % 2])
            pltpu.sync_copy(bufs[t % 2], out.at[pl.ds(base + t * half, half)])
        plsc.subcore_barrier()
        pltpu.async_copy(rows.at[pl.ds(w * RPW, half)], buf_a, sem_a).wait()
        rd_b = pltpu.async_copy(rows.at[pl.ds(w * RPW + half, half)],
                                buf_b, sem_b)
        pltpu.async_copy(buf_a, out.at[idx_a], sem_a).wait()
        rd_b.wait()
        pltpu.async_copy(buf_b, out.at[idx_b], sem_b).wait()

    return gather_k, scatter_k


def _gather(x2d, idx2d):
    return _sc_kernels()[0](x2d, idx2d)


def _scatter(x2d, rows, idx2d):
    return _sc_kernels()[1](x2d, rows, idx2d)


def _mlp_body(fx_ref, w_ref, w1_ref, w3_ref, w2_ref, out_ref, fxb_ref):
    h = pl.program_id(0)

    @pl.when(h == 0)
    def _init():
        fxb_ref[...] = fx_ref[...].astype(jnp.bfloat16)
        out_ref[...] = jnp.zeros_like(out_ref)

    fxb = fxb_ref[...]
    h1 = jnp.dot(fxb, w1_ref[...].astype(jnp.bfloat16),
                 preferred_element_type=jnp.float32)
    h3 = jnp.dot(fxb, w3_ref[...].astype(jnp.bfloat16),
                 preferred_element_type=jnp.float32)
    g = (h1 * jax.nn.sigmoid(h1) * h3).astype(jnp.bfloat16)
    out_ref[...] += jnp.dot(g, w2_ref[...].astype(jnp.bfloat16),
                            preferred_element_type=jnp.float32)

    @pl.when(h == HBLK - 1)
    def _fin():
        out_ref[...] = fx_ref[...] + w_ref[...] * out_ref[...]


def _mlp(fx, wrow, w1, w3, w2):
    return pl.pallas_call(
        _mlp_body,
        grid=(HBLK,),
        in_specs=[
            pl.BlockSpec((NR, D), lambda h: (0, 0)),
            pl.BlockSpec((NR, 1), lambda h: (0, 0)),
            pl.BlockSpec((D, HB), lambda h: (0, h)),
            pl.BlockSpec((D, HB), lambda h: (0, h)),
            pl.BlockSpec((HB, D), lambda h: (h, 0)),
        ],
        out_specs=pl.BlockSpec((NR, D), lambda h: (0, 0)),
        out_shape=jax.ShapeDtypeStruct((NR, D), jnp.float32),
        scratch_shapes=[pltpu.VMEM((NR, D), jnp.bfloat16)],
        compiler_params=pltpu.CompilerParams(
            dimension_semantics=("arbitrary",)),
    )(fx, wrow, w1, w3, w2)


def kernel(x, Wr, Wa, W1, W2, W3):
    wra = jnp.concatenate(
        [Wr, Wa, jnp.zeros((D, 126), jnp.float32)], axis=1).astype(jnp.bfloat16)
    sel8, w8, aux = _router_topk(x, wra)
    idx2d = sel8.reshape(NW, RPW)
    wrow = w8.reshape(NR, 1)
    x2d = x.reshape(B * S, D)
    fx = _gather(x2d, idx2d)
    rows = _mlp(fx, wrow, W1, W3, W2)
    out2d = _scatter(x2d, rows, idx2d)
    return out2d.reshape(B, S, D), aux.reshape(())

# --- scband reference (transcript-rebuilt; emitter-appended) ---
"""Pipeline reference for scband-mo-d-18056042512561 (READ-ONLY COPY).

The authoritative reference and input builder live on the scoring server;
editing this copy changes nothing except your own understanding.
"""

import jax, jax.numpy as jnp
import numpy as np

B = 2
SEQ = 4096
D_MODEL = 2048
HID = 4 * D_MODEL
CAP = 0.12


def _swiglu(x, W1, W2, W3):
    return (jax.nn.silu(x @ W1) * (x @ W3)) @ W2


def setup_inputs(seed: int = 0) -> dict:
    key = jax.random.key(seed)
    ks = jax.random.split(key, 6)
    x = jax.random.normal(ks[0], (B, SEQ, D_MODEL), dtype=jnp.float32)
    Wr = jax.random.normal(ks[1], (D_MODEL, 1), dtype=jnp.float32) * 0.02
    Wa = jax.random.normal(ks[2], (D_MODEL, 1), dtype=jnp.float32) * 0.02
    W1 = jax.random.normal(ks[3], (D_MODEL, HID), dtype=jnp.float32) * 0.02
    W3 = jax.random.normal(ks[4], (D_MODEL, HID), dtype=jnp.float32) * 0.02
    W2 = jax.random.normal(ks[5], (HID, D_MODEL), dtype=jnp.float32) * 0.02
    return {"x": x, "Wr": Wr, "Wa": Wa, "W1": W1, "W2": W2, "W3": W3}


def reference(x, Wr, Wa, W1, W2, W3):
    Bsz, S, D = x.shape
    top_k = int(S * CAP)
    router_logits = x @ Wr                      # [B, S, 1]
    lg = router_logits[..., 0]                  # [B, S]
    vals, idx = jax.lax.top_k(lg, top_k)        # [B, k]
    selected_tokens = jnp.sort(idx, axis=1)     # [B, k]
    order = jnp.argsort(idx, axis=1)
    r_weights = jnp.take_along_axis(vals, order, axis=1)  # computed as in torch code (unused downstream, matching original)
    token_weights = vals[:, :, None]            # [B, k, 1]
    gather_idx = jnp.broadcast_to(selected_tokens[:, :, None], (Bsz, top_k, D))
    filtered_x = jnp.take_along_axis(x, gather_idx, axis=1)  # [B, k, D]
    x_out = _swiglu(filtered_x, W1, W2, W3)     # [B, k, D]
    xw_out = token_weights * x_out              # broadcast, matches torch code (uses unsorted token_weights)
    bidx = jnp.arange(Bsz)[:, None]
    out = x.at[bidx, selected_tokens, :].add(xw_out)  # scatter-add along seq dim
    # aux loss (router_targets flattened over B*S, indices in [0, S) as in original code)
    router_targets = jnp.zeros((Bsz * S,), dtype=jnp.float32).at[selected_tokens.reshape(-1)].set(1.0)
    aux_logits = jax.nn.sigmoid(jax.lax.stop_gradient(x).reshape(Bsz * S, D) @ Wa)[:, 0]
    eps = 1e-7
    p = jnp.clip(aux_logits, eps, 1.0 - eps)
    aux_loss = -jnp.mean(router_targets * jnp.log(p) + (1.0 - router_targets) * jnp.log(1.0 - p))
    return out, aux_loss

if __name__ == "__main__":
    import jax
    _d = setup_inputs()
    print(jax.jit(kernel)(*tuple(_d.values())))

</pallas_src>

<mosaic_0001>
#map = affine_map<(d0, d1) -> (0, 0)>
module attributes {stable_mosaic.version = 14 : i64} {
  func.func @gather_k(%arg0: i32, %arg1: i32, %arg2: memref<8192x2048xf32, #tpu.memory_space<hbm>>, %arg3: memref<32x32xi32, #tpu.memory_space<hbm>>, %arg4: memref<1024x2048xf32, #tpu.memory_space<hbm>>, %arg5: memref<32xi32, #tpu.memory_space<vmem>>, %arg6: memref<32x2048xf32, #tpu.memory_space<vmem>>, %arg7: memref<!tpu.dma_semaphore, #tpu.memory_space<semaphore_mem>>) attributes {dimension_semantics = [#tpu.dimension_semantics<core_parallel>, #tpu.dimension_semantics<subcore_parallel>], iteration_bounds = array<i64: 2, 16>, scalar_prefetch = 0 : i64, scratch_operands = 3 : i64, tpu.core_type = #tpu.core_type<sc_vector_subcore>, window_params = [{transform_indices = #map}, {transform_indices = #map}, {transform_indices = #map}]} {
    %mul3A = arith.constant 16 : i32
    %mul3A_0 = arith.muli %arg0, %mul3A : i32
    %add3A = arith.addi %mul3A_0, %arg1 : i32
    "tpu.region"() ({
      %run_scoped3A = tpu.sem_alloc : memref<!tpu.dma_semaphore, #tpu.memory_space<semaphore_mem>>
      %dma_start3A_7 = arith.constant 0 : i32
      %dma_start3A_8 = tpu.memref_slice %arg3[%add3A, %dma_start3A_7] : memref<32x32xi32, #tpu.memory_space<hbm>> -> memref<1x32xi32, #tpu.memory_space<hbm>>
      %dma_start3A_9 = tpu.memref_squeeze %dma_start3A_8 : memref<1x32xi32, #tpu.memory_space<hbm>> -> memref<32xi32, #tpu.memory_space<hbm>>
      %dma_start3A_10 = arith.constant 0 : i32
      %dma_start3A_11 = tpu.memref_slice %arg3[%add3A, %dma_start3A_10] : memref<32x32xi32, #tpu.memory_space<hbm>> -> memref<1x32xi32, #tpu.memory_space<hbm>>
      %dma_start3A_12 = tpu.memref_squeeze %dma_start3A_11 : memref<1x32xi32, #tpu.memory_space<hbm>> -> memref<32xi32, #tpu.memory_space<hbm>>
      tpu.enqueue_dma source(%dma_start3A_12 : memref<32xi32, #tpu.memory_space<hbm>>) target(%arg5 : memref<32xi32, #tpu.memory_space<vmem>>) target_semaphore(%run_scoped3A : memref<!tpu.dma_semaphore, #tpu.memory_space<semaphore_mem>>)
      %dma_wait3A_13 = arith.constant 0 : i32
      %dma_wait3A_14 = tpu.memref_slice %arg3[%add3A, %dma_wait3A_13] : memref<32x32xi32, #tpu.memory_space<hbm>> -> memref<1x32xi32, #tpu.memory_space<hbm>>
      %dma_wait3A_15 = tpu.memref_squeeze %dma_wait3A_14 : memref<1x32xi32, #tpu.memory_space<hbm>> -> memref<32xi32, #tpu.memory_space<hbm>>
      %dma_wait3A_16 = arith.constant 0 : i32
      %dma_wait3A_17 = tpu.memref_slice %arg3[%add3A, %dma_wait3A_16] : memref<32x32xi32, #tpu.memory_space<hbm>> -> memref<1x32xi32, #tpu.memory_space<hbm>>
      %dma_wait3A_18 = tpu.memref_squeeze %dma_wait3A_17 : memref<1x32xi32, #tpu.memory_space<hbm>> -> memref<32xi32, #tpu.memory_space<hbm>>
      tpu.wait_dma2 semaphore(%run_scoped3A : memref<!tpu.dma_semaphore, #tpu.memory_space<semaphore_mem>>) src(%dma_wait3A_18 : memref<32xi32, #tpu.memory_space<hbm>>) dst(%arg5 : memref<32xi32, #tpu.memory_space<vmem>>)
      tpu.yield
    }) : () -> ()
    %dma_start3A = arith.constant 0 : i32
    %dma_start3A_1 = arith.constant 0 : i32
    %dma_start3A_2 = tpu.memref_slice %arg2[%dma_start3A, %dma_start3A_1] : memref<8192x2048xf32, #tpu.memory_space<hbm>> -> memref<8192x2048xf32, #tpu.memory_space<hbm>>
    tpu.enqueue_indirect_dma source(%dma_start3A_2 : memref<8192x2048xf32, #tpu.memory_space<hbm>>) target(%arg6 : memref<32x2048xf32, #tpu.memory_space<vmem>>) offsets(%arg5 : memref<32xi32, #tpu.memory_space<vmem>>) semaphore(%arg7 : memref<!tpu.dma_semaphore, #tpu.memory_space<semaphore_mem>>)
    %dma_wait3A = arith.constant 0 : i32
    %dma_wait3A_3 = arith.constant 0 : i32
    %dma_wait3A_4 = tpu.memref_slice %arg2[%dma_wait3A, %dma_wait3A_3] : memref<8192x2048xf32, #tpu.memory_space<hbm>> -> memref<8192x2048xf32, #tpu.memory_space<hbm>>
    tpu.wait_indirect_dma semaphore(%arg7 : memref<!tpu.dma_semaphore, #tpu.memory_space<semaphore_mem>>) src(%dma_wait3A_4 : memref<8192x2048xf32, #tpu.memory_space<hbm>>) dst(%arg6 : memref<32x2048xf32, #tpu.memory_space<vmem>>)
    %mul3A_5 = arith.constant 32 : i32
    %mul3A_6 = arith.muli %add3A, %mul3A_5 : i32
    "tpu.region"() ({
      %run_scoped3A = tpu.sem_alloc : memref<!tpu.dma_semaphore, #tpu.memory_space<semaphore_mem>>
      %dma_start3A_7 = arith.constant 0 : i32
      %dma_start3A_8 = tpu.memref_slice %arg4[%mul3A_6, %dma_start3A_7] : memref<1024x2048xf32, #tpu.memory_space<hbm>> -> memref<32x2048xf32, #tpu.memory_space<hbm>>
      %dma_start3A_9 = arith.constant 0 : i32
      %dma_start3A_10 = tpu.memref_slice %arg4[%mul3A_6, %dma_start3A_9] : memref<1024x2048xf32, #tpu.memory_space<hbm>> -> memref<32x2048xf32, #tpu.memory_space<hbm>>
      tpu.enqueue_dma source(%arg6 : memref<32x2048xf32, #tpu.memory_space<vmem>>) target(%dma_start3A_10 : memref<32x2048xf32, #tpu.memory_space<hbm>>) target_semaphore(%run_scoped3A : memref<!tpu.dma_semaphore, #tpu.memory_space<semaphore_mem>>)
      %dma_wait3A_11 = arith.constant 0 : i32
      %dma_wait3A_12 = tpu.memref_slice %arg4[%mul3A_6, %dma_wait3A_11] : memref<1024x2048xf32, #tpu.memory_space<hbm>> -> memref<32x2048xf32, #tpu.memory_space<hbm>>
      %dma_wait3A_13 = arith.constant 0 : i32
      %dma_wait3A_14 = tpu.memref_slice %arg4[%mul3A_6, %dma_wait3A_13] : memref<1024x2048xf32, #tpu.memory_space<hbm>> -> memref<32x2048xf32, #tpu.memory_space<hbm>>
      tpu.wait_dma2 semaphore(%run_scoped3A : memref<!tpu.dma_semaphore, #tpu.memory_space<semaphore_mem>>) src(%arg6 : memref<32x2048xf32, #tpu.memory_space<vmem>>) dst(%dma_wait3A_14 : memref<32x2048xf32, #tpu.memory_space<hbm>>)
      tpu.yield
    }) : () -> ()
    return
  }
}

#map = affine_map<(d0, d1) -> (0, 0)>
module attributes {stable_mosaic.version = 14 : i64} {
  func.func @scatter_k(%arg0: i32, %arg1: i32, %arg2: memref<8192x2048xf32, #tpu.memory_space<hbm>>, %arg3: memref<1024x2048xf32, #tpu.memory_space<hbm>>, %arg4: memref<32x32xi32, #tpu.memory_space<hbm>>, %arg5: memref<8192x2048xf32, #tpu.memory_space<hbm>>, %arg6: memref<16xi32, #tpu.memory_space<vmem>>, %arg7: memref<16xi32, #tpu.memory_space<vmem>>, %arg8: memref<16x2048xf32, #tpu.memory_space<vmem>>, %arg9: memref<16x2048xf32, #tpu.memory_space<vmem>>, %arg10: memref<!tpu.dma_semaphore, #tpu.memory_space<semaphore_mem>>, %arg11: memref<!tpu.dma_semaphore, #tpu.memory_space<semaphore_mem>>) attributes {dimension_semantics = [#tpu.dimension_semantics<core_parallel>, #tpu.dimension_semantics<subcore_parallel>], iteration_bounds = array<i64: 2, 16>, scalar_prefetch = 0 : i64, scratch_operands = 6 : i64, tpu.core_type = #tpu.core_type<sc_vector_subcore>, window_params = [{transform_indices = #map}, {transform_indices = #map}, {transform_indices = #map}, {transform_indices = #map}]} {
    %mul3A = arith.constant 16 : i32
    %mul3A_0 = arith.muli %arg0, %mul3A : i32
    %add3A = arith.addi %mul3A_0, %arg1 : i32
    %mul3A_1 = arith.constant 256 : i32
    %mul3A_2 = arith.muli %add3A, %mul3A_1 : i32
    "tpu.region"() ({
      %run_scoped3A = tpu.sem_alloc : memref<!tpu.dma_semaphore, #tpu.memory_space<semaphore_mem>>
      %dma_start3A_225 = arith.constant 0 : i32
      %dma_start3A_226 = tpu.memref_slice %arg4[%add3A, %dma_start3A_225] : memref<32x32xi32, #tpu.memory_space<hbm>> -> memref<1x16xi32, #tpu.memory_space<hbm>>
      %dma_start3A_227 = tpu.memref_squeeze %dma_start3A_226 : memref<1x16xi32, #tpu.memory_space<hbm>> -> memref<16xi32, #tpu.memory_space<hbm>>
      %dma_start3A_228 = arith.constant 0 : i32
      %dma_start3A_229 = tpu.memref_slice %arg4[%add3A, %dma_start3A_228] : memref<32x32xi32, #tpu.memory_space<hbm>> -> memref<1x16xi32, #tpu.memory_space<hbm>>
      %dma_start3A_230 = tpu.memref_squeeze %dma_start3A_229 : memref<1x16xi32, #tpu.memory_space<hbm>> -> memref<16xi32, #tpu.memory_space<hbm>>
      tpu.enqueue_dma source(%dma_start3A_230 : memref<16xi32, #tpu.memory_space<hbm>>) target(%arg6 : memref<16xi32, #tpu.memory_space<vmem>>) target_semaphore(%run_scoped3A : memref<!tpu.dma_semaphore, #tpu.memory_space<semaphore_mem>>)
      %dma_wait3A_231 = arith.constant 0 : i32
      %dma_wait3A_232 = tpu.memref_slice %arg4[%add3A, %dma_wait3A_231] : memref<32x32xi32, #tpu.memory_space<hbm>> -> memref<1x16xi32, #tpu.memory_space<hbm>>
      %dma_wait3A_233 = tpu.memref_squeeze %dma_wait3A_232 : memref<1x16xi32, #tpu.memory_space<hbm>> -> memref<16xi32, #tpu.memory_space<hbm>>
      %dma_wait3A_234 = arith.constant 0 : i32
      %dma_wait3A_235 = tpu.memref_slice %arg4[%add3A, %dma_wait3A_234] : memref<32x32xi32, #tpu.memory_space<hbm>> -> memref<1x16xi32, #tpu.memory_space<hbm>>
      %dma_wait3A_236 = tpu.memref_squeeze %dma_wait3A_235 : memref<1x16xi32, #tpu.memory_space<hbm>> -> memref<16xi32, #tpu.memory_space<hbm>>
      tpu.wait_dma2 semaphore(%run_scoped3A : memref<!tpu.dma_semaphore, #tpu.memory_space<semaphore_mem>>) src(%dma_wait3A_236 : memref<16xi32, #tpu.memory_space<hbm>>) dst(%arg6 : memref<16xi32, #tpu.memory_space<vmem>>)
      tpu.yield
    }) : () -> ()
    "tpu.region"() ({
      %run_scoped3A = tpu.sem_alloc : memref<!tpu.dma_semaphore, #tpu.memory_space<semaphore_mem>>
      %dma_start3A_225 = arith.constant 16 : i32
      %dma_start3A_226 = tpu.memref_slice %arg4[%add3A, %dma_start3A_225] : memref<32x32xi32, #tpu.memory_space<hbm>> -> memref<1x16xi32, #tpu.memory_space<hbm>>
      %dma_start3A_227 = tpu.memref_squeeze %dma_start3A_226 : memref<1x16xi32, #tpu.memory_space<hbm>> -> memref<16xi32, #tpu.memory_space<hbm>>
      %dma_start3A_228 = arith.constant 16 : i32
      %dma_start3A_229 = tpu.memref_slice %arg4[%add3A, %dma_start3A_228] : memref<32x32xi32, #tpu.memory_space<hbm>> -> memref<1x16xi32, #tpu.memory_space<hbm>>
      %dma_start3A_230 = tpu.memref_squeeze %dma_start3A_229 : memref<1x16xi32, #tpu.memory_space<hbm>> -> memref<16xi32, #tpu.memory_space<hbm>>
      tpu.enqueue_dma source(%dma_start3A_230 : memref<16xi32, #tpu.memory_space<hbm>>) target(%arg7 : memref<16xi32, #tpu.memory_space<vmem>>) target_semaphore(%run_scoped3A : memref<!tpu.dma_semaphore, #tpu.memory_space<semaphore_mem>>)
      %dma_wait3A_231 = arith.constant 16 : i32
      %dma_wait3A_232 = tpu.memref_slice %arg4[%add3A, %dma_wait3A_231] : memref<32x32xi32, #tpu.memory_space<hbm>> -> memref<1x16xi32, #tpu.memory_space<hbm>>
      %dma_wait3A_233 = tpu.memref_squeeze %dma_wait3A_232 : memref<1x16xi32, #tpu.memory_space<hbm>> -> memref<16xi32, #tpu.memory_space<hbm>>
      %dma_wait3A_234 = arith.constant 16 : i32
      %dma_wait3A_235 = tpu.memref_slice %arg4[%add3A, %dma_wait3A_234] : memref<32x32xi32, #tpu.memory_space<hbm>> -> memref<1x16xi32, #tpu.memory_space<hbm>>
      %dma_wait3A_236 = tpu.memref_squeeze %dma_wait3A_235 : memref<1x16xi32, #tpu.memory_space<hbm>> -> memref<16xi32, #tpu.memory_space<hbm>>
      tpu.wait_dma2 semaphore(%run_scoped3A : memref<!tpu.dma_semaphore, #tpu.memory_space<semaphore_mem>>) src(%dma_wait3A_236 : memref<16xi32, #tpu.memory_space<hbm>>) dst(%arg7 : memref<16xi32, #tpu.memory_space<vmem>>)
      tpu.yield
    }) : () -> ()
    %dma_start3A = arith.constant 0 : i32
    %dma_start3A_3 = tpu.memref_slice %arg2[%mul3A_2, %dma_start3A] : memref<8192x2048xf32, #tpu.memory_space<hbm>> -> memref<16x2048xf32, #tpu.memory_space<hbm>>
    %dma_start3A_4 = arith.constant 0 : i32
    %dma_start3A_5 = tpu.memref_slice %arg2[%mul3A_2, %dma_start3A_4] : memref<8192x2048xf32, #tpu.memory_space<hbm>> -> memref<16x2048xf32, #tpu.memory_space<hbm>>
    tpu.enqueue_dma source(%dma_start3A_5 : memref<16x2048xf32, #tpu.memory_space<hbm>>) target(%arg8 : memref<16x2048xf32, #tpu.memory_space<vmem>>) target_semaphore(%arg10 : memref<!tpu.dma_semaphore, #tpu.memory_space<semaphore_mem>>)
    %dma_wait3A = arith.constant 0 : i32
    %dma_wait3A_6 = tpu.memref_slice %arg2[%mul3A_2, %dma_wait3A] : memref<8192x2048xf32, #tpu.memory_space<hbm>> -> memref<16x2048xf32, #tpu.memory_space<hbm>>
    %dma_wait3A_7 = arith.constant 0 : i32
    %dma_wait3A_8 = tpu.memref_slice %arg2[%mul3A_2, %dma_wait3A_7] : memref<8192x2048xf32, #tpu.memory_space<hbm>> -> memref<16x2048xf32, #tpu.memory_space<hbm>>
    tpu.wait_dma2 semaphore(%arg10 : memref<!tpu.dma_semaphore, #tpu.memory_space<semaphore_mem>>) src(%dma_wait3A_8 : memref<16x2048xf32, #tpu.memory_space<hbm>>) dst(%arg8 : memref<16x2048xf32, #tpu.memory_space<vmem>>)
    %add3A_9 = arith.constant 16 : i32
    %add3A_10 = arith.addi %mul3A_2, %add3A_9 : i32
    %dma_start3A_11 = arith.constant 0 : i32
    %dma_start3A_12 = tpu.memref_slice %arg2[%add3A_10, %dma_start3A_11] : memref<8192x2048xf32, #tpu.memory_space<hbm>> -> memref<16x2048xf32, #tpu.memory_space<hbm>>
    %dma_start3A_13 = arith.constant 0 : i32
    %dma_start3A_14 = tpu.memref_slice %arg2[%add3A_10, %dma_start3A_13] : memref<8192x2048xf32, #tpu.memory_space<hbm>> -> memref<16x2048xf32, #tpu.memory_space<hbm>>
    tpu.enqueue_dma source(%dma_start3A_14 : memref<16x2048xf32, #tpu.memory_space<hbm>>) target(%arg9 : memref<16x2048xf32, #tpu.memory_space<vmem>>) target_semaphore(%arg11 : memref<!tpu.dma_semaphore, #tpu.memory_space<semaphore_mem>>)
    %add3A_15 = arith.constant 0 : i32
    %add3A_16 = arith.addi %mul3A_2, %add3A_15 : i32
    "tpu.region"() ({
      %run_scoped3A = tpu.sem_alloc : memref<!tpu.dma_semaphore, #tpu.memory_space<semaphore_mem>>
      %dma_start3A_225 = arith.constant 0 : i32
      %dma_start3A_226 = tpu.memref_slice %arg5[%add3A_16, %dma_start3A_225] : memref<8192x2048xf32, #tpu.memory_space<hbm>> -> memref<16x2048xf32, #tpu.memory_space<hbm>>
      %dma_start3A_227 = arith.constant 0 : i32
      %dma_start3A_228 = tpu.memref_slice %arg5[%add3A_16, %dma_start3A_227] : memref<8192x2048xf32, #tpu.memory_space<hbm>> -> memref<16x2048xf32, #tpu.memory_space<hbm>>
      tpu.enqueue_dma source(%arg8 : memref<16x2048xf32, #tpu.memory_space<vmem>>) target(%dma_start3A_228 : memref<16x2048xf32, #tpu.memory_space<hbm>>) target_semaphore(%run_scoped3A : memref<!tpu.dma_semaphore, #tpu.memory_space<semaphore_mem>>)
      %dma_wait3A_229 = arith.constant 0 : i32
      %dma_wait3A_230 = tpu.memref_slice %arg5[%add3A_16, %dma_wait3A_229] : memref<8192x2048xf32, #tpu.memory_space<hbm>> -> memref<16x2048xf32, #tpu.memory_space<hbm>>
      %dma_wait3A_231 = arith.constant 0 : i32
      %dma_wait3A_232 = tpu.memref_slice %arg5[%add3A_16, %dma_wait3A_231] : memref<8192x2048xf32, #tpu.memory_space<hbm>> -> memref<16x2048xf32, #tpu.memory_space<hbm>>
      tpu.wait_dma2 semaphore(%run_scoped3A : memref<!tpu.dma_semaphore, #tpu.memory_space<semaphore_mem>>) src(%arg8 : memref<16x2048xf32, #tpu.memory_space<vmem>>) dst(%dma_wait3A_232 : memref<16x2048xf32, #tpu.memory_space<hbm>>)
      tpu.yield
    }) : () -> ()
    %dma_wait3A_17 = arith.constant 0 : i32
    %dma_wait3A_18 = tpu.memref_slice %arg2[%add3A_10, %dma_wait3A_17] : memref<8192x2048xf32, #tpu.memory_space<hbm>> -> memref<16x2048xf32, #tpu.memory_space<hbm>>
    %dma_wait3A_19 = arith.constant 0 : i32
    %dma_wait3A_20 = tpu.memref_slice %arg2[%add3A_10, %dma_wait3A_19] : memref<8192x2048xf32, #tpu.memory_space<hbm>> -> memref<16x2048xf32, #tpu.memory_space<hbm>>
    tpu.wait_dma2 semaphore(%arg11 : memref<!tpu.dma_semaphore, #tpu.memory_space<semaphore_mem>>) src(%dma_wait3A_20 : memref<16x2048xf32, #tpu.memory_space<hbm>>) dst(%arg9 : memref<16x2048xf32, #tpu.memory_space<vmem>>)
    %add3A_21 = arith.constant 32 : i32
    %add3A_22 = arith.addi %mul3A_2, %add3A_21 : i32
    %dma_start3A_23 = arith.constant 0 : i32
    %dma_start3A_24 = tpu.memref_slice %arg2[%add3A_22, %dma_start3A_23] : memref<8192x2048xf32, #tpu.memory_space<hbm>> -> memref<16x2048xf32, #tpu.memory_space<hbm>>
    %dma_start3A_25 = arith.constant 0 : i32
    %dma_start3A_26 = tpu.memref_slice %arg2[%add3A_22, %dma_start3A_25] : memref<8192x2048xf32, #tpu.memory_space<hbm>> -> memref<16x2048xf32, #tpu.memory_space<hbm>>
    tpu.enqueue_dma source(%dma_start3A_26 : memref<16x2048xf32, #tpu.memory_space<hbm>>) target(%arg8 : memref<16x2048xf32, #tpu.memory_space<vmem>>) target_semaphore(%arg10 : memref<!tpu.dma_semaphore, #tpu.memory_space<semaphore_mem>>)
    %add3A_27 = arith.constant 16 : i32
    %add3A_28 = arith.addi %mul3A_2, %add3A_27 : i32
    "tpu.region"() ({
      %run_scoped3A = tpu.sem_alloc : memref<!tpu.dma_semaphore, #tpu.memory_space<semaphore_mem>>
      %dma_start3A_225 = arith.constant 0 : i32
      %dma_start3A_226 = tpu.memref_slice %arg5[%add3A_28, %dma_start3A_225] : memref<8192x2048xf32, #tpu.memory_space<hbm>> -> memref<16x2048xf32, #tpu.memory_space<hbm>>
      %dma_start3A_227 = arith.constant 0 : i32
      %dma_start3A_228 = tpu.memref_slice %arg5[%add3A_28, %dma_start3A_227] : memref<8192x2048xf32, #tpu.memory_space<hbm>> -> memref<16x2048xf32, #tpu.memory_space<hbm>>
      tpu.enqueue_dma source(%arg9 : memref<16x2048xf32, #tpu.memory_space<vmem>>) target(%dma_start3A_228 : memref<16x2048xf32, #tpu.memory_space<hbm>>) target_semaphore(%run_scoped3A : memref<!tpu.dma_semaphore, #tpu.memory_space<semaphore_mem>>)
      %dma_wait3A_229 = arith.constant 0 : i32
      %dma_wait3A_230 = tpu.memref_slice %arg5[%add3A_28, %dma_wait3A_229] : memref<8192x2048xf32, #tpu.memory_space<hbm>> -> memref<16x2048xf32, #tpu.memory_space<hbm>>
      %dma_wait3A_231 = arith.constant 0 : i32
      %dma_wait3A_232 = tpu.memref_slice %arg5[%add3A_28, %dma_wait3A_231] : memref<8192x2048xf32, #tpu.memory_space<hbm>> -> memref<16x2048xf32, #tpu.memory_space<hbm>>
      tpu.wait_dma2 semaphore(%run_scoped3A : memref<!tpu.dma_semaphore, #tpu.memory_space<semaphore_mem>>) src(%arg9 : memref<16x2048xf32, #tpu.memory_space<vmem>>) dst(%dma_wait3A_232 : memref<16x2048xf32, #tpu.memory_space<hbm>>)
      tpu.yield
    }) : () -> ()
    %dma_wait3A_29 = arith.constant 0 : i32
    %dma_wait3A_30 = tpu.memref_slice %arg2[%add3A_22, %dma_wait3A_29] : memref<8192x2048xf32, #tpu.memory_space<hbm>> -> memref<16x2048xf32, #tpu.memory_space<hbm>>
    %dma_wait3A_31 = arith.constant 0 : i32
    %dma_wait3A_32 = tpu.memref_slice %arg2[%add3A_22, %dma_wait3A_31] : memref<8192x2048xf32, #tpu.memory_space<hbm>> -> memref<16x2048xf32, #tpu.memory_space<hbm>>
    tpu.wait_dma2 semaphore(%arg10 : memref<!tpu.dma_semaphore, #tpu.memory_space<semaphore_mem>>) src(%dma_wait3A_32 : memref<16x2048xf32, #tpu.memory_space<hbm>>) dst(%arg8 : memref<16x2048xf32, #tpu.memory_space<vmem>>)
    %add3A_33 = arith.constant 48 : i32
    %add3A_34 = arith.addi %mul3A_2, %add3A_33 : i32
    %dma_start3A_35 = arith.constant 0 : i32
    %dma_start3A_36 = tpu.memref_slice %arg2[%add3A_34, %dma_start3A_35] : memref<8192x2048xf32, #tpu.memory_space<hbm>> -> memref<16x2048xf32, #tpu.memory_space<hbm>>
    %dma_start3A_37 = arith.constant 0 : i32
    %dma_start3A_38 = tpu.memref_slice %arg2[%add3A_34, %dma_start3A_37] : memref<8192x2048xf32, #tpu.memory_space<hbm>> -> memref<16x2048xf32, #tpu.memory_space<hbm>>
    tpu.enqueue_dma source(%dma_start3A_38 : memref<16x2048xf32, #tpu.memory_space<hbm>>) target(%arg9 : memref<16x2048xf32, #tpu.memory_space<vmem>>) target_semaphore(%arg11 : memref<!tpu.dma_semaphore, #tpu.memory_space<semaphore_mem>>)
    %add3A_39 = arith.constant 32 : i32
    %add3A_40 = arith.addi %mul3A_2, %add3A_39 : i32
    "tpu.region"() ({
      %run_scoped3A = tpu.sem_alloc : memref<!tpu.dma_semaphore, #tpu.memory_space<semaphore_mem>>
      %dma_start3A_225 = arith.constant 0 : i32
      %dma_start3A_226 = tpu.memref_slice %arg5[%add3A_40, %dma_start3A_225] : memref<8192x2048xf32, #tpu.memory_space<hbm>> -> memref<16x2048xf32, #tpu.memory_space<hbm>>
      %dma_start3A_227 = arith.constant 0 : i32
      %dma_start3A_228 = tpu.memref_slice %arg5[%add3A_40, %dma_start3A_227] : memref<8192x2048xf32, #tpu.memory_space<hbm>> -> memref<16x2048xf32, #tpu.memory_space<hbm>>
      tpu.enqueue_dma source(%arg8 : memref<16x2048xf32, #tpu.memory_space<vmem>>) target(%dma_start3A_228 : memref<16x2048xf32, #tpu.memory_space<hbm>>) target_semaphore(%run_scoped3A : memref<!tpu.dma_semaphore, #tpu.memory_space<semaphore_mem>>)
      %dma_wait3A_229 = arith.constant 0 : i32
      %dma_wait3A_230 = tpu.memref_slice %arg5[%add3A_40, %dma_wait3A_229] : memref<8192x2048xf32, #tpu.memory_space<hbm>> -> memref<16x2048xf32, #tpu.memory_space<hbm>>
      %dma_wait3A_231 = arith.constant 0 : i32
      %dma_wait3A_232 = tpu.memref_slice %arg5[%add3A_40, %dma_wait3A_231] : memref<8192x2048xf32, #tpu.memory_space<hbm>> -> memref<16x2048xf32, #tpu.memory_space<hbm>>
      tpu.wait_dma2 semaphore(%run_scoped3A : memref<!tpu.dma_semaphore, #tpu.memory_space<semaphore_mem>>) src(%arg8 : memref<16x2048xf32, #tpu.memory_space<vmem>>) dst(%dma_wait3A_232 : memref<16x2048xf32, #tpu.memory_space<hbm>>)
      tpu.yield
    }) : () -> ()
    %dma_wait3A_41 = arith.constant 0 : i32
    %dma_wait3A_42 = tpu.memref_slice %arg2[%add3A_34, %dma_wait3A_41] : memref<8192x2048xf32, #tpu.memory_space<hbm>> -> memref<16x2048xf32, #tpu.memory_space<hbm>>
    %dma_wait3A_43 = arith.constant 0 : i32
    %dma_wait3A_44 = tpu.memref_slice %arg2[%add3A_34, %dma_wait3A_43] : memref<8192x2048xf32, #tpu.memory_space<hbm>> -> memref<16x2048xf32, #tpu.memory_space<hbm>>
    tpu.wait_dma2 semaphore(%arg11 : memref<!tpu.dma_semaphore, #tpu.memory_space<semaphore_mem>>) src(%dma_wait3A_44 : memref<16x2048xf32, #tpu.memory_space<hbm>>) dst(%arg9 : memref<16x2048xf32, #tpu.memory_space<vmem>>)
    %add3A_45 = arith.constant 64 : i32
    %add3A_46 = arith.addi %mul3A_2, %add3A_45 : i32
    %dma_start3A_47 = arith.constant 0 : i32
    %dma_start3A_48 = tpu.memref_slice %arg2[%add3A_46, %dma_start3A_47] : memref<8192x2048xf32, #tpu.memory_space<hbm>> -> memref<16x2048xf32, #tpu.memory_space<hbm>>
    %dma_start3A_49 = arith.constant 0 : i32
    %dma_start3A_50 = tpu.memref_slice %arg2[%add3A_46, %dma_start3A_49] : memref<8192x2048xf32, #tpu.memory_space<hbm>> -> memref<16x2048xf32, #tpu.memory_space<hbm>>
    tpu.enqueue_dma source(%dma_start3A_50 : memref<16x2048xf32, #tpu.memory_space<hbm>>) target(%arg8 : memref<16x2048xf32, #tpu.memory_space<vmem>>) target_semaphore(%arg10 : memref<!tpu.dma_semaphore, #tpu.memory_space<semaphore_mem>>)
    %add3A_51 = arith.constant 48 : i32
    %add3A_52 = arith.addi %mul3A_2, %add3A_51 : i32
    "tpu.region"() ({
      %run_scoped3A = tpu.sem_alloc : memref<!tpu.dma_semaphore, #tpu.memory_space<semaphore_mem>>
      %dma_start3A_225 = arith.constant 0 : i32
      %dma_start3A_226 = tpu.memref_slice %arg5[%add3A_52, %dma_start3A_225] : memref<8192x2048xf32, #tpu.memory_space<hbm>> -> memref<16x2048xf32, #tpu.memory_space<hbm>>
      %dma_start3A_227 = arith.constant 0 : i32
      %dma_start3A_228 = tpu.memref_slice %arg5[%add3A_52, %dma_start3A_227] : memref<8192x2048xf32, #tpu.memory_space<hbm>> -> memref<16x2048xf32, #tpu.memory_space<hbm>>
      tpu.enqueue_dma source(%arg9 : memref<16x2048xf32, #tpu.memory_space<vmem>>) target(%dma_start3A_228 : memref<16x2048xf32, #tpu.memory_space<hbm>>) target_semaphore(%run_scoped3A : memref<!tpu.dma_semaphore, #tpu.memory_space<semaphore_mem>>)
      %dma_wait3A_229 = arith.constant 0 : i32
      %dma_wait3A_230 = tpu.memref_slice %arg5[%add3A_52, %dma_wait3A_229] : memref<8192x2048xf32, #tpu.memory_space<hbm>> -> memref<16x2048xf32, #tpu.memory_space<hbm>>
      %dma_wait3A_231 = arith.constant 0 : i32
      %dma_wait3A_232 = tpu.memref_slice %arg5[%add3A_52, %dma_wait3A_231] : memref<8192x2048xf32, #tpu.memory_space<hbm>> -> memref<16x2048xf32, #tpu.memory_space<hbm>>
      tpu.wait_dma2 semaphore(%run_scoped3A : memref<!tpu.dma_semaphore, #tpu.memory_space<semaphore_mem>>) src(%arg9 : memref<16x2048xf32, #tpu.memory_space<vmem>>) dst(%dma_wait3A_232 : memref<16x2048xf32, #tpu.memory_space<hbm>>)
      tpu.yield
    }) : () -> ()
    %dma_wait3A_53 = arith.constant 0 : i32
    %dma_wait3A_54 = tpu.memref_slice %arg2[%add3A_46, %dma_wait3A_53] : memref<8192x2048xf32, #tpu.memory_space<hbm>> -> memref<16x2048xf32, #tpu.memory_space<hbm>>
    %dma_wait3A_55 = arith.constant 0 : i32
    %dma_wait3A_56 = tpu.memref_slice %arg2[%add3A_46, %dma_wait3A_55] : memref<8192x2048xf32, #tpu.memory_space<hbm>> -> memref<16x2048xf32, #tpu.memory_space<hbm>>
    tpu.wait_dma2 semaphore(%arg10 : memref<!tpu.dma_semaphore, #tpu.memory_space<semaphore_mem>>) src(%dma_wait3A_56 : memref<16x2048xf32, #tpu.memory_space<hbm>>) dst(%arg8 : memref<16x2048xf32, #tpu.memory_space<vmem>>)
    %add3A_57 = arith.constant 80 : i32
    %add3A_58 = arith.addi %mul3A_2, %add3A_57 : i32
    %dma_start3A_59 = arith.constant 0 : i32
    %dma_start3A_60 = tpu.memref_slice %arg2[%add3A_58, %dma_start3A_59] : memref<8192x2048xf32, #tpu.memory_space<hbm>> -> memref<16x2048xf32, #tpu.memory_space<hbm>>
    %dma_start3A_61 = arith.constant 0 : i32
    %dma_start3A_62 = tpu.memref_slice %arg2[%add3A_58, %dma_start3A_61] : memref<8192x2048xf32, #tpu.memory_space<hbm>> -> memref<16x2048xf32, #tpu.memory_space<hbm>>
    tpu.enqueue_dma source(%dma_start3A_62 : memref<16x2048xf32, #tpu.memory_space<hbm>>) target(%arg9 : memref<16x2048xf32, #tpu.memory_space<vmem>>) target_semaphore(%arg11 : memref<!tpu.dma_semaphore, #tpu.memory_space<semaphore_mem>>)
    %add3A_63 = arith.constant 64 : i32
    %add3A_64 = arith.addi %mul3A_2, %add3A_63 : i32
    "tpu.region"() ({
      %run_scoped3A = tpu.sem_alloc : memref<!tpu.dma_semaphore, #tpu.memory_space<semaphore_mem>>
      %dma_start3A_225 = arith.constant 0 : i32
      %dma_start3A_226 = tpu.memref_slice %arg5[%add3A_64, %dma_start3A_225] : memref<8192x2048xf32, #tpu.memory_space<hbm>> -> memref<16x2048xf32, #tpu.memory_space<hbm>>
      %dma_start3A_227 = arith.constant 0 : i32
      %dma_start3A_228 = tpu.memref_slice %arg5[%add3A_64, %dma_start3A_227] : memref<8192x2048xf32, #tpu.memory_space<hbm>> -> memref<16x2048xf32, #tpu.memory_space<hbm>>
      tpu.enqueue_dma source(%arg8 : memref<16x2048xf32, #tpu.memory_space<vmem>>) target(%dma_start3A_228 : memref<16x2048xf32, #tpu.memory_space<hbm>>) target_semaphore(%run_scoped3A : memref<!tpu.dma_semaphore, #tpu.memory_space<semaphore_mem>>)
      %dma_wait3A_229 = arith.constant 0 : i32
      %dma_wait3A_230 = tpu.memref_slice %arg5[%add3A_64, %dma_wait3A_229] : memref<8192x2048xf32, #tpu.memory_space<hbm>> -> memref<16x2048xf32, #tpu.memory_space<hbm>>
      %dma_wait3A_231 = arith.constant 0 : i32
      %dma_wait3A_232 = tpu.memref_slice %arg5[%add3A_64, %dma_wait3A_231] : memref<8192x2048xf32, #tpu.memory_space<hbm>> -> memref<16x2048xf32, #tpu.memory_space<hbm>>
      tpu.wait_dma2 semaphore(%run_scoped3A : memref<!tpu.dma_semaphore, #tpu.memory_space<semaphore_mem>>) src(%arg8 : memref<16x2048xf32, #tpu.memory_space<vmem>>) dst(%dma_wait3A_232 : memref<16x2048xf32, #tpu.memory_space<hbm>>)
      tpu.yield
    }) : () -> ()
    %dma_wait3A_65 = arith.constant 0 : i32
    %dma_wait3A_66 = tpu.memref_slice %arg2[%add3A_58, %dma_wait3A_65] : memref<8192x2048xf32, #tpu.memory_space<hbm>> -> memref<16x2048xf32, #tpu.memory_space<hbm>>
    %dma_wait3A_67 = arith.constant 0 : i32
    %dma_wait3A_68 = tpu.memref_slice %arg2[%add3A_58, %dma_wait3A_67] : memref<8192x2048xf32, #tpu.memory_space<hbm>> -> memref<16x2048xf32, #tpu.memory_space<hbm>>
    tpu.wait_dma2 semaphore(%arg11 : memref<!tpu.dma_semaphore, #tpu.memory_space<semaphore_mem>>) src(%dma_wait3A_68 : memref<16x2048xf32, #tpu.memory_space<hbm>>) dst(%arg9 : memref<16x2048xf32, #tpu.memory_space<vmem>>)
    %add3A_69 = arith.constant 96 : i32
    %add3A_70 = arith.addi %mul3A_2, %add3A_69 : i32
    %dma_start3A_71 = arith.constant 0 : i32
    %dma_start3A_72 = tpu.memref_slice %arg2[%add3A_70, %dma_start3A_71] : memref<8192x2048xf32, #tpu.memory_space<hbm>> -> memref<16x2048xf32, #tpu.memory_space<hbm>>
    %dma_start3A_73 = arith.constant 0 : i32
    %dma_start3A_74 = tpu.memref_slice %arg2[%add3A_70, %dma_start3A_73] : memref<8192x2048xf32, #tpu.memory_space<hbm>> -> memref<16x2048xf32, #tpu.memory_space<hbm>>
    tpu.enqueue_dma source(%dma_start3A_74 : memref<16x2048xf32, #tpu.memory_space<hbm>>) target(%arg8 : memref<16x2048xf32, #tpu.memory_space<vmem>>) target_semaphore(%arg10 : memref<!tpu.dma_semaphore, #tpu.memory_space<semaphore_mem>>)
    %add3A_75 = arith.constant 80 : i32
    %add3A_76 = arith.addi %mul3A_2, %add3A_75 : i32
    "tpu.region"() ({
      %run_scoped3A = tpu.sem_alloc : memref<!tpu.dma_semaphore, #tpu.memory_space<semaphore_mem>>
      %dma_start3A_225 = arith.constant 0 : i32
      %dma_start3A_226 = tpu.memref_slice %arg5[%add3A_76, %dma_start3A_225] : memref<8192x2048xf32, #tpu.memory_space<hbm>> -> memref<16x2048xf32, #tpu.memory_space<hbm>>
      %dma_start3A_227 = arith.constant 0 : i32
      %dma_start3A_228 = tpu.memref_slice %arg5[%add3A_76, %dma_start3A_227] : memref<8192x2048xf32, #tpu.memory_space<hbm>> -> memref<16x2048xf32, #tpu.memory_space<hbm>>
      tpu.enqueue_dma source(%arg9 : memref<16x2048xf32, #tpu.memory_space<vmem>>) target(%dma_start3A_228 : memref<16x2048xf32, #tpu.memory_space<hbm>>) target_semaphore(%run_scoped3A : memref<!tpu.dma_semaphore, #tpu.memory_space<semaphore_mem>>)
      %dma_wait3A_229 = arith.constant 0 : i32
      %dma_wait3A_230 = tpu.memref_slice %arg5[%add3A_76, %dma_wait3A_229] : memref<8192x2048xf32, #tpu.memory_space<hbm>> -> memref<16x2048xf32, #tpu.memory_space<hbm>>
      %dma_wait3A_231 = arith.constant 0 : i32
      %dma_wait3A_232 = tpu.memref_slice %arg5[%add3A_76, %dma_wait3A_231] : memref<8192x2048xf32, #tpu.memory_space<hbm>> -> memref<16x2048xf32, #tpu.memory_space<hbm>>
      tpu.wait_dma2 semaphore(%run_scoped3A : memref<!tpu.dma_semaphore, #tpu.memory_space<semaphore_mem>>) src(%arg9 : memref<16x2048xf32, #tpu.memory_space<vmem>>) dst(%dma_wait3A_232 : memref<16x2048xf32, #tpu.memory_space<hbm>>)
      tpu.yield
    }) : () -> ()
    %dma_wait3A_77 = arith.constant 0 : i32
    %dma_wait3A_78 = tpu.memref_slice %arg2[%add3A_70, %dma_wait3A_77] : memref<8192x2048xf32, #tpu.memory_space<hbm>> -> memref<16x2048xf32, #tpu.memory_space<hbm>>
    %dma_wait3A_79 = arith.constant 0 : i32
    %dma_wait3A_80 = tpu.memref_slice %arg2[%add3A_70, %dma_wait3A_79] : memref<8192x2048xf32, #tpu.memory_space<hbm>> -> memref<16x2048xf32, #tpu.memory_space<hbm>>
    tpu.wait_dma2 semaphore(%arg10 : memref<!tpu.dma_semaphore, #tpu.memory_space<semaphore_mem>>) src(%dma_wait3A_80 : memref<16x2048xf32, #tpu.memory_space<hbm>>) dst(%arg8 : memref<16x2048xf32, #tpu.memory_space<vmem>>)
    %add3A_81 = arith.constant 112 : i32
    %add3A_82 = arith.addi %mul3A_2, %add3A_81 : i32
    %dma_start3A_83 = arith.constant 0 : i32
    %dma_start3A_84 = tpu.memref_slice %arg2[%add3A_82, %dma_start3A_83] : memref<8192x2048xf32, #tpu.memory_space<hbm>> -> memref<16x2048xf32, #tpu.memory_space<hbm>>
    %dma_start3A_85 = arith.constant 0 : i32
    %dma_start3A_86 = tpu.memref_slice %arg2[%add3A_82, %dma_start3A_85] : memref<8192x2048xf32, #tpu.memory_space<hbm>> -> memref<16x2048xf32, #tpu.memory_space<hbm>>
    tpu.enqueue_dma source(%dma_start3A_86 : memref<16x2048xf32, #tpu.memory_space<hbm>>) target(%arg9 : memref<16x2048xf32, #tpu.memory_space<vmem>>) target_semaphore(%arg11 : memref<!tpu.dma_semaphore, #tpu.memory_space<semaphore_mem>>)
    %add3A_87 = arith.constant 96 : i32
    %add3A_88 = arith.addi %mul3A_2, %add3A_87 : i32
    "tpu.region"() ({
      %run_scoped3A = tpu.sem_alloc : memref<!tpu.dma_semaphore, #tpu.memory_space<semaphore_mem>>
      %dma_start3A_225 = arith.constant 0 : i32
      %dma_start3A_226 = tpu.memref_slice %arg5[%add3A_88, %dma_start3A_225] : memref<8192x2048xf32, #tpu.memory_space<hbm>> -> memref<16x2048xf32, #tpu.memory_space<hbm>>
      %dma_start3A_227 = arith.constant 0 : i32
      %dma_start3A_228 = tpu.memref_slice %arg5[%add3A_88, %dma_start3A_227] : memref<8192x2048xf32, #tpu.memory_space<hbm>> -> memref<16x2048xf32, #tpu.memory_space<hbm>>
      tpu.enqueue_dma source(%arg8 : memref<16x2048xf32, #tpu.memory_space<vmem>>) target(%dma_start3A_228 : memref<16x2048xf32, #tpu.memory_space<hbm>>) target_semaphore(%run_scoped3A : memref<!tpu.dma_semaphore, #tpu.memory_space<semaphore_mem>>)
      %dma_wait3A_229 = arith.constant 0 : i32
      %dma_wait3A_230 = tpu.memref_slice %arg5[%add3A_88, %dma_wait3A_229] : memref<8192x2048xf32, #tpu.memory_space<hbm>> -> memref<16x2048xf32, #tpu.memory_space<hbm>>
      %dma_wait3A_231 = arith.constant 0 : i32
      %dma_wait3A_232 = tpu.memref_slice %arg5[%add3A_88, %dma_wait3A_231] : memref<8192x2048xf32, #tpu.memory_space<hbm>> -> memref<16x2048xf32, #tpu.memory_space<hbm>>
      tpu.wait_dma2 semaphore(%run_scoped3A : memref<!tpu.dma_semaphore, #tpu.memory_space<semaphore_mem>>) src(%arg8 : memref<16x2048xf32, #tpu.memory_space<vmem>>) dst(%dma_wait3A_232 : memref<16x2048xf32, #tpu.memory_space<hbm>>)
      tpu.yield
    }) : () -> ()
    %dma_wait3A_89 = arith.constant 0 : i32
    %dma_wait3A_90 = tpu.memref_slice %arg2[%add3A_82, %dma_wait3A_89] : memref<8192x2048xf32, #tpu.memory_space<hbm>> -> memref<16x2048xf32, #tpu.memory_space<hbm>>
    %dma_wait3A_91 = arith.constant 0 : i32
    %dma_wait3A_92 = tpu.memref_slice %arg2[%add3A_82, %dma_wait3A_91] : memref<8192x2048xf32, #tpu.memory_space<hbm>> -> memref<16x2048xf32, #tpu.memory_space<hbm>>
    tpu.wait_dma2 semaphore(%arg11 : memref<!tpu.dma_semaphore, #tpu.memory_space<semaphore_mem>>) src(%dma_wait3A_92 : memref<16x2048xf32, #tpu.memory_space<hbm>>) dst(%arg9 : memref<16x2048xf32, #tpu.memory_space<vmem>>)
    %add3A_93 = arith.constant 128 : i32
    %add3A_94 = arith.addi %mul3A_2, %add3A_93 : i32
    %dma_start3A_95 = arith.constant 0 : i32
    %dma_start3A_96 = tpu.memref_slice %arg2[%add3A_94, %dma_start3A_95] : memref<8192x2048xf32, #tpu.memory_space<hbm>> -> memref<16x2048xf32, #tpu.memory_space<hbm>>
    %dma_start3A_97 = arith.constant 0 : i32
    %dma_start3A_98 = tpu.memref_slice %arg2[%add3A_94, %dma_start3A_97] : memref<8192x2048xf32, #tpu.memory_space<hbm>> -> memref<16x2048xf32, #tpu.memory_space<hbm>>
    tpu.enqueue_dma source(%dma_start3A_98 : memref<16x2048xf32, #tpu.memory_space<hbm>>) target(%arg8 : memref<16x2048xf32, #tpu.memory_space<vmem>>) target_semaphore(%arg10 : memref<!tpu.dma_semaphore, #tpu.memory_space<semaphore_mem>>)
    %add3A_99 = arith.constant 112 : i32
    %add3A_100 = arith.addi %mul3A_2, %add3A_99 : i32
    "tpu.region"() ({
      %run_scoped3A = tpu.sem_alloc : memref<!tpu.dma_semaphore, #tpu.memory_space<semaphore_mem>>
      %dma_start3A_225 = arith.constant 0 : i32
      %dma_start3A_226 = tpu.memref_slice %arg5[%add3A_100, %dma_start3A_225] : memref<8192x2048xf32, #tpu.memory_space<hbm>> -> memref<16x2048xf32, #tpu.memory_space<hbm>>
      %dma_start3A_227 = arith.constant 0 : i32
      %dma_start3A_228 = tpu.memref_slice %arg5[%add3A_100, %dma_start3A_227] : memref<8192x2048xf32, #tpu.memory_space<hbm>> -> memref<16x2048xf32, #tpu.memory_space<hbm>>
      tpu.enqueue_dma source(%arg9 : memref<16x2048xf32, #tpu.memory_space<vmem>>) target(%dma_start3A_228 : memref<16x2048xf32, #tpu.memory_space<hbm>>) target_semaphore(%run_scoped3A : memref<!tpu.dma_semaphore, #tpu.memory_space<semaphore_mem>>)
      %dma_wait3A_229 = arith.constant 0 : i32
      %dma_wait3A_230 = tpu.memref_slice %arg5[%add3A_100, %dma_wait3A_229] : memref<8192x2048xf32, #tpu.memory_space<hbm>> -> memref<16x2048xf32, #tpu.memory_space<hbm>>
      %dma_wait3A_231 = arith.constant 0 : i32
      %dma_wait3A_232 = tpu.memref_slice %arg5[%add3A_100, %dma_wait3A_231] : memref<8192x2048xf32, #tpu.memory_space<hbm>> -> memref<16x2048xf32, #tpu.memory_space<hbm>>
      tpu.wait_dma2 semaphore(%run_scoped3A : memref<!tpu.dma_semaphore, #tpu.memory_space<semaphore_mem>>) src(%arg9 : memref<16x2048xf32, #tpu.memory_space<vmem>>) dst(%dma_wait3A_232 : memref<16x2048xf32, #tpu.memory_space<hbm>>)
      tpu.yield
    }) : () -> ()
    %dma_wait3A_101 = arith.constant 0 : i32
    %dma_wait3A_102 = tpu.memref_slice %arg2[%add3A_94, %dma_wait3A_101] : memref<8192x2048xf32, #tpu.memory_space<hbm>> -> memref<16x2048xf32, #tpu.memory_space<hbm>>
    %dma_wait3A_103 = arith.constant 0 : i32
    %dma_wait3A_104 = tpu.memref_slice %arg2[%add3A_94, %dma_wait3A_103] : memref<8192x2048xf32, #tpu.memory_space<hbm>> -> memref<16x2048xf32, #tpu.memory_space<hbm>>
    tpu.wait_dma2 semaphore(%arg10 : memref<!tpu.dma_semaphore, #tpu.memory_space<semaphore_mem>>) src(%dma_wait3A_104 : memref<16x2048xf32, #tpu.memory_space<hbm>>) dst(%arg8 : memref<16x2048xf32, #tpu.memory_space<vmem>>)
    %add3A_105 = arith.constant 144 : i32
    %add3A_106 = arith.addi %mul3A_2, %add3A_105 : i32
    %dma_start3A_107 = arith.constant 0 : i32
    %dma_start3A_108 = tpu.memref_slice %arg2[%add3A_106, %dma_start3A_107] : memref<8192x2048xf32, #tpu.memory_space<hbm>> -> memref<16x2048xf32, #tpu.memory_space<hbm>>
    %dma_start3A_109 = arith.constant 0 : i32
    %dma_start3A_110 = tpu.memref_slice %arg2[%add3A_106, %dma_start3A_109] : memref<8192x2048xf32, #tpu.memory_space<hbm>> -> memref<16x2048xf32, #tpu.memory_space<hbm>>
    tpu.enqueue_dma source(%dma_start3A_110 : memref<16x2048xf32, #tpu.memory_space<hbm>>) target(%arg9 : memref<16x2048xf32, #tpu.memory_space<vmem>>) target_semaphore(%arg11 : memref<!tpu.dma_semaphore, #tpu.memory_space<semaphore_mem>>)
    %add3A_111 = arith.constant 128 : i32
    %add3A_112 = arith.addi %mul3A_2, %add3A_111 : i32
    "tpu.region"() ({
      %run_scoped3A = tpu.sem_alloc : memref<!tpu.dma_semaphore, #tpu.memory_space<semaphore_mem>>
      %dma_start3A_225 = arith.constant 0 : i32
      %dma_start3A_226 = tpu.memref_slice %arg5[%add3A_112, %dma_start3A_225] : memref<8192x2048xf32, #tpu.memory_space<hbm>> -> memref<16x2048xf32, #tpu.memory_space<hbm>>
      %dma_start3A_227 = arith.constant 0 : i32
      %dma_start3A_228 = tpu.memref_slice %arg5[%add3A_112, %dma_start3A_227] : memref<8192x2048xf32, #tpu.memory_space<hbm>> -> memref<16x2048xf32, #tpu.memory_space<hbm>>
      tpu.enqueue_dma source(%arg8 : memref<16x2048xf32, #tpu.memory_space<vmem>>) target(%dma_start3A_228 : memref<16x2048xf32, #tpu.memory_space<hbm>>) target_semaphore(%run_scoped3A : memref<!tpu.dma_semaphore, #tpu.memory_space<semaphore_mem>>)
      %dma_wait3A_229 = arith.constant 0 : i32
      %dma_wait3A_230 = tpu.memref_slice %arg5[%add3A_112, %dma_wait3A_229] : memref<8192x2048xf32, #tpu.memory_space<hbm>> -> memref<16x2048xf32, #tpu.memory_space<hbm>>
      %dma_wait3A_231 = arith.constant 0 : i32
      %dma_wait3A_232 = tpu.memref_slice %arg5[%add3A_112, %dma_wait3A_231] : memref<8192x2048xf32, #tpu.memory_space<hbm>> -> memref<16x2048xf32, #tpu.memory_space<hbm>>
      tpu.wait_dma2 semaphore(%run_scoped3A : memref<!tpu.dma_semaphore, #tpu.memory_space<semaphore_mem>>) src(%arg8 : memref<16x2048xf32, #tpu.memory_space<vmem>>) dst(%dma_wait3A_232 : memref<16x2048xf32, #tpu.memory_space<hbm>>)
      tpu.yield
    }) : () -> ()
    %dma_wait3A_113 = arith.constant 0 : i32
    %dma_wait3A_114 = tpu.memref_slice %arg2[%add3A_106, %dma_wait3A_113] : memref<8192x2048xf32, #tpu.memory_space<hbm>> -> memref<16x2048xf32, #tpu.memory_space<hbm>>
    %dma_wait3A_115 = arith.constant 0 : i32
    %dma_wait3A_116 = tpu.memref_slice %arg2[%add3A_106, %dma_wait3A_115] : memref<8192x2048xf32, #tpu.memory_space<hbm>> -> memref<16x2048xf32, #tpu.memory_space<hbm>>
    tpu.wait_dma2 semaphore(%arg11 : memref<!tpu.dma_semaphore, #tpu.memory_space<semaphore_mem>>) src(%dma_wait3A_116 : memref<16x2048xf32, #tpu.memory_space<hbm>>) dst(%arg9 : memref<16x2048xf32, #tpu.memory_space<vmem>>)
    %add3A_117 = arith.constant 160 : i32
    %add3A_118 = arith.addi %mul3A_2, %add3A_117 : i32
    %dma_start3A_119 = arith.constant 0 : i32
    %dma_start3A_120 = tpu.memref_slice %arg2[%add3A_118, %dma_start3A_119] : memref<8192x2048xf32, #tpu.memory_space<hbm>> -> memref<16x2048xf32, #tpu.memory_space<hbm>>
    %dma_start3A_121 = arith.constant 0 : i32
    %dma_start3A_122 = tpu.memref_slice %arg2[%add3A_118, %dma_start3A_121] : memref<8192x2048xf32, #tpu.memory_space<hbm>> -> memref<16x2048xf32, #tpu.memory_space<hbm>>
    tpu.enqueue_dma source(%dma_start3A_122 : memref<16x2048xf32, #tpu.memory_space<hbm>>) target(%arg8 : memref<16x2048xf32, #tpu.memory_space<vmem>>) target_semaphore(%arg10 : memref<!tpu.dma_semaphore, #tpu.memory_space<semaphore_mem>>)
    %add3A_123 = arith.constant 144 : i32
    %add3A_124 = arith.addi %mul3A_2, %add3A_123 : i32
    "tpu.region"() ({
      %run_scoped3A = tpu.sem_alloc : memref<!tpu.dma_semaphore, #tpu.memory_space<semaphore_mem>>
      %dma_start3A_225 = arith.constant 0 : i32
      %dma_start3A_226 = tpu.memref_slice %arg5[%add3A_124, %dma_start3A_225] : memref<8192x2048xf32, #tpu.memory_space<hbm>> -> memref<16x2048xf32, #tpu.memory_space<hbm>>
      %dma_start3A_227 = arith.constant 0 : i32
      %dma_start3A_228 = tpu.memref_slice %arg5[%add3A_124, %dma_start3A_227] : memref<8192x2048xf32, #tpu.memory_space<hbm>> -> memref<16x2048xf32, #tpu.memory_space<hbm>>
      tpu.enqueue_dma source(%arg9 : memref<16x2048xf32, #tpu.memory_space<vmem>>) target(%dma_start3A_228 : memref<16x2048xf32, #tpu.memory_space<hbm>>) target_semaphore(%run_scoped3A : memref<!tpu.dma_semaphore, #tpu.memory_space<semaphore_mem>>)
      %dma_wait3A_229 = arith.constant 0 : i32
      %dma_wait3A_230 = tpu.memref_slice %arg5[%add3A_124, %dma_wait3A_229] : memref<8192x2048xf32, #tpu.memory_space<hbm>> -> memref<16x2048xf32, #tpu.memory_space<hbm>>
      %dma_wait3A_231 = arith.constant 0 : i32
      %dma_wait3A_232 = tpu.memref_slice %arg5[%add3A_124, %dma_wait3A_231] : memref<8192x2048xf32, #tpu.memory_space<hbm>> -> memref<16x2048xf32, #tpu.memory_space<hbm>>
      tpu.wait_dma2 semaphore(%run_scoped3A : memref<!tpu.dma_semaphore, #tpu.memory_space<semaphore_mem>>) src(%arg9 : memref<16x2048xf32, #tpu.memory_space<vmem>>) dst(%dma_wait3A_232 : memref<16x2048xf32, #tpu.memory_space<hbm>>)
      tpu.yield
    }) : () -> ()
    %dma_wait3A_125 = arith.constant 0 : i32
    %dma_wait3A_126 = tpu.memref_slice %arg2[%add3A_118, %dma_wait3A_125] : memref<8192x2048xf32, #tpu.memory_space<hbm>> -> memref<16x2048xf32, #tpu.memory_space<hbm>>
    %dma_wait3A_127 = arith.constant 0 : i32
    %dma_wait3A_128 = tpu.memref_slice %arg2[%add3A_118, %dma_wait3A_127] : memref<8192x2048xf32, #tpu.memory_space<hbm>> -> memref<16x2048xf32, #tpu.memory_space<hbm>>
    tpu.wait_dma2 semaphore(%arg10 : memref<!tpu.dma_semaphore, #tpu.memory_space<semaphore_mem>>) src(%dma_wait3A_128 : memref<16x2048xf32, #tpu.memory_space<hbm>>) dst(%arg8 : memref<16x2048xf32, #tpu.memory_space<vmem>>)
    %add3A_129 = arith.constant 176 : i32
    %add3A_130 = arith.addi %mul3A_2, %add3A_129 : i32
    %dma_start3A_131 = arith.constant 0 : i32
    %dma_start3A_132 = tpu.memref_slice %arg2[%add3A_130, %dma_start3A_131] : memref<8192x2048xf32, #tpu.memory_space<hbm>> -> memref<16x2048xf32, #tpu.memory_space<hbm>>
    %dma_start3A_133 = arith.constant 0 : i32
    %dma_start3A_134 = tpu.memref_slice %arg2[%add3A_130, %dma_start3A_133] : memref<8192x2048xf32, #tpu.memory_space<hbm>> -> memref<16x2048xf32, #tpu.memory_space<hbm>>
    tpu.enqueue_dma source(%dma_start3A_134 : memref<16x2048xf32, #tpu.memory_space<hbm>>) target(%arg9 : memref<16x2048xf32, #tpu.memory_space<vmem>>) target_semaphore(%arg11 : memref<!tpu.dma_semaphore, #tpu.memory_space<semaphore_mem>>)
    %add3A_135 = arith.constant 160 : i32
    %add3A_136 = arith.addi %mul3A_2, %add3A_135 : i32
    "tpu.region"() ({
      %run_scoped3A = tpu.sem_alloc : memref<!tpu.dma_semaphore, #tpu.memory_space<semaphore_mem>>
      %dma_start3A_225 = arith.constant 0 : i32
      %dma_start3A_226 = tpu.memref_slice %arg5[%add3A_136, %dma_start3A_225] : memref<8192x2048xf32, #tpu.memory_space<hbm>> -> memref<16x2048xf32, #tpu.memory_space<hbm>>
      %dma_start3A_227 = arith.constant 0 : i32
      %dma_start3A_228 = tpu.memref_slice %arg5[%add3A_136, %dma_start3A_227] : memref<8192x2048xf32, #tpu.memory_space<hbm>> -> memref<16x2048xf32, #tpu.memory_space<hbm>>
      tpu.enqueue_dma source(%arg8 : memref<16x2048xf32, #tpu.memory_space<vmem>>) target(%dma_start3A_228 : memref<16x2048xf32, #tpu.memory_space<hbm>>) target_semaphore(%run_scoped3A : memref<!tpu.dma_semaphore, #tpu.memory_space<semaphore_mem>>)
      %dma_wait3A_229 = arith.constant 0 : i32
      %dma_wait3A_230 = tpu.memref_slice %arg5[%add3A_136, %dma_wait3A_229] : memref<8192x2048xf32, #tpu.memory_space<hbm>> -> memref<16x2048xf32, #tpu.memory_space<hbm>>
      %dma_wait3A_231 = arith.constant 0 : i32
      %dma_wait3A_232 = tpu.memref_slice %arg5[%add3A_136, %dma_wait3A_231] : memref<8192x2048xf32, #tpu.memory_space<hbm>> -> memref<16x2048xf32, #tpu.memory_space<hbm>>
      tpu.wait_dma2 semaphore(%run_scoped3A : memref<!tpu.dma_semaphore, #tpu.memory_space<semaphore_mem>>) src(%arg8 : memref<16x2048xf32, #tpu.memory_space<vmem>>) dst(%dma_wait3A_232 : memref<16x2048xf32, #tpu.memory_space<hbm>>)
      tpu.yield
    }) : () -> ()
    %dma_wait3A_137 = arith.constant 0 : i32
    %dma_wait3A_138 = tpu.memref_slice %arg2[%add3A_130, %dma_wait3A_137] : memref<8192x2048xf32, #tpu.memory_space<hbm>> -> memref<16x2048xf32, #tpu.memory_space<hbm>>
    %dma_wait3A_139 = arith.constant 0 : i32
    %dma_wait3A_140 = tpu.memref_slice %arg2[%add3A_130, %dma_wait3A_139] : memref<8192x2048xf32, #tpu.memory_space<hbm>> -> memref<16x2048xf32, #tpu.memory_space<hbm>>
    tpu.wait_dma2 semaphore(%arg11 : memref<!tpu.dma_semaphore, #tpu.memory_space<semaphore_mem>>) src(%dma_wait3A_140 : memref<16x2048xf32, #tpu.memory_space<hbm>>) dst(%arg9 : memref<16x2048xf32, #tpu.memory_space<vmem>>)
    %add3A_141 = arith.constant 192 : i32
    %add3A_142 = arith.addi %mul3A_2, %add3A_141 : i32
    %dma_start3A_143 = arith.constant 0 : i32
    %dma_start3A_144 = tpu.memref_slice %arg2[%add3A_142, %dma_start3A_143] : memref<8192x2048xf32, #tpu.memory_space<hbm>> -> memref<16x2048xf32, #tpu.memory_space<hbm>>
    %dma_start3A_145 = arith.constant 0 : i32
    %dma_start3A_146 = tpu.memref_slice %arg2[%add3A_142, %dma_start3A_145] : memref<8192x2048xf32, #tpu.memory_space<hbm>> -> memref<16x2048xf32, #tpu.memory_space<hbm>>
    tpu.enqueue_dma source(%dma_start3A_146 : memref<16x2048xf32, #tpu.memory_space<hbm>>) target(%arg8 : memref<16x2048xf32, #tpu.memory_space<vmem>>) target_semaphore(%arg10 : memref<!tpu.dma_semaphore, #tpu.memory_space<semaphore_mem>>)
    %add3A_147 = arith.constant 176 : i32
    %add3A_148 = arith.addi %mul3A_2, %add3A_147 : i32
    "tpu.region"() ({
      %run_scoped3A = tpu.sem_alloc : memref<!tpu.dma_semaphore, #tpu.memory_space<semaphore_mem>>
      %dma_start3A_225 = arith.constant 0 : i32
      %dma_start3A_226 = tpu.memref_slice %arg5[%add3A_148, %dma_start3A_225] : memref<8192x2048xf32, #tpu.memory_space<hbm>> -> memref<16x2048xf32, #tpu.memory_space<hbm>>
      %dma_start3A_227 = arith.constant 0 : i32
      %dma_start3A_228 = tpu.memref_slice %arg5[%add3A_148, %dma_start3A_227] : memref<8192x2048xf32, #tpu.memory_space<hbm>> -> memref<16x2048xf32, #tpu.memory_space<hbm>>
      tpu.enqueue_dma source(%arg9 : memref<16x2048xf32, #tpu.memory_space<vmem>>) target(%dma_start3A_228 : memref<16x2048xf32, #tpu.memory_space<hbm>>) target_semaphore(%run_scoped3A : memref<!tpu.dma_semaphore, #tpu.memory_space<semaphore_mem>>)
      %dma_wait3A_229 = arith.constant 0 : i32
      %dma_wait3A_230 = tpu.memref_slice %arg5[%add3A_148, %dma_wait3A_229] : memref<8192x2048xf32, #tpu.memory_space<hbm>> -> memref<16x2048xf32, #tpu.memory_space<hbm>>
      %dma_wait3A_231 = arith.constant 0 : i32
      %dma_wait3A_232 = tpu.memref_slice %arg5[%add3A_148, %dma_wait3A_231] : memref<8192x2048xf32, #tpu.memory_space<hbm>> -> memref<16x2048xf32, #tpu.memory_space<hbm>>
      tpu.wait_dma2 semaphore(%run_scoped3A : memref<!tpu.dma_semaphore, #tpu.memory_space<semaphore_mem>>) src(%arg9 : memref<16x2048xf32, #tpu.memory_space<vmem>>) dst(%dma_wait3A_232 : memref<16x2048xf32, #tpu.memory_space<hbm>>)
      tpu.yield
    }) : () -> ()
    %dma_wait3A_149 = arith.constant 0 : i32
    %dma_wait3A_150 = tpu.memref_slice %arg2[%add3A_142, %dma_wait3A_149] : memref<8192x2048xf32, #tpu.memory_space<hbm>> -> memref<16x2048xf32, #tpu.memory_space<hbm>>
    %dma_wait3A_151 = arith.constant 0 : i32
    %dma_wait3A_152 = tpu.memref_slice %arg2[%add3A_142, %dma_wait3A_151] : memref<8192x2048xf32, #tpu.memory_space<hbm>> -> memref<16x2048xf32, #tpu.memory_space<hbm>>
    tpu.wait_dma2 semaphore(%arg10 : memref<!tpu.dma_semaphore, #tpu.memory_space<semaphore_mem>>) src(%dma_wait3A_152 : memref<16x2048xf32, #tpu.memory_space<hbm>>) dst(%arg8 : memref<16x2048xf32, #tpu.memory_space<vmem>>)
    %add3A_153 = arith.constant 208 : i32
    %add3A_154 = arith.addi %mul3A_2, %add3A_153 : i32
    %dma_start3A_155 = arith.constant 0 : i32
    %dma_start3A_156 = tpu.memref_slice %arg2[%add3A_154, %dma_start3A_155] : memref<8192x2048xf32, #tpu.memory_space<hbm>> -> memref<16x2048xf32, #tpu.memory_space<hbm>>
    %dma_start3A_157 = arith.constant 0 : i32
    %dma_start3A_158 = tpu.memref_slice %arg2[%add3A_154, %dma_start3A_157] : memref<8192x2048xf32, #tpu.memory_space<hbm>> -> memref<16x2048xf32, #tpu.memory_space<hbm>>
    tpu.enqueue_dma source(%dma_start3A_158 : memref<16x2048xf32, #tpu.memory_space<hbm>>) target(%arg9 : memref<16x2048xf32, #tpu.memory_space<vmem>>) target_semaphore(%arg11 : memref<!tpu.dma_semaphore, #tpu.memory_space<semaphore_mem>>)
    %add3A_159 = arith.constant 192 : i32
    %add3A_160 = arith.addi %mul3A_2, %add3A_159 : i32
    "tpu.region"() ({
      %run_scoped3A = tpu.sem_alloc : memref<!tpu.dma_semaphore, #tpu.memory_space<semaphore_mem>>
      %dma_start3A_225 = arith.constant 0 : i32
      %dma_start3A_226 = tpu.memref_slice %arg5[%add3A_160, %dma_start3A_225] : memref<8192x2048xf32, #tpu.memory_space<hbm>> -> memref<16x2048xf32, #tpu.memory_space<hbm>>
      %dma_start3A_227 = arith.constant 0 : i32
      %dma_start3A_228 = tpu.memref_slice %arg5[%add3A_160, %dma_start3A_227] : memref<8192x2048xf32, #tpu.memory_space<hbm>> -> memref<16x2048xf32, #tpu.memory_space<hbm>>
      tpu.enqueue_dma source(%arg8 : memref<16x2048xf32, #tpu.memory_space<vmem>>) target(%dma_start3A_228 : memref<16x2048xf32, #tpu.memory_space<hbm>>) target_semaphore(%run_scoped3A : memref<!tpu.dma_semaphore, #tpu.memory_space<semaphore_mem>>)
      %dma_wait3A_229 = arith.constant 0 : i32
      %dma_wait3A_230 = tpu.memref_slice %arg5[%add3A_160, %dma_wait3A_229] : memref<8192x2048xf32, #tpu.memory_space<hbm>> -> memref<16x2048xf32, #tpu.memory_space<hbm>>
      %dma_wait3A_231 = arith.constant 0 : i32
      %dma_wait3A_232 = tpu.memref_slice %arg5[%add3A_160, %dma_wait3A_231] : memref<8192x2048xf32, #tpu.memory_space<hbm>> -> memref<16x2048xf32, #tpu.memory_space<hbm>>
      tpu.wait_dma2 semaphore(%run_scoped3A : memref<!tpu.dma_semaphore, #tpu.memory_space<semaphore_mem>>) src(%arg8 : memref<16x2048xf32, #tpu.memory_space<vmem>>) dst(%dma_wait3A_232 : memref<16x2048xf32, #tpu.memory_space<hbm>>)
      tpu.yield
    }) : () -> ()
    %dma_wait3A_161 = arith.constant 0 : i32
    %dma_wait3A_162 = tpu.memref_slice %arg2[%add3A_154, %dma_wait3A_161] : memref<8192x2048xf32, #tpu.memory_space<hbm>> -> memref<16x2048xf32, #tpu.memory_space<hbm>>
    %dma_wait3A_163 = arith.constant 0 : i32
    %dma_wait3A_164 = tpu.memref_slice %arg2[%add3A_154, %dma_wait3A_163] : memref<8192x2048xf32, #tpu.memory_space<hbm>> -> memref<16x2048xf32, #tpu.memory_space<hbm>>
    tpu.wait_dma2 semaphore(%arg11 : memref<!tpu.dma_semaphore, #tpu.memory_space<semaphore_mem>>) src(%dma_wait3A_164 : memref<16x2048xf32, #tpu.memory_space<hbm>>) dst(%arg9 : memref<16x2048xf32, #tpu.memory_space<vmem>>)
    %add3A_165 = arith.constant 224 : i32
    %add3A_166 = arith.addi %mul3A_2, %add3A_165 : i32
    %dma_start3A_167 = arith.constant 0 : i32
    %dma_start3A_168 = tpu.memref_slice %arg2[%add3A_166, %dma_start3A_167] : memref<8192x2048xf32, #tpu.memory_space<hbm>> -> memref<16x2048xf32, #tpu.memory_space<hbm>>
    %dma_start3A_169 = arith.constant 0 : i32
    %dma_start3A_170 = tpu.memref_slice %arg2[%add3A_166, %dma_start3A_169] : memref<8192x2048xf32, #tpu.memory_space<hbm>> -> memref<16x2048xf32, #tpu.memory_space<hbm>>
    tpu.enqueue_dma source(%dma_start3A_170 : memref<16x2048xf32, #tpu.memory_space<hbm>>) target(%arg8 : memref<16x2048xf32, #tpu.memory_space<vmem>>) target_semaphore(%arg10 : memref<!tpu.dma_semaphore, #tpu.memory_space<semaphore_mem>>)
    %add3A_171 = arith.constant 208 : i32
    %add3A_172 = arith.addi %mul3A_2, %add3A_171 : i32
    "tpu.region"() ({
      %run_scoped3A = tpu.sem_alloc : memref<!tpu.dma_semaphore, #tpu.memory_space<semaphore_mem>>
      %dma_start3A_225 = arith.constant 0 : i32
      %dma_start3A_226 = tpu.memref_slice %arg5[%add3A_172, %dma_start3A_225] : memref<8192x2048xf32, #tpu.memory_space<hbm>> -> memref<16x2048xf32, #tpu.memory_space<hbm>>
      %dma_start3A_227 = arith.constant 0 : i32
      %dma_start3A_228 = tpu.memref_slice %arg5[%add3A_172, %dma_start3A_227] : memref<8192x2048xf32, #tpu.memory_space<hbm>> -> memref<16x2048xf32, #tpu.memory_space<hbm>>
      tpu.enqueue_dma source(%arg9 : memref<16x2048xf32, #tpu.memory_space<vmem>>) target(%dma_start3A_228 : memref<16x2048xf32, #tpu.memory_space<hbm>>) target_semaphore(%run_scoped3A : memref<!tpu.dma_semaphore, #tpu.memory_space<semaphore_mem>>)
      %dma_wait3A_229 = arith.constant 0 : i32
      %dma_wait3A_230 = tpu.memref_slice %arg5[%add3A_172, %dma_wait3A_229] : memref<8192x2048xf32, #tpu.memory_space<hbm>> -> memref<16x2048xf32, #tpu.memory_space<hbm>>
      %dma_wait3A_231 = arith.constant 0 : i32
      %dma_wait3A_232 = tpu.memref_slice %arg5[%add3A_172, %dma_wait3A_231] : memref<8192x2048xf32, #tpu.memory_space<hbm>> -> memref<16x2048xf32, #tpu.memory_space<hbm>>
      tpu.wait_dma2 semaphore(%run_scoped3A : memref<!tpu.dma_semaphore, #tpu.memory_space<semaphore_mem>>) src(%arg9 : memref<16x2048xf32, #tpu.memory_space<vmem>>) dst(%dma_wait3A_232 : memref<16x2048xf32, #tpu.memory_space<hbm>>)
      tpu.yield
    }) : () -> ()
    %dma_wait3A_173 = arith.constant 0 : i32
    %dma_wait3A_174 = tpu.memref_slice %arg2[%add3A_166, %dma_wait3A_173] : memref<8192x2048xf32, #tpu.memory_space<hbm>> -> memref<16x2048xf32, #tpu.memory_space<hbm>>
    %dma_wait3A_175 = arith.constant 0 : i32
    %dma_wait3A_176 = tpu.memref_slice %arg2[%add3A_166, %dma_wait3A_175] : memref<8192x2048xf32, #tpu.memory_space<hbm>> -> memref<16x2048xf32, #tpu.memory_space<hbm>>
    tpu.wait_dma2 semaphore(%arg10 : memref<!tpu.dma_semaphore, #tpu.memory_space<semaphore_mem>>) src(%dma_wait3A_176 : memref<16x2048xf32, #tpu.memory_space<hbm>>) dst(%arg8 : memref<16x2048xf32, #tpu.memory_space<vmem>>)
    %add3A_177 = arith.constant 240 : i32
    %add3A_178 = arith.addi %mul3A_2, %add3A_177 : i32
    %dma_start3A_179 = arith.constant 0 : i32
    %dma_start3A_180 = tpu.memref_slice %arg2[%add3A_178, %dma_start3A_179] : memref<8192x2048xf32, #tpu.memory_space<hbm>> -> memref<16x2048xf32, #tpu.memory_space<hbm>>
    %dma_start3A_181 = arith.constant 0 : i32
    %dma_start3A_182 = tpu.memref_slice %arg2[%add3A_178, %dma_start3A_181] : memref<8192x2048xf32, #tpu.memory_space<hbm>> -> memref<16x2048xf32, #tpu.memory_space<hbm>>
    tpu.enqueue_dma source(%dma_start3A_182 : memref<16x2048xf32, #tpu.memory_space<hbm>>) target(%arg9 : memref<16x2048xf32, #tpu.memory_space<vmem>>) target_semaphore(%arg11 : memref<!tpu.dma_semaphore, #tpu.memory_space<semaphore_mem>>)
    %add3A_183 = arith.constant 224 : i32
    %add3A_184 = arith.addi %mul3A_2, %add3A_183 : i32
    "tpu.region"() ({
      %run_scoped3A = tpu.sem_alloc : memref<!tpu.dma_semaphore, #tpu.memory_space<semaphore_mem>>
      %dma_start3A_225 = arith.constant 0 : i32
      %dma_start3A_226 = tpu.memref_slice %arg5[%add3A_184, %dma_start3A_225] : memref<8192x2048xf32, #tpu.memory_space<hbm>> -> memref<16x2048xf32, #tpu.memory_space<hbm>>
      %dma_start3A_227 = arith.constant 0 : i32
      %dma_start3A_228 = tpu.memref_slice %arg5[%add3A_184, %dma_start3A_227] : memref<8192x2048xf32, #tpu.memory_space<hbm>> -> memref<16x2048xf32, #tpu.memory_space<hbm>>
      tpu.enqueue_dma source(%arg8 : memref<16x2048xf32, #tpu.memory_space<vmem>>) target(%dma_start3A_228 : memref<16x2048xf32, #tpu.memory_space<hbm>>) target_semaphore(%run_scoped3A : memref<!tpu.dma_semaphore, #tpu.memory_space<semaphore_mem>>)
      %dma_wait3A_229 = arith.constant 0 : i32
      %dma_wait3A_230 = tpu.memref_slice %arg5[%add3A_184, %dma_wait3A_229] : memref<8192x2048xf32, #tpu.memory_space<hbm>> -> memref<16x2048xf32, #tpu.memory_space<hbm>>
      %dma_wait3A_231 = arith.constant 0 : i32
      %dma_wait3A_232 = tpu.memref_slice %arg5[%add3A_184, %dma_wait3A_231] : memref<8192x2048xf32, #tpu.memory_space<hbm>> -> memref<16x2048xf32, #tpu.memory_space<hbm>>
      tpu.wait_dma2 semaphore(%run_scoped3A : memref<!tpu.dma_semaphore, #tpu.memory_space<semaphore_mem>>) src(%arg8 : memref<16x2048xf32, #tpu.memory_space<vmem>>) dst(%dma_wait3A_232 : memref<16x2048xf32, #tpu.memory_space<hbm>>)
      tpu.yield
    }) : () -> ()
    %dma_wait3A_185 = arith.constant 0 : i32
    %dma_wait3A_186 = tpu.memref_slice %arg2[%add3A_178, %dma_wait3A_185] : memref<8192x2048xf32, #tpu.memory_space<hbm>> -> memref<16x2048xf32, #tpu.memory_space<hbm>>
    %dma_wait3A_187 = arith.constant 0 : i32
    %dma_wait3A_188 = tpu.memref_slice %arg2[%add3A_178, %dma_wait3A_187] : memref<8192x2048xf32, #tpu.memory_space<hbm>> -> memref<16x2048xf32, #tpu.memory_space<hbm>>
    tpu.wait_dma2 semaphore(%arg11 : memref<!tpu.dma_semaphore, #tpu.memory_space<semaphore_mem>>) src(%dma_wait3A_188 : memref<16x2048xf32, #tpu.memory_space<hbm>>) dst(%arg9 : memref<16x2048xf32, #tpu.memory_space<vmem>>)
    %add3A_189 = arith.constant 240 : i32
    %add3A_190 = arith.addi %mul3A_2, %add3A_189 : i32
    "tpu.region"() ({
      %run_scoped3A = tpu.sem_alloc : memref<!tpu.dma_semaphore, #tpu.memory_space<semaphore_mem>>
      %dma_start3A_225 = arith.constant 0 : i32
      %dma_start3A_226 = tpu.memref_slice %arg5[%add3A_190, %dma_start3A_225] : memref<8192x2048xf32, #tpu.memory_space<hbm>> -> memref<16x2048xf32, #tpu.memory_space<hbm>>
      %dma_start3A_227 = arith.constant 0 : i32
      %dma_start3A_228 = tpu.memref_slice %arg5[%add3A_190, %dma_start3A_227] : memref<8192x2048xf32, #tpu.memory_space<hbm>> -> memref<16x2048xf32, #tpu.memory_space<hbm>>
      tpu.enqueue_dma source(%arg9 : memref<16x2048xf32, #tpu.memory_space<vmem>>) target(%dma_start3A_228 : memref<16x2048xf32, #tpu.memory_space<hbm>>) target_semaphore(%run_scoped3A : memref<!tpu.dma_semaphore, #tpu.memory_space<semaphore_mem>>)
      %dma_wait3A_229 = arith.constant 0 : i32
      %dma_wait3A_230 = tpu.memref_slice %arg5[%add3A_190, %dma_wait3A_229] : memref<8192x2048xf32, #tpu.memory_space<hbm>> -> memref<16x2048xf32, #tpu.memory_space<hbm>>
      %dma_wait3A_231 = arith.constant 0 : i32
      %dma_wait3A_232 = tpu.memref_slice %arg5[%add3A_190, %dma_wait3A_231] : memref<8192x2048xf32, #tpu.memory_space<hbm>> -> memref<16x2048xf32, #tpu.memory_space<hbm>>
      tpu.wait_dma2 semaphore(%run_scoped3A : memref<!tpu.dma_semaphore, #tpu.memory_space<semaphore_mem>>) src(%arg9 : memref<16x2048xf32, #tpu.memory_space<vmem>>) dst(%dma_wait3A_232 : memref<16x2048xf32, #tpu.memory_space<hbm>>)
      tpu.yield
    }) : () -> ()
    %barrier3A = arith.constant 0 : index
    tpu.barrier barrier_id(%barrier3A)
    %mul3A_191 = arith.constant 32 : i32
    %mul3A_192 = arith.muli %add3A, %mul3A_191 : i32
    %dma_start3A_193 = arith.constant 0 : i32
    %dma_start3A_194 = tpu.memref_slice %arg3[%mul3A_192, %dma_start3A_193] : memref<1024x2048xf32, #tpu.memory_space<hbm>> -> memref<16x2048xf32, #tpu.memory_space<hbm>>
    %dma_start3A_195 = arith.constant 0 : i32
    %dma_start3A_196 = tpu.memref_slice %arg3[%mul3A_192, %dma_start3A_195] : memref<1024x2048xf32, #tpu.memory_space<hbm>> -> memref<16x2048xf32, #tpu.memory_space<hbm>>
    tpu.enqueue_dma source(%dma_start3A_196 : memref<16x2048xf32, #tpu.memory_space<hbm>>) target(%arg8 : memref<16x2048xf32, #tpu.memory_space<vmem>>) target_semaphore(%arg10 : memref<!tpu.dma_semaphore, #tpu.memory_space<semaphore_mem>>)
    %dma_wait3A_197 = arith.constant 0 : i32
    %dma_wait3A_198 = tpu.memref_slice %arg3[%mul3A_192, %dma_wait3A_197] : memref<1024x2048xf32, #tpu.memory_space<hbm>> -> memref<16x2048xf32, #tpu.memory_space<hbm>>
    %dma_wait3A_199 = arith.constant 0 : i32
    %dma_wait3A_200 = tpu.memref_slice %arg3[%mul3A_192, %dma_wait3A_199] : memref<1024x2048xf32, #tpu.memory_space<hbm>> -> memref<16x2048xf32, #tpu.memory_space<hbm>>
    tpu.wait_dma2 semaphore(%arg10 : memref<!tpu.dma_semaphore, #tpu.memory_space<semaphore_mem>>) src(%dma_wait3A_200 : memref<16x2048xf32, #tpu.memory_space<hbm>>) dst(%arg8 : memref<16x2048xf32, #tpu.memory_space<vmem>>)
    %mul3A_201 = arith.constant 32 : i32
    %mul3A_202 = arith.muli %add3A, %mul3A_201 : i32
    %add3A_203 = arith.constant 16 : i32
    %add3A_204 = arith.addi %mul3A_202, %add3A_203 : i32
    %dma_start3A_205 = arith.constant 0 : i32
    %dma_start3A_206 = tpu.memref_slice %arg3[%add3A_204, %dma_start3A_205] : memref<1024x2048xf32, #tpu.memory_space<hbm>> -> memref<16x2048xf32, #tpu.memory_space<hbm>>
    %dma_start3A_207 = arith.constant 0 : i32
    %dma_start3A_208 = tpu.memref_slice %arg3[%add3A_204, %dma_start3A_207] : memref<1024x2048xf32, #tpu.memory_space<hbm>> -> memref<16x2048xf32, #tpu.memory_space<hbm>>
    tpu.enqueue_dma source(%dma_start3A_208 : memref<16x2048xf32, #tpu.memory_space<hbm>>) target(%arg9 : memref<16x2048xf32, #tpu.memory_space<vmem>>) target_semaphore(%arg11 : memref<!tpu.dma_semaphore, #tpu.memory_space<semaphore_mem>>)
    %dma_start3A_209 = arith.constant 0 : i32
    %dma_start3A_210 = arith.constant 0 : i32
    %dma_start3A_211 = tpu.memref_slice %arg5[%dma_start3A_209, %dma_start3A_210] : memref<8192x2048xf32, #tpu.memory_space<hbm>> -> memref<8192x2048xf32, #tpu.memory_space<hbm>>
    tpu.enqueue_indirect_dma source(%arg8 : memref<16x2048xf32, #tpu.memory_space<vmem>>) target(%dma_start3A_211 : memref<8192x2048xf32, #tpu.memory_space<hbm>>) offsets(%arg6 : memref<16xi32, #tpu.memory_space<vmem>>) semaphore(%arg10 : memref<!tpu.dma_semaphore, #tpu.memory_space<semaphore_mem>>)
    %dma_wait3A_212 = arith.constant 0 : i32
    %dma_wait3A_213 = arith.constant 0 : i32
    %dma_wait3A_214 = tpu.memref_slice %arg5[%dma_wait3A_212, %dma_wait3A_213] : memref<8192x2048xf32, #tpu.memory_space<hbm>> -> memref<8192x2048xf32, #tpu.memory_space<hbm>>
    tpu.wait_indirect_dma semaphore(%arg10 : memref<!tpu.dma_semaphore, #tpu.memory_space<semaphore_mem>>) src(%arg8 : memref<16x2048xf32, #tpu.memory_space<vmem>>) dst(%dma_wait3A_214 : memref<8192x2048xf32, #tpu.memory_space<hbm>>)
    %dma_wait3A_215 = arith.constant 0 : i32
    %dma_wait3A_216 = tpu.memref_slice %arg3[%add3A_204, %dma_wait3A_215] : memref<1024x2048xf32, #tpu.memory_space<hbm>> -> memref<16x2048xf32, #tpu.memory_space<hbm>>
    %dma_wait3A_217 = arith.constant 0 : i32
    %dma_wait3A_218 = tpu.memref_slice %arg3[%add3A_204, %dma_wait3A_217] : memref<1024x2048xf32, #tpu.memory_space<hbm>> -> memref<16x2048xf32, #tpu.memory_space<hbm>>
    tpu.wait_dma2 semaphore(%arg11 : memref<!tpu.dma_semaphore, #tpu.memory_space<semaphore_mem>>) src(%dma_wait3A_218 : memref<16x2048xf32, #tpu.memory_space<hbm>>) dst(%arg9 : memref<16x2048xf32, #tpu.memory_space<vmem>>)
    %dma_start3A_219 = arith.constant 0 : i32
    %dma_start3A_220 = arith.constant 0 : i32
    %dma_start3A_221 = tpu.memref_slice %arg5[%dma_start3A_219, %dma_start3A_220] : memref<8192x2048xf32, #tpu.memory_space<hbm>> -> memref<8192x2048xf32, #tpu.memory_space<hbm>>
    tpu.enqueue_indirect_dma source(%arg9 : memref<16x2048xf32, #tpu.memory_space<vmem>>) target(%dma_start3A_221 : memref<8192x2048xf32, #tpu.memory_space<hbm>>) offsets(%arg7 : memref<16xi32, #tpu.memory_space<vmem>>) semaphore(%arg11 : memref<!tpu.dma_semaphore, #tpu.memory_space<semaphore_mem>>)
    %dma_wait3A_222 = arith.constant 0 : i32
    %dma_wait3A_223 = arith.constant 0 : i32
    %dma_wait3A_224 = tpu.memref_slice %arg5[%dma_wait3A_222, %dma_wait3A_223] : memref<8192x2048xf32, #tpu.memory_space<hbm>> -> memref<8192x2048xf32, #tpu.memory_space<hbm>>
    tpu.wait_indirect_dma semaphore(%arg11 : memref<!tpu.dma_semaphore, #tpu.memory_space<semaphore_mem>>) src(%arg9 : memref<16x2048xf32, #tpu.memory_space<vmem>>) dst(%dma_wait3A_224 : memref<8192x2048xf32, #tpu.memory_space<hbm>>)
    return
  }
}

module attributes {stable_mosaic.version = 14 : i64} {
  func.func @_router_topk_body(%arg0: i32, %arg1: memref<2x512x2048xf32, #tpu.memory_space<vmem>>, %arg2: memref<2048x128xbf16, #tpu.memory_space<vmem>>, %arg3: memref<2x512xi32, #tpu.memory_space<vmem>>, %arg4: memref<2x512xf32, #tpu.memory_space<vmem>>, %arg5: memref<1x1xf32, #tpu.memory_space<vmem>>, %arg6: memref<2x4096xf32, #tpu.memory_space<vmem>>, %arg7: memref<2x4096xf32, #tpu.memory_space<vmem>>) attributes {dimension_semantics = [#tpu.dimension_semantics<arbitrary>], iteration_bounds = array<i64: 9>, scalar_prefetch = 0 : i64, scratch_operands = 2 : i64, tpu.core_type = #tpu.core_type<tc>, window_params = [{transform_indices = @transform_0, window_bounds = array<i64: 2, 512, 2048>}, {pipeline_mode = #tpu.pipeline_mode<synchronous>, transform_indices = @transform_1, window_bounds = array<i64: 2048, 128>}, {pipeline_mode = #tpu.pipeline_mode<synchronous>, transform_indices = @transform_2, window_bounds = array<i64: 2, 512>}, {pipeline_mode = #tpu.pipeline_mode<synchronous>, transform_indices = @transform_3, window_bounds = array<i64: 2, 512>}, {pipeline_mode = #tpu.pipeline_mode<synchronous>, transform_indices = @transform_4, window_bounds = array<i64: 1, 1>}]} {
    %lt3A = arith.constant 8 : i32
    %lt3A_0 = arith.cmpi slt, %arg0, %lt3A : i32
    %convert_element_type3A = arith.extui %lt3A_0 : i1 to i32
    %cond3A = arith.constant 0 : i32
    %cond3A_1 = arith.cmpi ne, %convert_element_type3A, %cond3A : i32
    scf.if %cond3A_1 {
      %get3A = arith.constant 0 : index
      %get3A_6 = arith.constant 0 : index
      %get3A_7 = arith.constant 0 : index
      %get3A_8 = vector.load %arg1[%get3A, %get3A_6, %get3A_7] : memref<2x512x2048xf32, #tpu.memory_space<vmem>>, vector<2x512x2048xf32>
      %reshape3A = vector.shape_cast %get3A_8 : vector<2x512x2048xf32> to vector<1024x2048xf32>
      %convert_element_type3A_9 = arith.truncf %reshape3A : vector<1024x2048xf32> to vector<1024x2048xbf16>
      %get3A_10 = arith.constant 0 : index
      %get3A_11 = arith.constant 0 : index
      %get3A_12 = vector.load %arg2[%get3A_10, %get3A_11] : memref<2048x128xbf16, #tpu.memory_space<vmem>>, vector<2048x128xbf16>
      %dot_general3A = arith.constant dense<0.000000e+00> : vector<1024x128xf32>
      %dot_general3A_13 = tpu.matmul %convert_element_type3A_9, %get3A_12, %dot_general3A {dimension_numbers = #tpu.dot_dimension_numbers<[1], [0], [0], [1], [0, 0, 1, 1], [], []>, transpose_lhs_hint = false} : vector<1024x2048xbf16>, vector<2048x128xbf16>, vector<1024x128xf32> -> vector<1024x128xf32>
      %slice3A = vector.extract_strided_slice %dot_general3A_13 {offsets = [0, 0], sizes = [1024, 1], strides = [1, 1]} : vector<1024x128xf32> to vector<1024x1xf32>
      %squeeze3A = vector.shape_cast %slice3A : vector<1024x1xf32> to vector<1024xf32>
      %reshape3A_14 = vector.shape_cast %squeeze3A : vector<1024xf32> to vector<2x512xf32>
      %mul3A = arith.constant 512 : i32
      %mul3A_15 = arith.muli %arg0, %mul3A : i32
      %swap3A = arith.constant 0 : index
      %swap3A_16 = arith.index_cast %mul3A_15 : i32 to index
      %swap3A_17 = vector.load %arg6[%swap3A, %swap3A_16] : memref<2x4096xf32, #tpu.memory_space<vmem>>, vector<2x512xf32>
      tpu.vector_store %arg6[%swap3A, %swap3A_16], %reshape3A_14 {strides = array<i32>} : memref<2x4096xf32, #tpu.memory_space<vmem>>, vector<2x512xf32>,
      %slice3A_18 = vector.extract_strided_slice %dot_general3A_13 {offsets = [0, 1], sizes = [1024, 1], strides = [1, 1]} : vector<1024x128xf32> to vector<1024x1xf32>
      %squeeze3A_19 = vector.shape_cast %slice3A_18 : vector<1024x1xf32> to vector<1024xf32>
      %reshape3A_20 = vector.shape_cast %squeeze3A_19 : vector<1024xf32> to vector<2x512xf32>
      %mul3A_21 = arith.constant 512 : i32
      %mul3A_22 = arith.muli %arg0, %mul3A_21 : i32
      %swap3A_23 = arith.constant 0 : index
      %swap3A_24 = arith.index_cast %mul3A_22 : i32 to index
      %swap3A_25 = vector.load %arg7[%swap3A_23, %swap3A_24] : memref<2x4096xf32, #tpu.memory_space<vmem>>, vector<2x512xf32>
      tpu.vector_store %arg7[%swap3A_23, %swap3A_24], %reshape3A_20 {strides = array<i32>} : memref<2x4096xf32, #tpu.memory_space<vmem>>, vector<2x512xf32>,
    } else {
    }
    %eq3A = arith.constant 8 : i32
    %eq3A_2 = arith.cmpi eq, %arg0, %eq3A : i32
    %convert_element_type3A_3 = arith.extui %eq3A_2 : i1 to i32
    %cond3A_4 = arith.constant 0 : i32
    %cond3A_5 = arith.cmpi ne, %convert_element_type3A_3, %cond3A_4 : i32
    scf.if %cond3A_5 {
      %iota3A = tpu.iota {dimensions = array<i32: 0>} : vector<32x128xi32>
      %mul3A = arith.constant 128 : i32
      %mul3A_6 = vector.broadcast %mul3A : i32 to vector<32x128xi32>
      %mul3A_7 = arith.muli %iota3A, %mul3A_6 : vector<32x128xi32>
      %iota3A_8 = tpu.iota {dimensions = array<i32: 1>} : vector<32x128xi32>
      %add3A = arith.addi %mul3A_7, %iota3A_8 : vector<32x128xi32>
      %convert_element_type3A_9 = arith.sitofp %add3A : vector<32x128xi32> to vector<32x128xf32>
      %iota3A_10 = tpu.iota {dimensions = array<i32: 0>} : vector<512x1xi32>
      %convert_element_type3A_11 = arith.sitofp %iota3A_10 : vector<512x1xi32> to vector<512x1xf32>
      %iota3A_12 = tpu.iota {dimensions = array<i32: 1>} : vector<1x512xi32>
      %convert_element_type3A_13 = arith.sitofp %iota3A_12 : vector<1x512xi32> to vector<1x512xf32>
      %iota3A_14 = tpu.iota {dimensions = array<i32: 0>} : vector<512x1xi32>
      %lt3A_15 = arith.constant 4.910000e+02 : f32
      %lt3A_16 = vector.broadcast %lt3A_15 : f32 to vector<512x1xf32>
      %lt3A_17 = arith.cmpf olt, %convert_element_type3A_11, %lt3A_16 : vector<512x1xf32>
      %lt3A_18 = arith.constant 4.910000e+02 : f32
      %lt3A_19 = vector.broadcast %lt3A_18 : f32 to vector<1x512xf32>
      %lt3A_20 = arith.cmpf olt, %convert_element_type3A_13, %lt3A_19 : vector<1x512xf32>
      %get3A = arith.constant 0 : index
      %get3A_21 = arith.constant 0 : index
      %get3A_22 = vector.load %arg6[%get3A, %get3A_21] : memref<2x4096xf32, #tpu.memory_space<vmem>>, vector<1x4096xf32>
      %get3A_23 = vector.shape_cast %get3A_22 : vector<1x4096xf32> to vector<4096xf32>
      %reshape3A = vector.shape_cast %get3A_23 : vector<4096xf32> to vector<32x128xf32>
      %bitcast_convert_type3A = tpu.bitcast %reshape3A : vector<32x128xf32> -> vector<32x128xi32>
      %shift_right_arithmetic3A = arith.constant 31 : i32
      %shift_right_arithmetic3A_24 = vector.broadcast %shift_right_arithmetic3A : i32 to vector<32x128xi32>
      %shift_right_arithmetic3A_25 = arith.shrsi %bitcast_convert_type3A, %shift_right_arithmetic3A_24 : vector<32x128xi32>
      %and3A = arith.constant 2147483647 : i32
      %and3A_26 = vector.broadcast %and3A : i32 to vector<32x128xi32>
      %and3A_27 = arith.andi %shift_right_arithmetic3A_25, %and3A_26 : vector<32x128xi32>
      %xor3A = arith.xori %bitcast_convert_type3A, %and3A_27 : vector<32x128xi32>
      %scan3A = arith.constant -2147483648 : i32
      %scan3A_28 = arith.constant 2147483647 : i32
      %scan3A_29 = arith.constant 0 : i32
      %scan3A_30 = arith.constant 32 : i32
      %scan3A_31 = arith.addi %scan3A_29, %scan3A_30 : i32
      %scan3A_32 = arith.constant 1 : i32
      %scan3A_33:2 = scf.for %scan3A_945 = %scan3A_29 to %scan3A_31 step %scan3A_32 iter_args(%scan3A_946 = %scan3A, %scan3A_947 = %scan3A_28) -> (i32, i32)  : i32 {
        %shift_right_arithmetic3A_948 = arith.constant 1 : i32
        %shift_right_arithmetic3A_949 = arith.shrsi %scan3A_946, %shift_right_arithmetic3A_948 : i32
        %shift_right_arithmetic3A_950 = arith.constant 1 : i32
        %shift_right_arithmetic3A_951 = arith.shrsi %scan3A_947, %shift_right_arithmetic3A_950 : i32
        %add3A_952 = arith.addi %shift_right_arithmetic3A_949, %shift_right_arithmetic3A_951 : i32
        %or3A_953 = arith.ori %scan3A_946, %scan3A_947 : i32
        %and3A_954 = arith.constant 1 : i32
        %and3A_955 = arith.andi %or3A_953, %and3A_954 : i32
        %add3A_956 = arith.addi %add3A_952, %and3A_955 : i32
        %ge3A = vector.broadcast %add3A_956 : i32 to vector<32x128xi32>
        %ge3A_957 = arith.cmpi sge, %xor3A, %ge3A : vector<32x128xi32>
        %convert_element_type3A_958 = arith.extui %ge3A_957 : vector<32x128xi1> to vector<32x128xi32>
        %reduce_sum3A_959 = vector.shape_cast %convert_element_type3A_958 : vector<32x128xi32> to vector<1x32x128xi32>
        %reduce_sum3A_960 = arith.constant dense<0> : vector<1xi32>
        %reduce_sum3A_961 = vector.multi_reduction <add>, %reduce_sum3A_959, %reduce_sum3A_960 [1, 2] : vector<1x32x128xi32> to vector<1xi32>
        %reduce_sum3A_962 = vector.shape_cast %reduce_sum3A_961 : vector<1xi32> to vector<1x1x1xi32>
        %reduce_sum3A_963 = vector.extract %reduce_sum3A_962[0, 0, 0] : i32 from vector<1x1x1xi32>
        %ge3A_964 = arith.constant 491 : i32
        %ge3A_965 = arith.cmpi sge, %reduce_sum3A_963, %ge3A_964 : i32
        %select_n3A_966 = arith.select %ge3A_965, %add3A_956, %scan3A_946 : i32
        %sub3A_967 = arith.constant 1 : i32
        %sub3A_968 = arith.subi %add3A_956, %sub3A_967 : i32
        %select_n3A_969 = arith.select %ge3A_965, %scan3A_947, %sub3A_968 : i32
        scf.yield %select_n3A_966, %select_n3A_969 : i32, i32
      }
      %gt3A = vector.broadcast %scan3A_33#0 : i32 to vector<32x128xi32>
      %gt3A_34 = arith.cmpi sgt, %xor3A, %gt3A : vector<32x128xi32>
      %convert_element_type3A_35 = arith.extui %gt3A_34 : vector<32x128xi1> to vector<32x128xi32>
      %convert_element_type3A_36 = arith.sitofp %convert_element_type3A_35 : vector<32x128xi32> to vector<32x128xf32>
      %eq3A_37 = vector.broadcast %scan3A_33#0 : i32 to vector<32x128xi32>
      %eq3A_38 = arith.cmpi eq, %xor3A, %eq3A_37 : vector<32x128xi32>
      %convert_element_type3A_39 = arith.extui %eq3A_38 : vector<32x128xi1> to vector<32x128xi32>
      %convert_element_type3A_40 = arith.sitofp %convert_element_type3A_39 : vector<32x128xi32> to vector<32x128xf32>
      %reduce_sum3A = vector.shape_cast %convert_element_type3A_36 : vector<32x128xf32> to vector<1x32x128xf32>
      %reduce_sum3A_41 = arith.constant dense<0.000000e+00> : vector<1xf32>
      %reduce_sum3A_42 = vector.multi_reduction <add>, %reduce_sum3A, %reduce_sum3A_41 [1, 2] : vector<1x32x128xf32> to vector<1xf32>
      %reduce_sum3A_43 = vector.shape_cast %reduce_sum3A_42 : vector<1xf32> to vector<1x1x1xf32>
      %reduce_sum3A_44 = vector.extract %reduce_sum3A_43[0, 0, 0] : f32 from vector<1x1x1xf32>
      %sub3A = arith.constant 4.910000e+02 : f32
      %sub3A_45 = arith.subf %sub3A, %reduce_sum3A_44 : f32
      %iota3A_46 = tpu.iota {dimensions = array<i32: 0>} : vector<128x128xi32>
      %iota3A_47 = tpu.iota {dimensions = array<i32: 1>} : vector<128x128xi32>
      %lt3A_48 = arith.cmpi slt, %iota3A_46, %iota3A_47 : vector<128x128xi32>
      %convert_element_type3A_49 = arith.extui %lt3A_48 : vector<128x128xi1> to vector<128x128xi32>
      %convert_element_type3A_50 = arith.sitofp %convert_element_type3A_49 : vector<128x128xi32> to vector<128x128xf32>
      %dot_general3A = arith.constant dense<0.000000e+00> : vector<32x128xf32>
      %dot_general3A_51 = tpu.matmul %convert_element_type3A_40, %convert_element_type3A_50, %dot_general3A {dimension_numbers = #tpu.dot_dimension_numbers<[1], [0], [0], [1], [0, 0, 1, 1], [], []>, precision = #tpu.contract_precision<fp32>, transpose_lhs_hint = false} : vector<32x128xf32>, vector<128x128xf32>, vector<32x128xf32> -> vector<32x128xf32>
      %reduce_sum3A_52 = arith.constant dense<0.000000e+00> : vector<32xf32>
      %reduce_sum3A_53 = vector.multi_reduction <add>, %convert_element_type3A_40, %reduce_sum3A_52 [1] : vector<32x128xf32> to vector<32xf32>
      %broadcast_in_dim3A = vector.shape_cast %reduce_sum3A_53 : vector<32xf32> to vector<32x1xf32>
      %iota3A_54 = tpu.iota {dimensions = array<i32: 0>} : vector<32x32xi32>
      %iota3A_55 = tpu.iota {dimensions = array<i32: 1>} : vector<32x32xi32>
      %lt3A_56 = arith.cmpi slt, %iota3A_54, %iota3A_55 : vector<32x32xi32>
      %convert_element_type3A_57 = arith.extui %lt3A_56 : vector<32x32xi1> to vector<32x32xi32>
      %convert_element_type3A_58 = arith.sitofp %convert_element_type3A_57 : vector<32x32xi32> to vector<32x32xf32>
      %reshape3A_59 = vector.shape_cast %broadcast_in_dim3A : vector<32x1xf32> to vector<1x32xf32>
      %dot_general3A_60 = arith.constant dense<0.000000e+00> : vector<1x32xf32>
      %dot_general3A_61 = tpu.matmul %reshape3A_59, %convert_element_type3A_58, %dot_general3A_60 {dimension_numbers = #tpu.dot_dimension_numbers<[1], [0], [0], [1], [0, 0, 1, 1], [], []>, precision = #tpu.contract_precision<fp32>, transpose_lhs_hint = false} : vector<1x32xf32>, vector<32x32xf32>, vector<1x32xf32> -> vector<1x32xf32>
      %reshape3A_62 = vector.shape_cast %dot_general3A_61 : vector<1x32xf32> to vector<32x1xf32>
      %add3A_63 = vector.broadcast %reshape3A_62 : vector<32x1xf32> to vector<32x128xf32>
      %add3A_64 = arith.addf %dot_general3A_51, %add3A_63 : vector<32x128xf32>
      %lt3A_65 = vector.broadcast %sub3A_45 : f32 to vector<32x128xf32>
      %lt3A_66 = arith.cmpf olt, %add3A_64, %lt3A_65 : vector<32x128xf32>
      %convert_element_type3A_67 = arith.extui %lt3A_66 : vector<32x128xi1> to vector<32x128xi32>
      %convert_element_type3A_68 = arith.sitofp %convert_element_type3A_67 : vector<32x128xi32> to vector<32x128xf32>
      %mul3A_69 = arith.mulf %convert_element_type3A_40, %convert_element_type3A_68 : vector<32x128xf32>
      %add3A_70 = arith.addf %convert_element_type3A_36, %mul3A_69 : vector<32x128xf32>
      %iota3A_71 = tpu.iota {dimensions = array<i32: 0>} : vector<128x128xi32>
      %iota3A_72 = tpu.iota {dimensions = array<i32: 1>} : vector<128x128xi32>
      %lt3A_73 = arith.cmpi slt, %iota3A_71, %iota3A_72 : vector<128x128xi32>
      %convert_element_type3A_74 = arith.extui %lt3A_73 : vector<128x128xi1> to vector<128x128xi32>
      %convert_element_type3A_75 = arith.sitofp %convert_element_type3A_74 : vector<128x128xi32> to vector<128x128xf32>
      %dot_general3A_76 = arith.constant dense<0.000000e+00> : vector<32x128xf32>
      %dot_general3A_77 = tpu.matmul %add3A_70, %convert_element_type3A_75, %dot_general3A_76 {dimension_numbers = #tpu.dot_dimension_numbers<[1], [0], [0], [1], [0, 0, 1, 1], [], []>, precision = #tpu.contract_precision<fp32>, transpose_lhs_hint = false} : vector<32x128xf32>, vector<128x128xf32>, vector<32x128xf32> -> vector<32x128xf32>
      %reduce_sum3A_78 = arith.constant dense<0.000000e+00> : vector<32xf32>
      %reduce_sum3A_79 = vector.multi_reduction <add>, %add3A_70, %reduce_sum3A_78 [1] : vector<32x128xf32> to vector<32xf32>
      %broadcast_in_dim3A_80 = vector.shape_cast %reduce_sum3A_79 : vector<32xf32> to vector<32x1xf32>
      %iota3A_81 = tpu.iota {dimensions = array<i32: 0>} : vector<32x32xi32>
      %iota3A_82 = tpu.iota {dimensions = array<i32: 1>} : vector<32x32xi32>
      %lt3A_83 = arith.cmpi slt, %iota3A_81, %iota3A_82 : vector<32x32xi32>
      %convert_element_type3A_84 = arith.extui %lt3A_83 : vector<32x32xi1> to vector<32x32xi32>
      %convert_element_type3A_85 = arith.sitofp %convert_element_type3A_84 : vector<32x32xi32> to vector<32x32xf32>
      %reshape3A_86 = vector.shape_cast %broadcast_in_dim3A_80 : vector<32x1xf32> to vector<1x32xf32>
      %dot_general3A_87 = arith.constant dense<0.000000e+00> : vector<1x32xf32>
      %dot_general3A_88 = tpu.matmul %reshape3A_86, %convert_element_type3A_85, %dot_general3A_87 {dimension_numbers = #tpu.dot_dimension_numbers<[1], [0], [0], [1], [0, 0, 1, 1], [], []>, precision = #tpu.contract_precision<fp32>, transpose_lhs_hint = false} : vector<1x32xf32>, vector<32x32xf32>, vector<1x32xf32> -> vector<1x32xf32>
      %reshape3A_89 = vector.shape_cast %dot_general3A_88 : vector<1x32xf32> to vector<32x1xf32>
      %add3A_90 = vector.broadcast %reshape3A_89 : vector<32x1xf32> to vector<32x128xf32>
      %add3A_91 = arith.addf %dot_general3A_77, %add3A_90 : vector<32x128xf32>
      %eq3A_92 = arith.constant 0.000000e+00 : f32
      %eq3A_93 = vector.broadcast %eq3A_92 : f32 to vector<32x128xf32>
      %eq3A_94 = arith.cmpf oeq, %add3A_70, %eq3A_93 : vector<32x128xf32>
      %jit3A = arith.constant 4.096000e+03 : f32
      %broadcast_in_dim3A_95 = vector.broadcast %jit3A : f32 to vector<32x128xf32>
      %select_n3A = arith.select %eq3A_94, %convert_element_type3A_9, %broadcast_in_dim3A_95 : vector<32x128xi1>, vector<32x128xf32>
      %reduce_min3A = vector.shape_cast %select_n3A : vector<32x128xf32> to vector<1x32x128xf32>
      %reduce_min3A_96 = arith.constant dense<0x7F800000> : vector<1xf32>
      %reduce_min3A_97 = vector.multi_reduction <minimumf>, %reduce_min3A, %reduce_min3A_96 [1, 2] : vector<1x32x128xf32> to vector<1xf32>
      %reduce_min3A_98 = vector.shape_cast %reduce_min3A_97 : vector<1xf32> to vector<1x1x1xf32>
      %reduce_min3A_99 = vector.extract %reduce_min3A_98[0, 0, 0] : f32 from vector<1x1x1xf32>
      %reshape3A_100 = vector.shape_cast %add3A_91 : vector<32x128xf32> to vector<1x4096xf32>
      %reshape3A_101 = vector.shape_cast %add3A_70 : vector<32x128xf32> to vector<1x4096xf32>
      %reshape3A_102 = vector.shape_cast %convert_element_type3A_9 : vector<32x128xf32> to vector<1x4096xf32>
      %reshape3A_103 = vector.shape_cast %reshape3A : vector<32x128xf32> to vector<1x4096xf32>
      %broadcast_in_dim3A_104 = arith.constant 0.000000e+00 : f32
      %broadcast_in_dim3A_105 = vector.broadcast %broadcast_in_dim3A_104 : f32 to vector<512x1xf32>
      %broadcast_in_dim3A_106 = arith.constant 0.000000e+00 : f32
      %broadcast_in_dim3A_107 = vector.broadcast %broadcast_in_dim3A_106 : f32 to vector<512x1xf32>
      %slice3A = vector.extract_strided_slice %reshape3A_100 {offsets = [0, 0], sizes = [1, 512], strides = [1, 1]} : vector<1x4096xf32> to vector<1x512xf32>
      %eq3A_108 = vector.broadcast %slice3A : vector<1x512xf32> to vector<512x512xf32>
      %eq3A_109 = vector.broadcast %convert_element_type3A_11 : vector<512x1xf32> to vector<512x512xf32>
      %eq3A_110 = arith.cmpf oeq, %eq3A_108, %eq3A_109 : vector<512x512xf32>
      %convert_element_type3A_111 = arith.extui %eq3A_110 : vector<512x512xi1> to vector<512x512xi32>
      %convert_element_type3A_112 = arith.sitofp %convert_element_type3A_111 : vector<512x512xi32> to vector<512x512xf32>
      %slice3A_113 = vector.extract_strided_slice %reshape3A_101 {offsets = [0, 0], sizes = [1, 512], strides = [1, 1]} : vector<1x4096xf32> to vector<1x512xf32>
      %mul3A_114 = vector.broadcast %slice3A_113 : vector<1x512xf32> to vector<512x512xf32>
      %mul3A_115 = arith.mulf %convert_element_type3A_112, %mul3A_114 : vector<512x512xf32>
      %slice3A_116 = vector.extract_strided_slice %reshape3A_102 {offsets = [0, 0], sizes = [1, 512], strides = [1, 1]} : vector<1x4096xf32> to vector<1x512xf32>
      %mul3A_117 = vector.broadcast %slice3A_116 : vector<1x512xf32> to vector<512x512xf32>
      %mul3A_118 = arith.mulf %mul3A_115, %mul3A_117 : vector<512x512xf32>
      %reduce_sum3A_119 = arith.constant dense<0.000000e+00> : vector<512xf32>
      %reduce_sum3A_120 = vector.multi_reduction <add>, %mul3A_118, %reduce_sum3A_119 [1] : vector<512x512xf32> to vector<512xf32>
      %broadcast_in_dim3A_121 = vector.shape_cast %reduce_sum3A_120 : vector<512xf32> to vector<512x1xf32>
      %add3A_122 = arith.addf %broadcast_in_dim3A_105, %broadcast_in_dim3A_121 : vector<512x1xf32>
      %slice3A_123 = vector.extract_strided_slice %reshape3A_103 {offsets = [0, 0], sizes = [1, 512], strides = [1, 1]} : vector<1x4096xf32> to vector<1x512xf32>
      %mul3A_124 = vector.broadcast %slice3A_123 : vector<1x512xf32> to vector<512x512xf32>
      %mul3A_125 = arith.mulf %mul3A_115, %mul3A_124 : vector<512x512xf32>
      %reduce_sum3A_126 = arith.constant dense<0.000000e+00> : vector<512xf32>
      %reduce_sum3A_127 = vector.multi_reduction <add>, %mul3A_125, %reduce_sum3A_126 [1] : vector<512x512xf32> to vector<512xf32>
      %broadcast_in_dim3A_128 = vector.shape_cast %reduce_sum3A_127 : vector<512xf32> to vector<512x1xf32>
      %add3A_129 = arith.addf %broadcast_in_dim3A_107, %broadcast_in_dim3A_128 : vector<512x1xf32>
      %slice3A_130 = vector.extract_strided_slice %reshape3A_100 {offsets = [0, 512], sizes = [1, 512], strides = [1, 1]} : vector<1x4096xf32> to vector<1x512xf32>
      %eq3A_131 = vector.broadcast %slice3A_130 : vector<1x512xf32> to vector<512x512xf32>
      %eq3A_132 = vector.broadcast %convert_element_type3A_11 : vector<512x1xf32> to vector<512x512xf32>
      %eq3A_133 = arith.cmpf oeq, %eq3A_131, %eq3A_132 : vector<512x512xf32>
      %convert_element_type3A_134 = arith.extui %eq3A_133 : vector<512x512xi1> to vector<512x512xi32>
      %convert_element_type3A_135 = arith.sitofp %convert_element_type3A_134 : vector<512x512xi32> to vector<512x512xf32>
      %slice3A_136 = vector.extract_strided_slice %reshape3A_101 {offsets = [0, 512], sizes = [1, 512], strides = [1, 1]} : vector<1x4096xf32> to vector<1x512xf32>
      %mul3A_137 = vector.broadcast %slice3A_136 : vector<1x512xf32> to vector<512x512xf32>
      %mul3A_138 = arith.mulf %convert_element_type3A_135, %mul3A_137 : vector<512x512xf32>
      %slice3A_139 = vector.extract_strided_slice %reshape3A_102 {offsets = [0, 512], sizes = [1, 512], strides = [1, 1]} : vector<1x4096xf32> to vector<1x512xf32>
      %mul3A_140 = vector.broadcast %slice3A_139 : vector<1x512xf32> to vector<512x512xf32>
      %mul3A_141 = arith.mulf %mul3A_138, %mul3A_140 : vector<512x512xf32>
      %reduce_sum3A_142 = arith.constant dense<0.000000e+00> : vector<512xf32>
      %reduce_sum3A_143 = vector.multi_reduction <add>, %mul3A_141, %reduce_sum3A_142 [1] : vector<512x512xf32> to vector<512xf32>
      %broadcast_in_dim3A_144 = vector.shape_cast %reduce_sum3A_143 : vector<512xf32> to vector<512x1xf32>
      %add3A_145 = arith.addf %add3A_122, %broadcast_in_dim3A_144 : vector<512x1xf32>
      %slice3A_146 = vector.extract_strided_slice %reshape3A_103 {offsets = [0, 512], sizes = [1, 512], strides = [1, 1]} : vector<1x4096xf32> to vector<1x512xf32>
      %mul3A_147 = vector.broadcast %slice3A_146 : vector<1x512xf32> to vector<512x512xf32>
      %mul3A_148 = arith.mulf %mul3A_138, %mul3A_147 : vector<512x512xf32>
      %reduce_sum3A_149 = arith.constant dense<0.000000e+00> : vector<512xf32>
      %reduce_sum3A_150 = vector.multi_reduction <add>, %mul3A_148, %reduce_sum3A_149 [1] : vector<512x512xf32> to vector<512xf32>
      %broadcast_in_dim3A_151 = vector.shape_cast %reduce_sum3A_150 : vector<512xf32> to vector<512x1xf32>
      %add3A_152 = arith.addf %add3A_129, %broadcast_in_dim3A_151 : vector<512x1xf32>
      %slice3A_153 = vector.extract_strided_slice %reshape3A_100 {offsets = [0, 1024], sizes = [1, 512], strides = [1, 1]} : vector<1x4096xf32> to vector<1x512xf32>
      %eq3A_154 = vector.broadcast %slice3A_153 : vector<1x512xf32> to vector<512x512xf32>
      %eq3A_155 = vector.broadcast %convert_element_type3A_11 : vector<512x1xf32> to vector<512x512xf32>
      %eq3A_156 = arith.cmpf oeq, %eq3A_154, %eq3A_155 : vector<512x512xf32>
      %convert_element_type3A_157 = arith.extui %eq3A_156 : vector<512x512xi1> to vector<512x512xi32>
      %convert_element_type3A_158 = arith.sitofp %convert_element_type3A_157 : vector<512x512xi32> to vector<512x512xf32>
      %slice3A_159 = vector.extract_strided_slice %reshape3A_101 {offsets = [0, 1024], sizes = [1, 512], strides = [1, 1]} : vector<1x4096xf32> to vector<1x512xf32>
      %mul3A_160 = vector.broadcast %slice3A_159 : vector<1x512xf32> to vector<512x512xf32>
      %mul3A_161 = arith.mulf %convert_element_type3A_158, %mul3A_160 : vector<512x512xf32>
      %slice3A_162 = vector.extract_strided_slice %reshape3A_102 {offsets = [0, 1024], sizes = [1, 512], strides = [1, 1]} : vector<1x4096xf32> to vector<1x512xf32>
      %mul3A_163 = vector.broadcast %slice3A_162 : vector<1x512xf32> to vector<512x512xf32>
      %mul3A_164 = arith.mulf %mul3A_161, %mul3A_163 : vector<512x512xf32>
      %reduce_sum3A_165 = arith.constant dense<0.000000e+00> : vector<512xf32>
      %reduce_sum3A_166 = vector.multi_reduction <add>, %mul3A_164, %reduce_sum3A_165 [1] : vector<512x512xf32> to vector<512xf32>
      %broadcast_in_dim3A_167 = vector.shape_cast %reduce_sum3A_166 : vector<512xf32> to vector<512x1xf32>
      %add3A_168 = arith.addf %add3A_145, %broadcast_in_dim3A_167 : vector<512x1xf32>
      %slice3A_169 = vector.extract_strided_slice %reshape3A_103 {offsets = [0, 1024], sizes = [1, 512], strides = [1, 1]} : vector<1x4096xf32> to vector<1x512xf32>
      %mul3A_170 = vector.broadcast %slice3A_169 : vector<1x512xf32> to vector<512x512xf32>
      %mul3A_171 = arith.mulf %mul3A_161, %mul3A_170 : vector<512x512xf32>
      %reduce_sum3A_172 = arith.constant dense<0.000000e+00> : vector<512xf32>
      %reduce_sum3A_173 = vector.multi_reduction <add>, %mul3A_171, %reduce_sum3A_172 [1] : vector<512x512xf32> to vector<512xf32>
      %broadcast_in_dim3A_174 = vector.shape_cast %reduce_sum3A_173 : vector<512xf32> to vector<512x1xf32>
      %add3A_175 = arith.addf %add3A_152, %broadcast_in_dim3A_174 : vector<512x1xf32>
      %slice3A_176 = vector.extract_strided_slice %reshape3A_100 {offsets = [0, 1536], sizes = [1, 512], strides = [1, 1]} : vector<1x4096xf32> to vector<1x512xf32>
      %eq3A_177 = vector.broadcast %slice3A_176 : vector<1x512xf32> to vector<512x512xf32>
      %eq3A_178 = vector.broadcast %convert_element_type3A_11 : vector<512x1xf32> to vector<512x512xf32>
      %eq3A_179 = arith.cmpf oeq, %eq3A_177, %eq3A_178 : vector<512x512xf32>
      %convert_element_type3A_180 = arith.extui %eq3A_179 : vector<512x512xi1> to vector<512x512xi32>
      %convert_element_type3A_181 = arith.sitofp %convert_element_type3A_180 : vector<512x512xi32> to vector<512x512xf32>
      %slice3A_182 = vector.extract_strided_slice %reshape3A_101 {offsets = [0, 1536], sizes = [1, 512], strides = [1, 1]} : vector<1x4096xf32> to vector<1x512xf32>
      %mul3A_183 = vector.broadcast %slice3A_182 : vector<1x512xf32> to vector<512x512xf32>
      %mul3A_184 = arith.mulf %convert_element_type3A_181, %mul3A_183 : vector<512x512xf32>
      %slice3A_185 = vector.extract_strided_slice %reshape3A_102 {offsets = [0, 1536], sizes = [1, 512], strides = [1, 1]} : vector<1x4096xf32> to vector<1x512xf32>
      %mul3A_186 = vector.broadcast %slice3A_185 : vector<1x512xf32> to vector<512x512xf32>
      %mul3A_187 = arith.mulf %mul3A_184, %mul3A_186 : vector<512x512xf32>
      %reduce_sum3A_188 = arith.constant dense<0.000000e+00> : vector<512xf32>
      %reduce_sum3A_189 = vector.multi_reduction <add>, %mul3A_187, %reduce_sum3A_188 [1] : vector<512x512xf32> to vector<512xf32>
      %broadcast_in_dim3A_190 = vector.shape_cast %reduce_sum3A_189 : vector<512xf32> to vector<512x1xf32>
      %add3A_191 = arith.addf %add3A_168, %broadcast_in_dim3A_190 : vector<512x1xf32>
      %slice3A_192 = vector.extract_strided_slice %reshape3A_103 {offsets = [0, 1536], sizes = [1, 512], strides = [1, 1]} : vector<1x4096xf32> to vector<1x512xf32>
      %mul3A_193 = vector.broadcast %slice3A_192 : vector<1x512xf32> to vector<512x512xf32>
      %mul3A_194 = arith.mulf %mul3A_184, %mul3A_193 : vector<512x512xf32>
      %reduce_sum3A_195 = arith.constant dense<0.000000e+00> : vector<512xf32>
      %reduce_sum3A_196 = vector.multi_reduction <add>, %mul3A_194, %reduce_sum3A_195 [1] : vector<512x512xf32> to vector<512xf32>
      %broadcast_in_dim3A_197 = vector.shape_cast %reduce_sum3A_196 : vector<512xf32> to vector<512x1xf32>
      %add3A_198 = arith.addf %add3A_175, %broadcast_in_dim3A_197 : vector<512x1xf32>
      %slice3A_199 = vector.extract_strided_slice %reshape3A_100 {offsets = [0, 2048], sizes = [1, 512], strides = [1, 1]} : vector<1x4096xf32> to vector<1x512xf32>
      %eq3A_200 = vector.broadcast %slice3A_199 : vector<1x512xf32> to vector<512x512xf32>
      %eq3A_201 = vector.broadcast %convert_element_type3A_11 : vector<512x1xf32> to vector<512x512xf32>
      %eq3A_202 = arith.cmpf oeq, %eq3A_200, %eq3A_201 : vector<512x512xf32>
      %convert_element_type3A_203 = arith.extui %eq3A_202 : vector<512x512xi1> to vector<512x512xi32>
      %convert_element_type3A_204 = arith.sitofp %convert_element_type3A_203 : vector<512x512xi32> to vector<512x512xf32>
      %slice3A_205 = vector.extract_strided_slice %reshape3A_101 {offsets = [0, 2048], sizes = [1, 512], strides = [1, 1]} : vector<1x4096xf32> to vector<1x512xf32>
      %mul3A_206 = vector.broadcast %slice3A_205 : vector<1x512xf32> to vector<512x512xf32>
      %mul3A_207 = arith.mulf %convert_element_type3A_204, %mul3A_206 : vector<512x512xf32>
      %slice3A_208 = vector.extract_strided_slice %reshape3A_102 {offsets = [0, 2048], sizes = [1, 512], strides = [1, 1]} : vector<1x4096xf32> to vector<1x512xf32>
      %mul3A_209 = vector.broadcast %slice3A_208 : vector<1x512xf32> to vector<512x512xf32>
      %mul3A_210 = arith.mulf %mul3A_207, %mul3A_209 : vector<512x512xf32>
      %reduce_sum3A_211 = arith.constant dense<0.000000e+00> : vector<512xf32>
      %reduce_sum3A_212 = vector.multi_reduction <add>, %mul3A_210, %reduce_sum3A_211 [1] : vector<512x512xf32> to vector<512xf32>
      %broadcast_in_dim3A_213 = vector.shape_cast %reduce_sum3A_212 : vector<512xf32> to vector<512x1xf32>
      %add3A_214 = arith.addf %add3A_191, %broadcast_in_dim3A_213 : vector<512x1xf32>
      %slice3A_215 = vector.extract_strided_slice %reshape3A_103 {offsets = [0, 2048], sizes = [1, 512], strides = [1, 1]} : vector<1x4096xf32> to vector<1x512xf32>
      %mul3A_216 = vector.broadcast %slice3A_215 : vector<1x512xf32> to vector<512x512xf32>
      %mul3A_217 = arith.mulf %mul3A_207, %mul3A_216 : vector<512x512xf32>
      %reduce_sum3A_218 = arith.constant dense<0.000000e+00> : vector<512xf32>
      %reduce_sum3A_219 = vector.multi_reduction <add>, %mul3A_217, %reduce_sum3A_218 [1] : vector<512x512xf32> to vector<512xf32>
      %broadcast_in_dim3A_220 = vector.shape_cast %reduce_sum3A_219 : vector<512xf32> to vector<512x1xf32>
      %add3A_221 = arith.addf %add3A_198, %broadcast_in_dim3A_220 : vector<512x1xf32>
      %slice3A_222 = vector.extract_strided_slice %reshape3A_100 {offsets = [0, 2560], sizes = [1, 512], strides = [1, 1]} : vector<1x4096xf32> to vector<1x512xf32>
      %eq3A_223 = vector.broadcast %slice3A_222 : vector<1x512xf32> to vector<512x512xf32>
      %eq3A_224 = vector.broadcast %convert_element_type3A_11 : vector<512x1xf32> to vector<512x512xf32>
      %eq3A_225 = arith.cmpf oeq, %eq3A_223, %eq3A_224 : vector<512x512xf32>
      %convert_element_type3A_226 = arith.extui %eq3A_225 : vector<512x512xi1> to vector<512x512xi32>
      %convert_element_type3A_227 = arith.sitofp %convert_element_type3A_226 : vector<512x512xi32> to vector<512x512xf32>
      %slice3A_228 = vector.extract_strided_slice %reshape3A_101 {offsets = [0, 2560], sizes = [1, 512], strides = [1, 1]} : vector<1x4096xf32> to vector<1x512xf32>
      %mul3A_229 = vector.broadcast %slice3A_228 : vector<1x512xf32> to vector<512x512xf32>
      %mul3A_230 = arith.mulf %convert_element_type3A_227, %mul3A_229 : vector<512x512xf32>
      %slice3A_231 = vector.extract_strided_slice %reshape3A_102 {offsets = [0, 2560], sizes = [1, 512], strides = [1, 1]} : vector<1x4096xf32> to vector<1x512xf32>
      %mul3A_232 = vector.broadcast %slice3A_231 : vector<1x512xf32> to vector<512x512xf32>
      %mul3A_233 = arith.mulf %mul3A_230, %mul3A_232 : vector<512x512xf32>
      %reduce_sum3A_234 = arith.constant dense<0.000000e+00> : vector<512xf32>
      %reduce_sum3A_235 = vector.multi_reduction <add>, %mul3A_233, %reduce_sum3A_234 [1] : vector<512x512xf32> to vector<512xf32>
      %broadcast_in_dim3A_236 = vector.shape_cast %reduce_sum3A_235 : vector<512xf32> to vector<512x1xf32>
      %add3A_237 = arith.addf %add3A_214, %broadcast_in_dim3A_236 : vector<512x1xf32>
      %slice3A_238 = vector.extract_strided_slice %reshape3A_103 {offsets = [0, 2560], sizes = [1, 512], strides = [1, 1]} : vector<1x4096xf32> to vector<1x512xf32>
      %mul3A_239 = vector.broadcast %slice3A_238 : vector<1x512xf32> to vector<512x512xf32>
      %mul3A_240 = arith.mulf %mul3A_230, %mul3A_239 : vector<512x512xf32>
      %reduce_sum3A_241 = arith.constant dense<0.000000e+00> : vector<512xf32>
      %reduce_sum3A_242 = vector.multi_reduction <add>, %mul3A_240, %reduce_sum3A_241 [1] : vector<512x512xf32> to vector<512xf32>
      %broadcast_in_dim3A_243 = vector.shape_cast %reduce_sum3A_242 : vector<512xf32> to vector<512x1xf32>
      %add3A_244 = arith.addf %add3A_221, %broadcast_in_dim3A_243 : vector<512x1xf32>
      %slice3A_245 = vector.extract_strided_slice %reshape3A_100 {offsets = [0, 3072], sizes = [1, 512], strides = [1, 1]} : vector<1x4096xf32> to vector<1x512xf32>
      %eq3A_246 = vector.broadcast %slice3A_245 : vector<1x512xf32> to vector<512x512xf32>
      %eq3A_247 = vector.broadcast %convert_element_type3A_11 : vector<512x1xf32> to vector<512x512xf32>
      %eq3A_248 = arith.cmpf oeq, %eq3A_246, %eq3A_247 : vector<512x512xf32>
      %convert_element_type3A_249 = arith.extui %eq3A_248 : vector<512x512xi1> to vector<512x512xi32>
      %convert_element_type3A_250 = arith.sitofp %convert_element_type3A_249 : vector<512x512xi32> to vector<512x512xf32>
      %slice3A_251 = vector.extract_strided_slice %reshape3A_101 {offsets = [0, 3072], sizes = [1, 512], strides = [1, 1]} : vector<1x4096xf32> to vector<1x512xf32>
      %mul3A_252 = vector.broadcast %slice3A_251 : vector<1x512xf32> to vector<512x512xf32>
      %mul3A_253 = arith.mulf %convert_element_type3A_250, %mul3A_252 : vector<512x512xf32>
      %slice3A_254 = vector.extract_strided_slice %reshape3A_102 {offsets = [0, 3072], sizes = [1, 512], strides = [1, 1]} : vector<1x4096xf32> to vector<1x512xf32>
      %mul3A_255 = vector.broadcast %slice3A_254 : vector<1x512xf32> to vector<512x512xf32>
      %mul3A_256 = arith.mulf %mul3A_253, %mul3A_255 : vector<512x512xf32>
      %reduce_sum3A_257 = arith.constant dense<0.000000e+00> : vector<512xf32>
      %reduce_sum3A_258 = vector.multi_reduction <add>, %mul3A_256, %reduce_sum3A_257 [1] : vector<512x512xf32> to vector<512xf32>
      %broadcast_in_dim3A_259 = vector.shape_cast %reduce_sum3A_258 : vector<512xf32> to vector<512x1xf32>
      %add3A_260 = arith.addf %add3A_237, %broadcast_in_dim3A_259 : vector<512x1xf32>
      %slice3A_261 = vector.extract_strided_slice %reshape3A_103 {offsets = [0, 3072], sizes = [1, 512], strides = [1, 1]} : vector<1x4096xf32> to vector<1x512xf32>
      %mul3A_262 = vector.broadcast %slice3A_261 : vector<1x512xf32> to vector<512x512xf32>
      %mul3A_263 = arith.mulf %mul3A_253, %mul3A_262 : vector<512x512xf32>
      %reduce_sum3A_264 = arith.constant dense<0.000000e+00> : vector<512xf32>
      %reduce_sum3A_265 = vector.multi_reduction <add>, %mul3A_263, %reduce_sum3A_264 [1] : vector<512x512xf32> to vector<512xf32>
      %broadcast_in_dim3A_266 = vector.shape_cast %reduce_sum3A_265 : vector<512xf32> to vector<512x1xf32>
      %add3A_267 = arith.addf %add3A_244, %broadcast_in_dim3A_266 : vector<512x1xf32>
      %slice3A_268 = vector.extract_strided_slice %reshape3A_100 {offsets = [0, 3584], sizes = [1, 512], strides = [1, 1]} : vector<1x4096xf32> to vector<1x512xf32>
      %eq3A_269 = vector.broadcast %slice3A_268 : vector<1x512xf32> to vector<512x512xf32>
      %eq3A_270 = vector.broadcast %convert_element_type3A_11 : vector<512x1xf32> to vector<512x512xf32>
      %eq3A_271 = arith.cmpf oeq, %eq3A_269, %eq3A_270 : vector<512x512xf32>
      %convert_element_type3A_272 = arith.extui %eq3A_271 : vector<512x512xi1> to vector<512x512xi32>
      %convert_element_type3A_273 = arith.sitofp %convert_element_type3A_272 : vector<512x512xi32> to vector<512x512xf32>
      %slice3A_274 = vector.extract_strided_slice %reshape3A_101 {offsets = [0, 3584], sizes = [1, 512], strides = [1, 1]} : vector<1x4096xf32> to vector<1x512xf32>
      %mul3A_275 = vector.broadcast %slice3A_274 : vector<1x512xf32> to vector<512x512xf32>
      %mul3A_276 = arith.mulf %convert_element_type3A_273, %mul3A_275 : vector<512x512xf32>
      %slice3A_277 = vector.extract_strided_slice %reshape3A_102 {offsets = [0, 3584], sizes = [1, 512], strides = [1, 1]} : vector<1x4096xf32> to vector<1x512xf32>
      %mul3A_278 = vector.broadcast %slice3A_277 : vector<1x512xf32> to vector<512x512xf32>
      %mul3A_279 = arith.mulf %mul3A_276, %mul3A_278 : vector<512x512xf32>
      %reduce_sum3A_280 = arith.constant dense<0.000000e+00> : vector<512xf32>
      %reduce_sum3A_281 = vector.multi_reduction <add>, %mul3A_279, %reduce_sum3A_280 [1] : vector<512x512xf32> to vector<512xf32>
      %broadcast_in_dim3A_282 = vector.shape_cast %reduce_sum3A_281 : vector<512xf32> to vector<512x1xf32>
      %add3A_283 = arith.addf %add3A_260, %broadcast_in_dim3A_282 : vector<512x1xf32>
      %slice3A_284 = vector.extract_strided_slice %reshape3A_103 {offsets = [0, 3584], sizes = [1, 512], strides = [1, 1]} : vector<1x4096xf32> to vector<1x512xf32>
      %mul3A_285 = vector.broadcast %slice3A_284 : vector<1x512xf32> to vector<512x512xf32>
      %mul3A_286 = arith.mulf %mul3A_276, %mul3A_285 : vector<512x512xf32>
      %reduce_sum3A_287 = arith.constant dense<0.000000e+00> : vector<512xf32>
      %reduce_sum3A_288 = vector.multi_reduction <add>, %mul3A_286, %reduce_sum3A_287 [1] : vector<512x512xf32> to vector<512xf32>
      %broadcast_in_dim3A_289 = vector.shape_cast %reduce_sum3A_288 : vector<512xf32> to vector<512x1xf32>
      %add3A_290 = arith.addf %add3A_267, %broadcast_in_dim3A_289 : vector<512x1xf32>
      %broadcast_in_dim3A_291 = vector.broadcast %reduce_min3A_99 : f32 to vector<512x1xf32>
      %select_n3A_292 = arith.select %lt3A_17, %add3A_283, %broadcast_in_dim3A_291 : vector<512x1xi1>, vector<512x1xf32>
      %jit3A_293 = arith.constant 0xFF800000 : f32
      %broadcast_in_dim3A_294 = vector.broadcast %jit3A_293 : f32 to vector<512x1xf32>
      %select_n3A_295 = arith.select %lt3A_17, %add3A_290, %broadcast_in_dim3A_294 : vector<512x1xi1>, vector<512x1xf32>
      %transpose3A = tpu.transpose %select_n3A_295, [1, 0] : vector<512x1xf32> -> vector<1x512xf32>
      %broadcast_in_dim3A_296 = arith.constant 0.000000e+00 : f32
      %broadcast_in_dim3A_297 = vector.broadcast %broadcast_in_dim3A_296 : f32 to vector<512x1xf32>
      %slice3A_298 = vector.extract_strided_slice %transpose3A {offsets = [0, 0], sizes = [1, 128], strides = [1, 1]} : vector<1x512xf32> to vector<1x128xf32>
      %iota3A_299 = tpu.iota {dimensions = array<i32: 1>} : vector<1x128xi32>
      %add3A_300 = arith.constant 0 : i32
      %add3A_301 = vector.broadcast %add3A_300 : i32 to vector<1x128xi32>
      %add3A_302 = arith.addi %iota3A_299, %add3A_301 : vector<1x128xi32>
      %gt3A_303 = vector.broadcast %slice3A_298 : vector<1x128xf32> to vector<512x128xf32>
      %gt3A_304 = vector.broadcast %select_n3A_295 : vector<512x1xf32> to vector<512x128xf32>
      %gt3A_305 = arith.cmpf ogt, %gt3A_303, %gt3A_304 : vector<512x128xf32>
      %eq3A_306 = vector.broadcast %slice3A_298 : vector<1x128xf32> to vector<512x128xf32>
      %eq3A_307 = vector.broadcast %select_n3A_295 : vector<512x1xf32> to vector<512x128xf32>
      %eq3A_308 = arith.cmpf oeq, %eq3A_306, %eq3A_307 : vector<512x128xf32>
      %lt3A_309 = vector.broadcast %add3A_302 : vector<1x128xi32> to vector<512x128xi32>
      %lt3A_310 = vector.broadcast %iota3A_14 : vector<512x1xi32> to vector<512x128xi32>
      %lt3A_311 = arith.cmpi slt, %lt3A_309, %lt3A_310 : vector<512x128xi32>
      %and3A_312 = arith.andi %eq3A_308, %lt3A_311 : vector<512x128xi1>
      %or3A = arith.ori %gt3A_305, %and3A_312 : vector<512x128xi1>
      %convert_element_type3A_313 = arith.extui %or3A : vector<512x128xi1> to vector<512x128xi32>
      %convert_element_type3A_314 = arith.sitofp %convert_element_type3A_313 : vector<512x128xi32> to vector<512x128xf32>
      %reduce_sum3A_315 = arith.constant dense<0.000000e+00> : vector<512xf32>
      %reduce_sum3A_316 = vector.multi_reduction <add>, %convert_element_type3A_314, %reduce_sum3A_315 [1] : vector<512x128xf32> to vector<512xf32>
      %broadcast_in_dim3A_317 = vector.shape_cast %reduce_sum3A_316 : vector<512xf32> to vector<512x1xf32>
      %add3A_318 = arith.addf %broadcast_in_dim3A_297, %broadcast_in_dim3A_317 : vector<512x1xf32>
      %slice3A_319 = vector.extract_strided_slice %transpose3A {offsets = [0, 128], sizes = [1, 128], strides = [1, 1]} : vector<1x512xf32> to vector<1x128xf32>
      %iota3A_320 = tpu.iota {dimensions = array<i32: 1>} : vector<1x128xi32>
      %add3A_321 = arith.constant 128 : i32
      %add3A_322 = vector.broadcast %add3A_321 : i32 to vector<1x128xi32>
      %add3A_323 = arith.addi %iota3A_320, %add3A_322 : vector<1x128xi32>
      %gt3A_324 = vector.broadcast %slice3A_319 : vector<1x128xf32> to vector<512x128xf32>
      %gt3A_325 = vector.broadcast %select_n3A_295 : vector<512x1xf32> to vector<512x128xf32>
      %gt3A_326 = arith.cmpf ogt, %gt3A_324, %gt3A_325 : vector<512x128xf32>
      %eq3A_327 = vector.broadcast %slice3A_319 : vector<1x128xf32> to vector<512x128xf32>
      %eq3A_328 = vector.broadcast %select_n3A_295 : vector<512x1xf32> to vector<512x128xf32>
      %eq3A_329 = arith.cmpf oeq, %eq3A_327, %eq3A_328 : vector<512x128xf32>
      %lt3A_330 = vector.broadcast %add3A_323 : vector<1x128xi32> to vector<512x128xi32>
      %lt3A_331 = vector.broadcast %iota3A_14 : vector<512x1xi32> to vector<512x128xi32>
      %lt3A_332 = arith.cmpi slt, %lt3A_330, %lt3A_331 : vector<512x128xi32>
      %and3A_333 = arith.andi %eq3A_329, %lt3A_332 : vector<512x128xi1>
      %or3A_334 = arith.ori %gt3A_326, %and3A_333 : vector<512x128xi1>
      %convert_element_type3A_335 = arith.extui %or3A_334 : vector<512x128xi1> to vector<512x128xi32>
      %convert_element_type3A_336 = arith.sitofp %convert_element_type3A_335 : vector<512x128xi32> to vector<512x128xf32>
      %reduce_sum3A_337 = arith.constant dense<0.000000e+00> : vector<512xf32>
      %reduce_sum3A_338 = vector.multi_reduction <add>, %convert_element_type3A_336, %reduce_sum3A_337 [1] : vector<512x128xf32> to vector<512xf32>
      %broadcast_in_dim3A_339 = vector.shape_cast %reduce_sum3A_338 : vector<512xf32> to vector<512x1xf32>
      %add3A_340 = arith.addf %add3A_318, %broadcast_in_dim3A_339 : vector<512x1xf32>
      %slice3A_341 = vector.extract_strided_slice %transpose3A {offsets = [0, 256], sizes = [1, 128], strides = [1, 1]} : vector<1x512xf32> to vector<1x128xf32>
      %iota3A_342 = tpu.iota {dimensions = array<i32: 1>} : vector<1x128xi32>
      %add3A_343 = arith.constant 256 : i32
      %add3A_344 = vector.broadcast %add3A_343 : i32 to vector<1x128xi32>
      %add3A_345 = arith.addi %iota3A_342, %add3A_344 : vector<1x128xi32>
      %gt3A_346 = vector.broadcast %slice3A_341 : vector<1x128xf32> to vector<512x128xf32>
      %gt3A_347 = vector.broadcast %select_n3A_295 : vector<512x1xf32> to vector<512x128xf32>
      %gt3A_348 = arith.cmpf ogt, %gt3A_346, %gt3A_347 : vector<512x128xf32>
      %eq3A_349 = vector.broadcast %slice3A_341 : vector<1x128xf32> to vector<512x128xf32>
      %eq3A_350 = vector.broadcast %select_n3A_295 : vector<512x1xf32> to vector<512x128xf32>
      %eq3A_351 = arith.cmpf oeq, %eq3A_349, %eq3A_350 : vector<512x128xf32>
      %lt3A_352 = vector.broadcast %add3A_345 : vector<1x128xi32> to vector<512x128xi32>
      %lt3A_353 = vector.broadcast %iota3A_14 : vector<512x1xi32> to vector<512x128xi32>
      %lt3A_354 = arith.cmpi slt, %lt3A_352, %lt3A_353 : vector<512x128xi32>
      %and3A_355 = arith.andi %eq3A_351, %lt3A_354 : vector<512x128xi1>
      %or3A_356 = arith.ori %gt3A_348, %and3A_355 : vector<512x128xi1>
      %convert_element_type3A_357 = arith.extui %or3A_356 : vector<512x128xi1> to vector<512x128xi32>
      %convert_element_type3A_358 = arith.sitofp %convert_element_type3A_357 : vector<512x128xi32> to vector<512x128xf32>
      %reduce_sum3A_359 = arith.constant dense<0.000000e+00> : vector<512xf32>
      %reduce_sum3A_360 = vector.multi_reduction <add>, %convert_element_type3A_358, %reduce_sum3A_359 [1] : vector<512x128xf32> to vector<512xf32>
      %broadcast_in_dim3A_361 = vector.shape_cast %reduce_sum3A_360 : vector<512xf32> to vector<512x1xf32>
      %add3A_362 = arith.addf %add3A_340, %broadcast_in_dim3A_361 : vector<512x1xf32>
      %slice3A_363 = vector.extract_strided_slice %transpose3A {offsets = [0, 384], sizes = [1, 128], strides = [1, 1]} : vector<1x512xf32> to vector<1x128xf32>
      %iota3A_364 = tpu.iota {dimensions = array<i32: 1>} : vector<1x128xi32>
      %add3A_365 = arith.constant 384 : i32
      %add3A_366 = vector.broadcast %add3A_365 : i32 to vector<1x128xi32>
      %add3A_367 = arith.addi %iota3A_364, %add3A_366 : vector<1x128xi32>
      %gt3A_368 = vector.broadcast %slice3A_363 : vector<1x128xf32> to vector<512x128xf32>
      %gt3A_369 = vector.broadcast %select_n3A_295 : vector<512x1xf32> to vector<512x128xf32>
      %gt3A_370 = arith.cmpf ogt, %gt3A_368, %gt3A_369 : vector<512x128xf32>
      %eq3A_371 = vector.broadcast %slice3A_363 : vector<1x128xf32> to vector<512x128xf32>
      %eq3A_372 = vector.broadcast %select_n3A_295 : vector<512x1xf32> to vector<512x128xf32>
      %eq3A_373 = arith.cmpf oeq, %eq3A_371, %eq3A_372 : vector<512x128xf32>
      %lt3A_374 = vector.broadcast %add3A_367 : vector<1x128xi32> to vector<512x128xi32>
      %lt3A_375 = vector.broadcast %iota3A_14 : vector<512x1xi32> to vector<512x128xi32>
      %lt3A_376 = arith.cmpi slt, %lt3A_374, %lt3A_375 : vector<512x128xi32>
      %and3A_377 = arith.andi %eq3A_373, %lt3A_376 : vector<512x128xi1>
      %or3A_378 = arith.ori %gt3A_370, %and3A_377 : vector<512x128xi1>
      %convert_element_type3A_379 = arith.extui %or3A_378 : vector<512x128xi1> to vector<512x128xi32>
      %convert_element_type3A_380 = arith.sitofp %convert_element_type3A_379 : vector<512x128xi32> to vector<512x128xf32>
      %reduce_sum3A_381 = arith.constant dense<0.000000e+00> : vector<512xf32>
      %reduce_sum3A_382 = vector.multi_reduction <add>, %convert_element_type3A_380, %reduce_sum3A_381 [1] : vector<512x128xf32> to vector<512xf32>
      %broadcast_in_dim3A_383 = vector.shape_cast %reduce_sum3A_382 : vector<512xf32> to vector<512x1xf32>
      %add3A_384 = arith.addf %add3A_362, %broadcast_in_dim3A_383 : vector<512x1xf32>
      %broadcast_in_dim3A_385 = arith.constant 0.000000e+00 : f32
      %broadcast_in_dim3A_386 = vector.broadcast %broadcast_in_dim3A_385 : f32 to vector<1x512xf32>
      %slice3A_387 = vector.extract_strided_slice %add3A_384 {offsets = [0, 0], sizes = [128, 1], strides = [1, 1]} : vector<512x1xf32> to vector<128x1xf32>
      %slice3A_388 = vector.extract_strided_slice %select_n3A_295 {offsets = [0, 0], sizes = [128, 1], strides = [1, 1]} : vector<512x1xf32> to vector<128x1xf32>
      %eq3A_389 = vector.broadcast %slice3A_387 : vector<128x1xf32> to vector<128x512xf32>
      %eq3A_390 = vector.broadcast %convert_element_type3A_13 : vector<1x512xf32> to vector<128x512xf32>
      %eq3A_391 = arith.cmpf oeq, %eq3A_389, %eq3A_390 : vector<128x512xf32>
      %convert_element_type3A_392 = arith.extui %eq3A_391 : vector<128x512xi1> to vector<128x512xi32>
      %convert_element_type3A_393 = arith.sitofp %convert_element_type3A_392 : vector<128x512xi32> to vector<128x512xf32>
      %mul3A_394 = vector.broadcast %slice3A_388 : vector<128x1xf32> to vector<128x512xf32>
      %mul3A_395 = arith.mulf %convert_element_type3A_393, %mul3A_394 : vector<128x512xf32>
      %reduce_sum3A_396 = arith.constant dense<0.000000e+00> : vector<512xf32>
      %reduce_sum3A_397 = vector.multi_reduction <add>, %mul3A_395, %reduce_sum3A_396 [0] : vector<128x512xf32> to vector<512xf32>
      %broadcast_in_dim3A_398 = vector.shape_cast %reduce_sum3A_397 : vector<512xf32> to vector<1x512xf32>
      %add3A_399 = arith.addf %broadcast_in_dim3A_386, %broadcast_in_dim3A_398 : vector<1x512xf32>
      %slice3A_400 = vector.extract_strided_slice %add3A_384 {offsets = [128, 0], sizes = [128, 1], strides = [1, 1]} : vector<512x1xf32> to vector<128x1xf32>
      %slice3A_401 = vector.extract_strided_slice %select_n3A_295 {offsets = [128, 0], sizes = [128, 1], strides = [1, 1]} : vector<512x1xf32> to vector<128x1xf32>
      %eq3A_402 = vector.broadcast %slice3A_400 : vector<128x1xf32> to vector<128x512xf32>
      %eq3A_403 = vector.broadcast %convert_element_type3A_13 : vector<1x512xf32> to vector<128x512xf32>
      %eq3A_404 = arith.cmpf oeq, %eq3A_402, %eq3A_403 : vector<128x512xf32>
      %convert_element_type3A_405 = arith.extui %eq3A_404 : vector<128x512xi1> to vector<128x512xi32>
      %convert_element_type3A_406 = arith.sitofp %convert_element_type3A_405 : vector<128x512xi32> to vector<128x512xf32>
      %mul3A_407 = vector.broadcast %slice3A_401 : vector<128x1xf32> to vector<128x512xf32>
      %mul3A_408 = arith.mulf %convert_element_type3A_406, %mul3A_407 : vector<128x512xf32>
      %reduce_sum3A_409 = arith.constant dense<0.000000e+00> : vector<512xf32>
      %reduce_sum3A_410 = vector.multi_reduction <add>, %mul3A_408, %reduce_sum3A_409 [0] : vector<128x512xf32> to vector<512xf32>
      %broadcast_in_dim3A_411 = vector.shape_cast %reduce_sum3A_410 : vector<512xf32> to vector<1x512xf32>
      %add3A_412 = arith.addf %add3A_399, %broadcast_in_dim3A_411 : vector<1x512xf32>
      %slice3A_413 = vector.extract_strided_slice %add3A_384 {offsets = [256, 0], sizes = [128, 1], strides = [1, 1]} : vector<512x1xf32> to vector<128x1xf32>
      %slice3A_414 = vector.extract_strided_slice %select_n3A_295 {offsets = [256, 0], sizes = [128, 1], strides = [1, 1]} : vector<512x1xf32> to vector<128x1xf32>
      %eq3A_415 = vector.broadcast %slice3A_413 : vector<128x1xf32> to vector<128x512xf32>
      %eq3A_416 = vector.broadcast %convert_element_type3A_13 : vector<1x512xf32> to vector<128x512xf32>
      %eq3A_417 = arith.cmpf oeq, %eq3A_415, %eq3A_416 : vector<128x512xf32>
      %convert_element_type3A_418 = arith.extui %eq3A_417 : vector<128x512xi1> to vector<128x512xi32>
      %convert_element_type3A_419 = arith.sitofp %convert_element_type3A_418 : vector<128x512xi32> to vector<128x512xf32>
      %mul3A_420 = vector.broadcast %slice3A_414 : vector<128x1xf32> to vector<128x512xf32>
      %mul3A_421 = arith.mulf %convert_element_type3A_419, %mul3A_420 : vector<128x512xf32>
      %reduce_sum3A_422 = arith.constant dense<0.000000e+00> : vector<512xf32>
      %reduce_sum3A_423 = vector.multi_reduction <add>, %mul3A_421, %reduce_sum3A_422 [0] : vector<128x512xf32> to vector<512xf32>
      %broadcast_in_dim3A_424 = vector.shape_cast %reduce_sum3A_423 : vector<512xf32> to vector<1x512xf32>
      %add3A_425 = arith.addf %add3A_412, %broadcast_in_dim3A_424 : vector<1x512xf32>
      %slice3A_426 = vector.extract_strided_slice %add3A_384 {offsets = [384, 0], sizes = [128, 1], strides = [1, 1]} : vector<512x1xf32> to vector<128x1xf32>
      %slice3A_427 = vector.extract_strided_slice %select_n3A_295 {offsets = [384, 0], sizes = [128, 1], strides = [1, 1]} : vector<512x1xf32> to vector<128x1xf32>
      %eq3A_428 = vector.broadcast %slice3A_426 : vector<128x1xf32> to vector<128x512xf32>
      %eq3A_429 = vector.broadcast %convert_element_type3A_13 : vector<1x512xf32> to vector<128x512xf32>
      %eq3A_430 = arith.cmpf oeq, %eq3A_428, %eq3A_429 : vector<128x512xf32>
      %convert_element_type3A_431 = arith.extui %eq3A_430 : vector<128x512xi1> to vector<128x512xi32>
      %convert_element_type3A_432 = arith.sitofp %convert_element_type3A_431 : vector<128x512xi32> to vector<128x512xf32>
      %mul3A_433 = vector.broadcast %slice3A_427 : vector<128x1xf32> to vector<128x512xf32>
      %mul3A_434 = arith.mulf %convert_element_type3A_432, %mul3A_433 : vector<128x512xf32>
      %reduce_sum3A_435 = arith.constant dense<0.000000e+00> : vector<512xf32>
      %reduce_sum3A_436 = vector.multi_reduction <add>, %mul3A_434, %reduce_sum3A_435 [0] : vector<128x512xf32> to vector<512xf32>
      %broadcast_in_dim3A_437 = vector.shape_cast %reduce_sum3A_436 : vector<512xf32> to vector<1x512xf32>
      %add3A_438 = arith.addf %add3A_425, %broadcast_in_dim3A_437 : vector<1x512xf32>
      %jit3A_439 = arith.constant 0.000000e+00 : f32
      %broadcast_in_dim3A_440 = vector.broadcast %jit3A_439 : f32 to vector<1x512xf32>
      %select_n3A_441 = arith.select %lt3A_20, %add3A_438, %broadcast_in_dim3A_440 : vector<1x512xi1>, vector<1x512xf32>
      %transpose3A_442 = tpu.transpose %select_n3A_292, [1, 0] : vector<512x1xf32> -> vector<1x512xf32>
      %convert_element_type3A_443 = arith.fptosi %transpose3A_442 : vector<1x512xf32> to vector<1x512xi32>
      %add3A_444 = arith.constant 0 : i32
      %add3A_445 = vector.broadcast %add3A_444 : i32 to vector<1x512xi32>
      %add3A_446 = arith.addi %convert_element_type3A_443, %add3A_445 : vector<1x512xi32>
      %swap3A = arith.constant 0 : index
      %swap3A_447 = arith.constant 0 : index
      %swap3A_448 = vector.load %arg3[%swap3A, %swap3A_447] : memref<2x512xi32, #tpu.memory_space<vmem>>, vector<1x512xi32>
      tpu.vector_store %arg3[%swap3A, %swap3A_447], %add3A_446 {strides = array<i32>} : memref<2x512xi32, #tpu.memory_space<vmem>>, vector<1x512xi32>,
      %swap3A_449 = arith.constant 0 : index
      %swap3A_450 = arith.constant 0 : index
      %swap3A_451 = vector.load %arg4[%swap3A_449, %swap3A_450] : memref<2x512xf32, #tpu.memory_space<vmem>>, vector<1x512xf32>
      tpu.vector_store %arg4[%swap3A_449, %swap3A_450], %select_n3A_441 {strides = array<i32>} : memref<2x512xf32, #tpu.memory_space<vmem>>, vector<1x512xf32>,
      %get3A_452 = arith.constant 1 : index
      %get3A_453 = arith.constant 0 : index
      %get3A_454 = vector.load %arg6[%get3A_452, %get3A_453] : memref<2x4096xf32, #tpu.memory_space<vmem>>, vector<1x4096xf32>
      %get3A_455 = vector.shape_cast %get3A_454 : vector<1x4096xf32> to vector<4096xf32>
      %reshape3A_456 = vector.shape_cast %get3A_455 : vector<4096xf32> to vector<32x128xf32>
      %bitcast_convert_type3A_457 = tpu.bitcast %reshape3A_456 : vector<32x128xf32> -> vector<32x128xi32>
      %shift_right_arithmetic3A_458 = arith.constant 31 : i32
      %shift_right_arithmetic3A_459 = vector.broadcast %shift_right_arithmetic3A_458 : i32 to vector<32x128xi32>
      %shift_right_arithmetic3A_460 = arith.shrsi %bitcast_convert_type3A_457, %shift_right_arithmetic3A_459 : vector<32x128xi32>
      %and3A_461 = arith.constant 2147483647 : i32
      %and3A_462 = vector.broadcast %and3A_461 : i32 to vector<32x128xi32>
      %and3A_463 = arith.andi %shift_right_arithmetic3A_460, %and3A_462 : vector<32x128xi32>
      %xor3A_464 = arith.xori %bitcast_convert_type3A_457, %and3A_463 : vector<32x128xi32>
      %scan3A_465 = arith.constant -2147483648 : i32
      %scan3A_466 = arith.constant 2147483647 : i32
      %scan3A_467 = arith.constant 0 : i32
      %scan3A_468 = arith.constant 32 : i32
      %scan3A_469 = arith.addi %scan3A_467, %scan3A_468 : i32
      %scan3A_470 = arith.constant 1 : i32
      %scan3A_471:2 = scf.for %scan3A_945 = %scan3A_467 to %scan3A_469 step %scan3A_470 iter_args(%scan3A_946 = %scan3A_465, %scan3A_947 = %scan3A_466) -> (i32, i32)  : i32 {
        %shift_right_arithmetic3A_948 = arith.constant 1 : i32
        %shift_right_arithmetic3A_949 = arith.shrsi %scan3A_946, %shift_right_arithmetic3A_948 : i32
        %shift_right_arithmetic3A_950 = arith.constant 1 : i32
        %shift_right_arithmetic3A_951 = arith.shrsi %scan3A_947, %shift_right_arithmetic3A_950 : i32
        %add3A_952 = arith.addi %shift_right_arithmetic3A_949, %shift_right_arithmetic3A_951 : i32
        %or3A_953 = arith.ori %scan3A_946, %scan3A_947 : i32
        %and3A_954 = arith.constant 1 : i32
        %and3A_955 = arith.andi %or3A_953, %and3A_954 : i32
        %add3A_956 = arith.addi %add3A_952, %and3A_955 : i32
        %ge3A = vector.broadcast %add3A_956 : i32 to vector<32x128xi32>
        %ge3A_957 = arith.cmpi sge, %xor3A_464, %ge3A : vector<32x128xi32>
        %convert_element_type3A_958 = arith.extui %ge3A_957 : vector<32x128xi1> to vector<32x128xi32>
        %reduce_sum3A_959 = vector.shape_cast %convert_element_type3A_958 : vector<32x128xi32> to vector<1x32x128xi32>
        %reduce_sum3A_960 = arith.constant dense<0> : vector<1xi32>
        %reduce_sum3A_961 = vector.multi_reduction <add>, %reduce_sum3A_959, %reduce_sum3A_960 [1, 2] : vector<1x32x128xi32> to vector<1xi32>
        %reduce_sum3A_962 = vector.shape_cast %reduce_sum3A_961 : vector<1xi32> to vector<1x1x1xi32>
        %reduce_sum3A_963 = vector.extract %reduce_sum3A_962[0, 0, 0] : i32 from vector<1x1x1xi32>
        %ge3A_964 = arith.constant 491 : i32
        %ge3A_965 = arith.cmpi sge, %reduce_sum3A_963, %ge3A_964 : i32
        %select_n3A_966 = arith.select %ge3A_965, %add3A_956, %scan3A_946 : i32
        %sub3A_967 = arith.constant 1 : i32
        %sub3A_968 = arith.subi %add3A_956, %sub3A_967 : i32
        %select_n3A_969 = arith.select %ge3A_965, %scan3A_947, %sub3A_968 : i32
        scf.yield %select_n3A_966, %select_n3A_969 : i32, i32
      }
      %gt3A_472 = vector.broadcast %scan3A_471#0 : i32 to vector<32x128xi32>
      %gt3A_473 = arith.cmpi sgt, %xor3A_464, %gt3A_472 : vector<32x128xi32>
      %convert_element_type3A_474 = arith.extui %gt3A_473 : vector<32x128xi1> to vector<32x128xi32>
      %convert_element_type3A_475 = arith.sitofp %convert_element_type3A_474 : vector<32x128xi32> to vector<32x128xf32>
      %eq3A_476 = vector.broadcast %scan3A_471#0 : i32 to vector<32x128xi32>
      %eq3A_477 = arith.cmpi eq, %xor3A_464, %eq3A_476 : vector<32x128xi32>
      %convert_element_type3A_478 = arith.extui %eq3A_477 : vector<32x128xi1> to vector<32x128xi32>
      %convert_element_type3A_479 = arith.sitofp %convert_element_type3A_478 : vector<32x128xi32> to vector<32x128xf32>
      %reduce_sum3A_480 = vector.shape_cast %convert_element_type3A_475 : vector<32x128xf32> to vector<1x32x128xf32>
      %reduce_sum3A_481 = arith.constant dense<0.000000e+00> : vector<1xf32>
      %reduce_sum3A_482 = vector.multi_reduction <add>, %reduce_sum3A_480, %reduce_sum3A_481 [1, 2] : vector<1x32x128xf32> to vector<1xf32>
      %reduce_sum3A_483 = vector.shape_cast %reduce_sum3A_482 : vector<1xf32> to vector<1x1x1xf32>
      %reduce_sum3A_484 = vector.extract %reduce_sum3A_483[0, 0, 0] : f32 from vector<1x1x1xf32>
      %sub3A_485 = arith.constant 4.910000e+02 : f32
      %sub3A_486 = arith.subf %sub3A_485, %reduce_sum3A_484 : f32
      %iota3A_487 = tpu.iota {dimensions = array<i32: 0>} : vector<128x128xi32>
      %iota3A_488 = tpu.iota {dimensions = array<i32: 1>} : vector<128x128xi32>
      %lt3A_489 = arith.cmpi slt, %iota3A_487, %iota3A_488 : vector<128x128xi32>
      %convert_element_type3A_490 = arith.extui %lt3A_489 : vector<128x128xi1> to vector<128x128xi32>
      %convert_element_type3A_491 = arith.sitofp %convert_element_type3A_490 : vector<128x128xi32> to vector<128x128xf32>
      %dot_general3A_492 = arith.constant dense<0.000000e+00> : vector<32x128xf32>
      %dot_general3A_493 = tpu.matmul %convert_element_type3A_479, %convert_element_type3A_491, %dot_general3A_492 {dimension_numbers = #tpu.dot_dimension_numbers<[1], [0], [0], [1], [0, 0, 1, 1], [], []>, precision = #tpu.contract_precision<fp32>, transpose_lhs_hint = false} : vector<32x128xf32>, vector<128x128xf32>, vector<32x128xf32> -> vector<32x128xf32>
      %reduce_sum3A_494 = arith.constant dense<0.000000e+00> : vector<32xf32>
      %reduce_sum3A_495 = vector.multi_reduction <add>, %convert_element_type3A_479, %reduce_sum3A_494 [1] : vector<32x128xf32> to vector<32xf32>
      %broadcast_in_dim3A_496 = vector.shape_cast %reduce_sum3A_495 : vector<32xf32> to vector<32x1xf32>
      %iota3A_497 = tpu.iota {dimensions = array<i32: 0>} : vector<32x32xi32>
      %iota3A_498 = tpu.iota {dimensions = array<i32: 1>} : vector<32x32xi32>
      %lt3A_499 = arith.cmpi slt, %iota3A_497, %iota3A_498 : vector<32x32xi32>
      %convert_element_type3A_500 = arith.extui %lt3A_499 : vector<32x32xi1> to vector<32x32xi32>
      %convert_element_type3A_501 = arith.sitofp %convert_element_type3A_500 : vector<32x32xi32> to vector<32x32xf32>
      %reshape3A_502 = vector.shape_cast %broadcast_in_dim3A_496 : vector<32x1xf32> to vector<1x32xf32>
      %dot_general3A_503 = arith.constant dense<0.000000e+00> : vector<1x32xf32>
      %dot_general3A_504 = tpu.matmul %reshape3A_502, %convert_element_type3A_501, %dot_general3A_503 {dimension_numbers = #tpu.dot_dimension_numbers<[1], [0], [0], [1], [0, 0, 1, 1], [], []>, precision = #tpu.contract_precision<fp32>, transpose_lhs_hint = false} : vector<1x32xf32>, vector<32x32xf32>, vector<1x32xf32> -> vector<1x32xf32>
      %reshape3A_505 = vector.shape_cast %dot_general3A_504 : vector<1x32xf32> to vector<32x1xf32>
      %add3A_506 = vector.broadcast %reshape3A_505 : vector<32x1xf32> to vector<32x128xf32>
      %add3A_507 = arith.addf %dot_general3A_493, %add3A_506 : vector<32x128xf32>
      %lt3A_508 = vector.broadcast %sub3A_486 : f32 to vector<32x128xf32>
      %lt3A_509 = arith.cmpf olt, %add3A_507, %lt3A_508 : vector<32x128xf32>
      %convert_element_type3A_510 = arith.extui %lt3A_509 : vector<32x128xi1> to vector<32x128xi32>
      %convert_element_type3A_511 = arith.sitofp %convert_element_type3A_510 : vector<32x128xi32> to vector<32x128xf32>
      %mul3A_512 = arith.mulf %convert_element_type3A_479, %convert_element_type3A_511 : vector<32x128xf32>
      %add3A_513 = arith.addf %convert_element_type3A_475, %mul3A_512 : vector<32x128xf32>
      %iota3A_514 = tpu.iota {dimensions = array<i32: 0>} : vector<128x128xi32>
      %iota3A_515 = tpu.iota {dimensions = array<i32: 1>} : vector<128x128xi32>
      %lt3A_516 = arith.cmpi slt, %iota3A_514, %iota3A_515 : vector<128x128xi32>
      %convert_element_type3A_517 = arith.extui %lt3A_516 : vector<128x128xi1> to vector<128x128xi32>
      %convert_element_type3A_518 = arith.sitofp %convert_element_type3A_517 : vector<128x128xi32> to vector<128x128xf32>
      %dot_general3A_519 = arith.constant dense<0.000000e+00> : vector<32x128xf32>
      %dot_general3A_520 = tpu.matmul %add3A_513, %convert_element_type3A_518, %dot_general3A_519 {dimension_numbers = #tpu.dot_dimension_numbers<[1], [0], [0], [1], [0, 0, 1, 1], [], []>, precision = #tpu.contract_precision<fp32>, transpose_lhs_hint = false} : vector<32x128xf32>, vector<128x128xf32>, vector<32x128xf32> -> vector<32x128xf32>
      %reduce_sum3A_521 = arith.constant dense<0.000000e+00> : vector<32xf32>
      %reduce_sum3A_522 = vector.multi_reduction <add>, %add3A_513, %reduce_sum3A_521 [1] : vector<32x128xf32> to vector<32xf32>
      %broadcast_in_dim3A_523 = vector.shape_cast %reduce_sum3A_522 : vector<32xf32> to vector<32x1xf32>
      %iota3A_524 = tpu.iota {dimensions = array<i32: 0>} : vector<32x32xi32>
      %iota3A_525 = tpu.iota {dimensions = array<i32: 1>} : vector<32x32xi32>
      %lt3A_526 = arith.cmpi slt, %iota3A_524, %iota3A_525 : vector<32x32xi32>
      %convert_element_type3A_527 = arith.extui %lt3A_526 : vector<32x32xi1> to vector<32x32xi32>
      %convert_element_type3A_528 = arith.sitofp %convert_element_type3A_527 : vector<32x32xi32> to vector<32x32xf32>
      %reshape3A_529 = vector.shape_cast %broadcast_in_dim3A_523 : vector<32x1xf32> to vector<1x32xf32>
      %dot_general3A_530 = arith.constant dense<0.000000e+00> : vector<1x32xf32>
      %dot_general3A_531 = tpu.matmul %reshape3A_529, %convert_element_type3A_528, %dot_general3A_530 {dimension_numbers = #tpu.dot_dimension_numbers<[1], [0], [0], [1], [0, 0, 1, 1], [], []>, precision = #tpu.contract_precision<fp32>, transpose_lhs_hint = false} : vector<1x32xf32>, vector<32x32xf32>, vector<1x32xf32> -> vector<1x32xf32>
      %reshape3A_532 = vector.shape_cast %dot_general3A_531 : vector<1x32xf32> to vector<32x1xf32>
      %add3A_533 = vector.broadcast %reshape3A_532 : vector<32x1xf32> to vector<32x128xf32>
      %add3A_534 = arith.addf %dot_general3A_520, %add3A_533 : vector<32x128xf32>
      %eq3A_535 = arith.constant 0.000000e+00 : f32
      %eq3A_536 = vector.broadcast %eq3A_535 : f32 to vector<32x128xf32>
      %eq3A_537 = arith.cmpf oeq, %add3A_513, %eq3A_536 : vector<32x128xf32>
      %jit3A_538 = arith.constant 4.096000e+03 : f32
      %broadcast_in_dim3A_539 = vector.broadcast %jit3A_538 : f32 to vector<32x128xf32>
      %select_n3A_540 = arith.select %eq3A_537, %convert_element_type3A_9, %broadcast_in_dim3A_539 : vector<32x128xi1>, vector<32x128xf32>
      %reduce_min3A_541 = vector.shape_cast %select_n3A_540 : vector<32x128xf32> to vector<1x32x128xf32>
      %reduce_min3A_542 = arith.constant dense<0x7F800000> : vector<1xf32>
      %reduce_min3A_543 = vector.multi_reduction <minimumf>, %reduce_min3A_541, %reduce_min3A_542 [1, 2] : vector<1x32x128xf32> to vector<1xf32>
      %reduce_min3A_544 = vector.shape_cast %reduce_min3A_543 : vector<1xf32> to vector<1x1x1xf32>
      %reduce_min3A_545 = vector.extract %reduce_min3A_544[0, 0, 0] : f32 from vector<1x1x1xf32>
      %reshape3A_546 = vector.shape_cast %add3A_534 : vector<32x128xf32> to vector<1x4096xf32>
      %reshape3A_547 = vector.shape_cast %add3A_513 : vector<32x128xf32> to vector<1x4096xf32>
      %reshape3A_548 = vector.shape_cast %convert_element_type3A_9 : vector<32x128xf32> to vector<1x4096xf32>
      %reshape3A_549 = vector.shape_cast %reshape3A_456 : vector<32x128xf32> to vector<1x4096xf32>
      %broadcast_in_dim3A_550 = arith.constant 0.000000e+00 : f32
      %broadcast_in_dim3A_551 = vector.broadcast %broadcast_in_dim3A_550 : f32 to vector<512x1xf32>
      %broadcast_in_dim3A_552 = arith.constant 0.000000e+00 : f32
      %broadcast_in_dim3A_553 = vector.broadcast %broadcast_in_dim3A_552 : f32 to vector<512x1xf32>
      %slice3A_554 = vector.extract_strided_slice %reshape3A_546 {offsets = [0, 0], sizes = [1, 512], strides = [1, 1]} : vector<1x4096xf32> to vector<1x512xf32>
      %eq3A_555 = vector.broadcast %slice3A_554 : vector<1x512xf32> to vector<512x512xf32>
      %eq3A_556 = vector.broadcast %convert_element_type3A_11 : vector<512x1xf32> to vector<512x512xf32>
      %eq3A_557 = arith.cmpf oeq, %eq3A_555, %eq3A_556 : vector<512x512xf32>
      %convert_element_type3A_558 = arith.extui %eq3A_557 : vector<512x512xi1> to vector<512x512xi32>
      %convert_element_type3A_559 = arith.sitofp %convert_element_type3A_558 : vector<512x512xi32> to vector<512x512xf32>
      %slice3A_560 = vector.extract_strided_slice %reshape3A_547 {offsets = [0, 0], sizes = [1, 512], strides = [1, 1]} : vector<1x4096xf32> to vector<1x512xf32>
      %mul3A_561 = vector.broadcast %slice3A_560 : vector<1x512xf32> to vector<512x512xf32>
      %mul3A_562 = arith.mulf %convert_element_type3A_559, %mul3A_561 : vector<512x512xf32>
      %slice3A_563 = vector.extract_strided_slice %reshape3A_548 {offsets = [0, 0], sizes = [1, 512], strides = [1, 1]} : vector<1x4096xf32> to vector<1x512xf32>
      %mul3A_564 = vector.broadcast %slice3A_563 : vector<1x512xf32> to vector<512x512xf32>
      %mul3A_565 = arith.mulf %mul3A_562, %mul3A_564 : vector<512x512xf32>
      %reduce_sum3A_566 = arith.constant dense<0.000000e+00> : vector<512xf32>
      %reduce_sum3A_567 = vector.multi_reduction <add>, %mul3A_565, %reduce_sum3A_566 [1] : vector<512x512xf32> to vector<512xf32>
      %broadcast_in_dim3A_568 = vector.shape_cast %reduce_sum3A_567 : vector<512xf32> to vector<512x1xf32>
      %add3A_569 = arith.addf %broadcast_in_dim3A_551, %broadcast_in_dim3A_568 : vector<512x1xf32>
      %slice3A_570 = vector.extract_strided_slice %reshape3A_549 {offsets = [0, 0], sizes = [1, 512], strides = [1, 1]} : vector<1x4096xf32> to vector<1x512xf32>
      %mul3A_571 = vector.broadcast %slice3A_570 : vector<1x512xf32> to vector<512x512xf32>
      %mul3A_572 = arith.mulf %mul3A_562, %mul3A_571 : vector<512x512xf32>
      %reduce_sum3A_573 = arith.constant dense<0.000000e+00> : vector<512xf32>
      %reduce_sum3A_574 = vector.multi_reduction <add>, %mul3A_572, %reduce_sum3A_573 [1] : vector<512x512xf32> to vector<512xf32>
      %broadcast_in_dim3A_575 = vector.shape_cast %reduce_sum3A_574 : vector<512xf32> to vector<512x1xf32>
      %add3A_576 = arith.addf %broadcast_in_dim3A_553, %broadcast_in_dim3A_575 : vector<512x1xf32>
      %slice3A_577 = vector.extract_strided_slice %reshape3A_546 {offsets = [0, 512], sizes = [1, 512], strides = [1, 1]} : vector<1x4096xf32> to vector<1x512xf32>
      %eq3A_578 = vector.broadcast %slice3A_577 : vector<1x512xf32> to vector<512x512xf32>
      %eq3A_579 = vector.broadcast %convert_element_type3A_11 : vector<512x1xf32> to vector<512x512xf32>
      %eq3A_580 = arith.cmpf oeq, %eq3A_578, %eq3A_579 : vector<512x512xf32>
      %convert_element_type3A_581 = arith.extui %eq3A_580 : vector<512x512xi1> to vector<512x512xi32>
      %convert_element_type3A_582 = arith.sitofp %convert_element_type3A_581 : vector<512x512xi32> to vector<512x512xf32>
      %slice3A_583 = vector.extract_strided_slice %reshape3A_547 {offsets = [0, 512], sizes = [1, 512], strides = [1, 1]} : vector<1x4096xf32> to vector<1x512xf32>
      %mul3A_584 = vector.broadcast %slice3A_583 : vector<1x512xf32> to vector<512x512xf32>
      %mul3A_585 = arith.mulf %convert_element_type3A_582, %mul3A_584 : vector<512x512xf32>
      %slice3A_586 = vector.extract_strided_slice %reshape3A_548 {offsets = [0, 512], sizes = [1, 512], strides = [1, 1]} : vector<1x4096xf32> to vector<1x512xf32>
      %mul3A_587 = vector.broadcast %slice3A_586 : vector<1x512xf32> to vector<512x512xf32>
      %mul3A_588 = arith.mulf %mul3A_585, %mul3A_587 : vector<512x512xf32>
      %reduce_sum3A_589 = arith.constant dense<0.000000e+00> : vector<512xf32>
      %reduce_sum3A_590 = vector.multi_reduction <add>, %mul3A_588, %reduce_sum3A_589 [1] : vector<512x512xf32> to vector<512xf32>
      %broadcast_in_dim3A_591 = vector.shape_cast %reduce_sum3A_590 : vector<512xf32> to vector<512x1xf32>
      %add3A_592 = arith.addf %add3A_569, %broadcast_in_dim3A_591 : vector<512x1xf32>
      %slice3A_593 = vector.extract_strided_slice %reshape3A_549 {offsets = [0, 512], sizes = [1, 512], strides = [1, 1]} : vector<1x4096xf32> to vector<1x512xf32>
      %mul3A_594 = vector.broadcast %slice3A_593 : vector<1x512xf32> to vector<512x512xf32>
      %mul3A_595 = arith.mulf %mul3A_585, %mul3A_594 : vector<512x512xf32>
      %reduce_sum3A_596 = arith.constant dense<0.000000e+00> : vector<512xf32>
      %reduce_sum3A_597 = vector.multi_reduction <add>, %mul3A_595, %reduce_sum3A_596 [1] : vector<512x512xf32> to vector<512xf32>
      %broadcast_in_dim3A_598 = vector.shape_cast %reduce_sum3A_597 : vector<512xf32> to vector<512x1xf32>
      %add3A_599 = arith.addf %add3A_576, %broadcast_in_dim3A_598 : vector<512x1xf32>
      %slice3A_600 = vector.extract_strided_slice %reshape3A_546 {offsets = [0, 1024], sizes = [1, 512], strides = [1, 1]} : vector<1x4096xf32> to vector<1x512xf32>
      %eq3A_601 = vector.broadcast %slice3A_600 : vector<1x512xf32> to vector<512x512xf32>
      %eq3A_602 = vector.broadcast %convert_element_type3A_11 : vector<512x1xf32> to vector<512x512xf32>
      %eq3A_603 = arith.cmpf oeq, %eq3A_601, %eq3A_602 : vector<512x512xf32>
      %convert_element_type3A_604 = arith.extui %eq3A_603 : vector<512x512xi1> to vector<512x512xi32>
      %convert_element_type3A_605 = arith.sitofp %convert_element_type3A_604 : vector<512x512xi32> to vector<512x512xf32>
      %slice3A_606 = vector.extract_strided_slice %reshape3A_547 {offsets = [0, 1024], sizes = [1, 512], strides = [1, 1]} : vector<1x4096xf32> to vector<1x512xf32>
      %mul3A_607 = vector.broadcast %slice3A_606 : vector<1x512xf32> to vector<512x512xf32>
      %mul3A_608 = arith.mulf %convert_element_type3A_605, %mul3A_607 : vector<512x512xf32>
      %slice3A_609 = vector.extract_strided_slice %reshape3A_548 {offsets = [0, 1024], sizes = [1, 512], strides = [1, 1]} : vector<1x4096xf32> to vector<1x512xf32>
      %mul3A_610 = vector.broadcast %slice3A_609 : vector<1x512xf32> to vector<512x512xf32>
      %mul3A_611 = arith.mulf %mul3A_608, %mul3A_610 : vector<512x512xf32>
      %reduce_sum3A_612 = arith.constant dense<0.000000e+00> : vector<512xf32>
      %reduce_sum3A_613 = vector.multi_reduction <add>, %mul3A_611, %reduce_sum3A_612 [1] : vector<512x512xf32> to vector<512xf32>
      %broadcast_in_dim3A_614 = vector.shape_cast %reduce_sum3A_613 : vector<512xf32> to vector<512x1xf32>
      %add3A_615 = arith.addf %add3A_592, %broadcast_in_dim3A_614 : vector<512x1xf32>
      %slice3A_616 = vector.extract_strided_slice %reshape3A_549 {offsets = [0, 1024], sizes = [1, 512], strides = [1, 1]} : vector<1x4096xf32> to vector<1x512xf32>
      %mul3A_617 = vector.broadcast %slice3A_616 : vector<1x512xf32> to vector<512x512xf32>
      %mul3A_618 = arith.mulf %mul3A_608, %mul3A_617 : vector<512x512xf32>
      %reduce_sum3A_619 = arith.constant dense<0.000000e+00> : vector<512xf32>
      %reduce_sum3A_620 = vector.multi_reduction <add>, %mul3A_618, %reduce_sum3A_619 [1] : vector<512x512xf32> to vector<512xf32>
      %broadcast_in_dim3A_621 = vector.shape_cast %reduce_sum3A_620 : vector<512xf32> to vector<512x1xf32>
      %add3A_622 = arith.addf %add3A_599, %broadcast_in_dim3A_621 : vector<512x1xf32>
      %slice3A_623 = vector.extract_strided_slice %reshape3A_546 {offsets = [0, 1536], sizes = [1, 512], strides = [1, 1]} : vector<1x4096xf32> to vector<1x512xf32>
      %eq3A_624 = vector.broadcast %slice3A_623 : vector<1x512xf32> to vector<512x512xf32>
      %eq3A_625 = vector.broadcast %convert_element_type3A_11 : vector<512x1xf32> to vector<512x512xf32>
      %eq3A_626 = arith.cmpf oeq, %eq3A_624, %eq3A_625 : vector<512x512xf32>
      %convert_element_type3A_627 = arith.extui %eq3A_626 : vector<512x512xi1> to vector<512x512xi32>
      %convert_element_type3A_628 = arith.sitofp %convert_element_type3A_627 : vector<512x512xi32> to vector<512x512xf32>
      %slice3A_629 = vector.extract_strided_slice %reshape3A_547 {offsets = [0, 1536], sizes = [1, 512], strides = [1, 1]} : vector<1x4096xf32> to vector<1x512xf32>
      %mul3A_630 = vector.broadcast %slice3A_629 : vector<1x512xf32> to vector<512x512xf32>
      %mul3A_631 = arith.mulf %convert_element_type3A_628, %mul3A_630 : vector<512x512xf32>
      %slice3A_632 = vector.extract_strided_slice %reshape3A_548 {offsets = [0, 1536], sizes = [1, 512], strides = [1, 1]} : vector<1x4096xf32> to vector<1x512xf32>
      %mul3A_633 = vector.broadcast %slice3A_632 : vector<1x512xf32> to vector<512x512xf32>
      %mul3A_634 = arith.mulf %mul3A_631, %mul3A_633 : vector<512x512xf32>
      %reduce_sum3A_635 = arith.constant dense<0.000000e+00> : vector<512xf32>
      %reduce_sum3A_636 = vector.multi_reduction <add>, %mul3A_634, %reduce_sum3A_635 [1] : vector<512x512xf32> to vector<512xf32>
      %broadcast_in_dim3A_637 = vector.shape_cast %reduce_sum3A_636 : vector<512xf32> to vector<512x1xf32>
      %add3A_638 = arith.addf %add3A_615, %broadcast_in_dim3A_637 : vector<512x1xf32>
      %slice3A_639 = vector.extract_strided_slice %reshape3A_549 {offsets = [0, 1536], sizes = [1, 512], strides = [1, 1]} : vector<1x4096xf32> to vector<1x512xf32>
      %mul3A_640 = vector.broadcast %slice3A_639 : vector<1x512xf32> to vector<512x512xf32>
      %mul3A_641 = arith.mulf %mul3A_631, %mul3A_640 : vector<512x512xf32>
      %reduce_sum3A_642 = arith.constant dense<0.000000e+00> : vector<512xf32>
      %reduce_sum3A_643 = vector.multi_reduction <add>, %mul3A_641, %reduce_sum3A_642 [1] : vector<512x512xf32> to vector<512xf32>
      %broadcast_in_dim3A_644 = vector.shape_cast %reduce_sum3A_643 : vector<512xf32> to vector<512x1xf32>
      %add3A_645 = arith.addf %add3A_622, %broadcast_in_dim3A_644 : vector<512x1xf32>
      %slice3A_646 = vector.extract_strided_slice %reshape3A_546 {offsets = [0, 2048], sizes = [1, 512], strides = [1, 1]} : vector<1x4096xf32> to vector<1x512xf32>
      %eq3A_647 = vector.broadcast %slice3A_646 : vector<1x512xf32> to vector<512x512xf32>
      %eq3A_648 = vector.broadcast %convert_element_type3A_11 : vector<512x1xf32> to vector<512x512xf32>
      %eq3A_649 = arith.cmpf oeq, %eq3A_647, %eq3A_648 : vector<512x512xf32>
      %convert_element_type3A_650 = arith.extui %eq3A_649 : vector<512x512xi1> to vector<512x512xi32>
      %convert_element_type3A_651 = arith.sitofp %convert_element_type3A_650 : vector<512x512xi32> to vector<512x512xf32>
      %slice3A_652 = vector.extract_strided_slice %reshape3A_547 {offsets = [0, 2048], sizes = [1, 512], strides = [1, 1]} : vector<1x4096xf32> to vector<1x512xf32>
      %mul3A_653 = vector.broadcast %slice3A_652 : vector<1x512xf32> to vector<512x512xf32>
      %mul3A_654 = arith.mulf %convert_element_type3A_651, %mul3A_653 : vector<512x512xf32>
      %slice3A_655 = vector.extract_strided_slice %reshape3A_548 {offsets = [0, 2048], sizes = [1, 512], strides = [1, 1]} : vector<1x4096xf32> to vector<1x512xf32>
      %mul3A_656 = vector.broadcast %slice3A_655 : vector<1x512xf32> to vector<512x512xf32>
      %mul3A_657 = arith.mulf %mul3A_654, %mul3A_656 : vector<512x512xf32>
      %reduce_sum3A_658 = arith.constant dense<0.000000e+00> : vector<512xf32>
      %reduce_sum3A_659 = vector.multi_reduction <add>, %mul3A_657, %reduce_sum3A_658 [1] : vector<512x512xf32> to vector<512xf32>
      %broadcast_in_dim3A_660 = vector.shape_cast %reduce_sum3A_659 : vector<512xf32> to vector<512x1xf32>
      %add3A_661 = arith.addf %add3A_638, %broadcast_in_dim3A_660 : vector<512x1xf32>
      %slice3A_662 = vector.extract_strided_slice %reshape3A_549 {offsets = [0, 2048], sizes = [1, 512], strides = [1, 1]} : vector<1x4096xf32> to vector<1x512xf32>
      %mul3A_663 = vector.broadcast %slice3A_662 : vector<1x512xf32> to vector<512x512xf32>
      %mul3A_664 = arith.mulf %mul3A_654, %mul3A_663 : vector<512x512xf32>
      %reduce_sum3A_665 = arith.constant dense<0.000000e+00> : vector<512xf32>
      %reduce_sum3A_666 = vector.multi_reduction <add>, %mul3A_664, %reduce_sum3A_665 [1] : vector<512x512xf32> to vector<512xf32>
      %broadcast_in_dim3A_667 = vector.shape_cast %reduce_sum3A_666 : vector<512xf32> to vector<512x1xf32>
      %add3A_668 = arith.addf %add3A_645, %broadcast_in_dim3A_667 : vector<512x1xf32>
      %slice3A_669 = vector.extract_strided_slice %reshape3A_546 {offsets = [0, 2560], sizes = [1, 512], strides = [1, 1]} : vector<1x4096xf32> to vector<1x512xf32>
      %eq3A_670 = vector.broadcast %slice3A_669 : vector<1x512xf32> to vector<512x512xf32>
      %eq3A_671 = vector.broadcast %convert_element_type3A_11 : vector<512x1xf32> to vector<512x512xf32>
      %eq3A_672 = arith.cmpf oeq, %eq3A_670, %eq3A_671 : vector<512x512xf32>
      %convert_element_type3A_673 = arith.extui %eq3A_672 : vector<512x512xi1> to vector<512x512xi32>
      %convert_element_type3A_674 = arith.sitofp %convert_element_type3A_673 : vector<512x512xi32> to vector<512x512xf32>
      %slice3A_675 = vector.extract_strided_slice %reshape3A_547 {offsets = [0, 2560], sizes = [1, 512], strides = [1, 1]} : vector<1x4096xf32> to vector<1x512xf32>
      %mul3A_676 = vector.broadcast %slice3A_675 : vector<1x512xf32> to vector<512x512xf32>
      %mul3A_677 = arith.mulf %convert_element_type3A_674, %mul3A_676 : vector<512x512xf32>
      %slice3A_678 = vector.extract_strided_slice %reshape3A_548 {offsets = [0, 2560], sizes = [1, 512], strides = [1, 1]} : vector<1x4096xf32> to vector<1x512xf32>
      %mul3A_679 = vector.broadcast %slice3A_678 : vector<1x512xf32> to vector<512x512xf32>
      %mul3A_680 = arith.mulf %mul3A_677, %mul3A_679 : vector<512x512xf32>
      %reduce_sum3A_681 = arith.constant dense<0.000000e+00> : vector<512xf32>
      %reduce_sum3A_682 = vector.multi_reduction <add>, %mul3A_680, %reduce_sum3A_681 [1] : vector<512x512xf32> to vector<512xf32>
      %broadcast_in_dim3A_683 = vector.shape_cast %reduce_sum3A_682 : vector<512xf32> to vector<512x1xf32>
      %add3A_684 = arith.addf %add3A_661, %broadcast_in_dim3A_683 : vector<512x1xf32>
      %slice3A_685 = vector.extract_strided_slice %reshape3A_549 {offsets = [0, 2560], sizes = [1, 512], strides = [1, 1]} : vector<1x4096xf32> to vector<1x512xf32>
      %mul3A_686 = vector.broadcast %slice3A_685 : vector<1x512xf32> to vector<512x512xf32>
      %mul3A_687 = arith.mulf %mul3A_677, %mul3A_686 : vector<512x512xf32>
      %reduce_sum3A_688 = arith.constant dense<0.000000e+00> : vector<512xf32>
      %reduce_sum3A_689 = vector.multi_reduction <add>, %mul3A_687, %reduce_sum3A_688 [1] : vector<512x512xf32> to vector<512xf32>
      %broadcast_in_dim3A_690 = vector.shape_cast %reduce_sum3A_689 : vector<512xf32> to vector<512x1xf32>
      %add3A_691 = arith.addf %add3A_668, %broadcast_in_dim3A_690 : vector<512x1xf32>
      %slice3A_692 = vector.extract_strided_slice %reshape3A_546 {offsets = [0, 3072], sizes = [1, 512], strides = [1, 1]} : vector<1x4096xf32> to vector<1x512xf32>
      %eq3A_693 = vector.broadcast %slice3A_692 : vector<1x512xf32> to vector<512x512xf32>
      %eq3A_694 = vector.broadcast %convert_element_type3A_11 : vector<512x1xf32> to vector<512x512xf32>
      %eq3A_695 = arith.cmpf oeq, %eq3A_693, %eq3A_694 : vector<512x512xf32>
      %convert_element_type3A_696 = arith.extui %eq3A_695 : vector<512x512xi1> to vector<512x512xi32>
      %convert_element_type3A_697 = arith.sitofp %convert_element_type3A_696 : vector<512x512xi32> to vector<512x512xf32>
      %slice3A_698 = vector.extract_strided_slice %reshape3A_547 {offsets = [0, 3072], sizes = [1, 512], strides = [1, 1]} : vector<1x4096xf32> to vector<1x512xf32>
      %mul3A_699 = vector.broadcast %slice3A_698 : vector<1x512xf32> to vector<512x512xf32>
      %mul3A_700 = arith.mulf %convert_element_type3A_697, %mul3A_699 : vector<512x512xf32>
      %slice3A_701 = vector.extract_strided_slice %reshape3A_548 {offsets = [0, 3072], sizes = [1, 512], strides = [1, 1]} : vector<1x4096xf32> to vector<1x512xf32>
      %mul3A_702 = vector.broadcast %slice3A_701 : vector<1x512xf32> to vector<512x512xf32>
      %mul3A_703 = arith.mulf %mul3A_700, %mul3A_702 : vector<512x512xf32>
      %reduce_sum3A_704 = arith.constant dense<0.000000e+00> : vector<512xf32>
      %reduce_sum3A_705 = vector.multi_reduction <add>, %mul3A_703, %reduce_sum3A_704 [1] : vector<512x512xf32> to vector<512xf32>
      %broadcast_in_dim3A_706 = vector.shape_cast %reduce_sum3A_705 : vector<512xf32> to vector<512x1xf32>
      %add3A_707 = arith.addf %add3A_684, %broadcast_in_dim3A_706 : vector<512x1xf32>
      %slice3A_708 = vector.extract_strided_slice %reshape3A_549 {offsets = [0, 3072], sizes = [1, 512], strides = [1, 1]} : vector<1x4096xf32> to vector<1x512xf32>
      %mul3A_709 = vector.broadcast %slice3A_708 : vector<1x512xf32> to vector<512x512xf32>
      %mul3A_710 = arith.mulf %mul3A_700, %mul3A_709 : vector<512x512xf32>
      %reduce_sum3A_711 = arith.constant dense<0.000000e+00> : vector<512xf32>
      %reduce_sum3A_712 = vector.multi_reduction <add>, %mul3A_710, %reduce_sum3A_711 [1] : vector<512x512xf32> to vector<512xf32>
      %broadcast_in_dim3A_713 = vector.shape_cast %reduce_sum3A_712 : vector<512xf32> to vector<512x1xf32>
      %add3A_714 = arith.addf %add3A_691, %broadcast_in_dim3A_713 : vector<512x1xf32>
      %slice3A_715 = vector.extract_strided_slice %reshape3A_546 {offsets = [0, 3584], sizes = [1, 512], strides = [1, 1]} : vector<1x4096xf32> to vector<1x512xf32>
      %eq3A_716 = vector.broadcast %slice3A_715 : vector<1x512xf32> to vector<512x512xf32>
      %eq3A_717 = vector.broadcast %convert_element_type3A_11 : vector<512x1xf32> to vector<512x512xf32>
      %eq3A_718 = arith.cmpf oeq, %eq3A_716, %eq3A_717 : vector<512x512xf32>
      %convert_element_type3A_719 = arith.extui %eq3A_718 : vector<512x512xi1> to vector<512x512xi32>
      %convert_element_type3A_720 = arith.sitofp %convert_element_type3A_719 : vector<512x512xi32> to vector<512x512xf32>
      %slice3A_721 = vector.extract_strided_slice %reshape3A_547 {offsets = [0, 3584], sizes = [1, 512], strides = [1, 1]} : vector<1x4096xf32> to vector<1x512xf32>
      %mul3A_722 = vector.broadcast %slice3A_721 : vector<1x512xf32> to vector<512x512xf32>
      %mul3A_723 = arith.mulf %convert_element_type3A_720, %mul3A_722 : vector<512x512xf32>
      %slice3A_724 = vector.extract_strided_slice %reshape3A_548 {offsets = [0, 3584], sizes = [1, 512], strides = [1, 1]} : vector<1x4096xf32> to vector<1x512xf32>
      %mul3A_725 = vector.broadcast %slice3A_724 : vector<1x512xf32> to vector<512x512xf32>
      %mul3A_726 = arith.mulf %mul3A_723, %mul3A_725 : vector<512x512xf32>
      %reduce_sum3A_727 = arith.constant dense<0.000000e+00> : vector<512xf32>
      %reduce_sum3A_728 = vector.multi_reduction <add>, %mul3A_726, %reduce_sum3A_727 [1] : vector<512x512xf32> to vector<512xf32>
      %broadcast_in_dim3A_729 = vector.shape_cast %reduce_sum3A_728 : vector<512xf32> to vector<512x1xf32>
      %add3A_730 = arith.addf %add3A_707, %broadcast_in_dim3A_729 : vector<512x1xf32>
      %slice3A_731 = vector.extract_strided_slice %reshape3A_549 {offsets = [0, 3584], sizes = [1, 512], strides = [1, 1]} : vector<1x4096xf32> to vector<1x512xf32>
      %mul3A_732 = vector.broadcast %slice3A_731 : vector<1x512xf32> to vector<512x512xf32>
      %mul3A_733 = arith.mulf %mul3A_723, %mul3A_732 : vector<512x512xf32>
      %reduce_sum3A_734 = arith.constant dense<0.000000e+00> : vector<512xf32>
      %reduce_sum3A_735 = vector.multi_reduction <add>, %mul3A_733, %reduce_sum3A_734 [1] : vector<512x512xf32> to vector<512xf32>
      %broadcast_in_dim3A_736 = vector.shape_cast %reduce_sum3A_735 : vector<512xf32> to vector<512x1xf32>
      %add3A_737 = arith.addf %add3A_714, %broadcast_in_dim3A_736 : vector<512x1xf32>
      %broadcast_in_dim3A_738 = vector.broadcast %reduce_min3A_545 : f32 to vector<512x1xf32>
      %select_n3A_739 = arith.select %lt3A_17, %add3A_730, %broadcast_in_dim3A_738 : vector<512x1xi1>, vector<512x1xf32>
      %jit3A_740 = arith.constant 0xFF800000 : f32
      %broadcast_in_dim3A_741 = vector.broadcast %jit3A_740 : f32 to vector<512x1xf32>
      %select_n3A_742 = arith.select %lt3A_17, %add3A_737, %broadcast_in_dim3A_741 : vector<512x1xi1>, vector<512x1xf32>
      %transpose3A_743 = tpu.transpose %select_n3A_742, [1, 0] : vector<512x1xf32> -> vector<1x512xf32>
      %broadcast_in_dim3A_744 = arith.constant 0.000000e+00 : f32
      %broadcast_in_dim3A_745 = vector.broadcast %broadcast_in_dim3A_744 : f32 to vector<512x1xf32>
      %slice3A_746 = vector.extract_strided_slice %transpose3A_743 {offsets = [0, 0], sizes = [1, 128], strides = [1, 1]} : vector<1x512xf32> to vector<1x128xf32>
      %iota3A_747 = tpu.iota {dimensions = array<i32: 1>} : vector<1x128xi32>
      %add3A_748 = arith.constant 0 : i32
      %add3A_749 = vector.broadcast %add3A_748 : i32 to vector<1x128xi32>
      %add3A_750 = arith.addi %iota3A_747, %add3A_749 : vector<1x128xi32>
      %gt3A_751 = vector.broadcast %slice3A_746 : vector<1x128xf32> to vector<512x128xf32>
      %gt3A_752 = vector.broadcast %select_n3A_742 : vector<512x1xf32> to vector<512x128xf32>
      %gt3A_753 = arith.cmpf ogt, %gt3A_751, %gt3A_752 : vector<512x128xf32>
      %eq3A_754 = vector.broadcast %slice3A_746 : vector<1x128xf32> to vector<512x128xf32>
      %eq3A_755 = vector.broadcast %select_n3A_742 : vector<512x1xf32> to vector<512x128xf32>
      %eq3A_756 = arith.cmpf oeq, %eq3A_754, %eq3A_755 : vector<512x128xf32>
      %lt3A_757 = vector.broadcast %add3A_750 : vector<1x128xi32> to vector<512x128xi32>
      %lt3A_758 = vector.broadcast %iota3A_14 : vector<512x1xi32> to vector<512x128xi32>
      %lt3A_759 = arith.cmpi slt, %lt3A_757, %lt3A_758 : vector<512x128xi32>
      %and3A_760 = arith.andi %eq3A_756, %lt3A_759 : vector<512x128xi1>
      %or3A_761 = arith.ori %gt3A_753, %and3A_760 : vector<512x128xi1>
      %convert_element_type3A_762 = arith.extui %or3A_761 : vector<512x128xi1> to vector<512x128xi32>
      %convert_element_type3A_763 = arith.sitofp %convert_element_type3A_762 : vector<512x128xi32> to vector<512x128xf32>
      %reduce_sum3A_764 = arith.constant dense<0.000000e+00> : vector<512xf32>
      %reduce_sum3A_765 = vector.multi_reduction <add>, %convert_element_type3A_763, %reduce_sum3A_764 [1] : vector<512x128xf32> to vector<512xf32>
      %broadcast_in_dim3A_766 = vector.shape_cast %reduce_sum3A_765 : vector<512xf32> to vector<512x1xf32>
      %add3A_767 = arith.addf %broadcast_in_dim3A_745, %broadcast_in_dim3A_766 : vector<512x1xf32>
      %slice3A_768 = vector.extract_strided_slice %transpose3A_743 {offsets = [0, 128], sizes = [1, 128], strides = [1, 1]} : vector<1x512xf32> to vector<1x128xf32>
      %iota3A_769 = tpu.iota {dimensions = array<i32: 1>} : vector<1x128xi32>
      %add3A_770 = arith.constant 128 : i32
      %add3A_771 = vector.broadcast %add3A_770 : i32 to vector<1x128xi32>
      %add3A_772 = arith.addi %iota3A_769, %add3A_771 : vector<1x128xi32>
      %gt3A_773 = vector.broadcast %slice3A_768 : vector<1x128xf32> to vector<512x128xf32>
      %gt3A_774 = vector.broadcast %select_n3A_742 : vector<512x1xf32> to vector<512x128xf32>
      %gt3A_775 = arith.cmpf ogt, %gt3A_773, %gt3A_774 : vector<512x128xf32>
      %eq3A_776 = vector.broadcast %slice3A_768 : vector<1x128xf32> to vector<512x128xf32>
      %eq3A_777 = vector.broadcast %select_n3A_742 : vector<512x1xf32> to vector<512x128xf32>
      %eq3A_778 = arith.cmpf oeq, %eq3A_776, %eq3A_777 : vector<512x128xf32>
      %lt3A_779 = vector.broadcast %add3A_772 : vector<1x128xi32> to vector<512x128xi32>
      %lt3A_780 = vector.broadcast %iota3A_14 : vector<512x1xi32> to vector<512x128xi32>
      %lt3A_781 = arith.cmpi slt, %lt3A_779, %lt3A_780 : vector<512x128xi32>
      %and3A_782 = arith.andi %eq3A_778, %lt3A_781 : vector<512x128xi1>
      %or3A_783 = arith.ori %gt3A_775, %and3A_782 : vector<512x128xi1>
      %convert_element_type3A_784 = arith.extui %or3A_783 : vector<512x128xi1> to vector<512x128xi32>
      %convert_element_type3A_785 = arith.sitofp %convert_element_type3A_784 : vector<512x128xi32> to vector<512x128xf32>
      %reduce_sum3A_786 = arith.constant dense<0.000000e+00> : vector<512xf32>
      %reduce_sum3A_787 = vector.multi_reduction <add>, %convert_element_type3A_785, %reduce_sum3A_786 [1] : vector<512x128xf32> to vector<512xf32>
      %broadcast_in_dim3A_788 = vector.shape_cast %reduce_sum3A_787 : vector<512xf32> to vector<512x1xf32>
      %add3A_789 = arith.addf %add3A_767, %broadcast_in_dim3A_788 : vector<512x1xf32>
      %slice3A_790 = vector.extract_strided_slice %transpose3A_743 {offsets = [0, 256], sizes = [1, 128], strides = [1, 1]} : vector<1x512xf32> to vector<1x128xf32>
      %iota3A_791 = tpu.iota {dimensions = array<i32: 1>} : vector<1x128xi32>
      %add3A_792 = arith.constant 256 : i32
      %add3A_793 = vector.broadcast %add3A_792 : i32 to vector<1x128xi32>
      %add3A_794 = arith.addi %iota3A_791, %add3A_793 : vector<1x128xi32>
      %gt3A_795 = vector.broadcast %slice3A_790 : vector<1x128xf32> to vector<512x128xf32>
      %gt3A_796 = vector.broadcast %select_n3A_742 : vector<512x1xf32> to vector<512x128xf32>
      %gt3A_797 = arith.cmpf ogt, %gt3A_795, %gt3A_796 : vector<512x128xf32>
      %eq3A_798 = vector.broadcast %slice3A_790 : vector<1x128xf32> to vector<512x128xf32>
      %eq3A_799 = vector.broadcast %select_n3A_742 : vector<512x1xf32> to vector<512x128xf32>
      %eq3A_800 = arith.cmpf oeq, %eq3A_798, %eq3A_799 : vector<512x128xf32>
      %lt3A_801 = vector.broadcast %add3A_794 : vector<1x128xi32> to vector<512x128xi32>
      %lt3A_802 = vector.broadcast %iota3A_14 : vector<512x1xi32> to vector<512x128xi32>
      %lt3A_803 = arith.cmpi slt, %lt3A_801, %lt3A_802 : vector<512x128xi32>
      %and3A_804 = arith.andi %eq3A_800, %lt3A_803 : vector<512x128xi1>
      %or3A_805 = arith.ori %gt3A_797, %and3A_804 : vector<512x128xi1>
      %convert_element_type3A_806 = arith.extui %or3A_805 : vector<512x128xi1> to vector<512x128xi32>
      %convert_element_type3A_807 = arith.sitofp %convert_element_type3A_806 : vector<512x128xi32> to vector<512x128xf32>
      %reduce_sum3A_808 = arith.constant dense<0.000000e+00> : vector<512xf32>
      %reduce_sum3A_809 = vector.multi_reduction <add>, %convert_element_type3A_807, %reduce_sum3A_808 [1] : vector<512x128xf32> to vector<512xf32>
      %broadcast_in_dim3A_810 = vector.shape_cast %reduce_sum3A_809 : vector<512xf32> to vector<512x1xf32>
      %add3A_811 = arith.addf %add3A_789, %broadcast_in_dim3A_810 : vector<512x1xf32>
      %slice3A_812 = vector.extract_strided_slice %transpose3A_743 {offsets = [0, 384], sizes = [1, 128], strides = [1, 1]} : vector<1x512xf32> to vector<1x128xf32>
      %iota3A_813 = tpu.iota {dimensions = array<i32: 1>} : vector<1x128xi32>
      %add3A_814 = arith.constant 384 : i32
      %add3A_815 = vector.broadcast %add3A_814 : i32 to vector<1x128xi32>
      %add3A_816 = arith.addi %iota3A_813, %add3A_815 : vector<1x128xi32>
      %gt3A_817 = vector.broadcast %slice3A_812 : vector<1x128xf32> to vector<512x128xf32>
      %gt3A_818 = vector.broadcast %select_n3A_742 : vector<512x1xf32> to vector<512x128xf32>
      %gt3A_819 = arith.cmpf ogt, %gt3A_817, %gt3A_818 : vector<512x128xf32>
      %eq3A_820 = vector.broadcast %slice3A_812 : vector<1x128xf32> to vector<512x128xf32>
      %eq3A_821 = vector.broadcast %select_n3A_742 : vector<512x1xf32> to vector<512x128xf32>
      %eq3A_822 = arith.cmpf oeq, %eq3A_820, %eq3A_821 : vector<512x128xf32>
      %lt3A_823 = vector.broadcast %add3A_816 : vector<1x128xi32> to vector<512x128xi32>
      %lt3A_824 = vector.broadcast %iota3A_14 : vector<512x1xi32> to vector<512x128xi32>
      %lt3A_825 = arith.cmpi slt, %lt3A_823, %lt3A_824 : vector<512x128xi32>
      %and3A_826 = arith.andi %eq3A_822, %lt3A_825 : vector<512x128xi1>
      %or3A_827 = arith.ori %gt3A_819, %and3A_826 : vector<512x128xi1>
      %convert_element_type3A_828 = arith.extui %or3A_827 : vector<512x128xi1> to vector<512x128xi32>
      %convert_element_type3A_829 = arith.sitofp %convert_element_type3A_828 : vector<512x128xi32> to vector<512x128xf32>
      %reduce_sum3A_830 = arith.constant dense<0.000000e+00> : vector<512xf32>
      %reduce_sum3A_831 = vector.multi_reduction <add>, %convert_element_type3A_829, %reduce_sum3A_830 [1] : vector<512x128xf32> to vector<512xf32>
      %broadcast_in_dim3A_832 = vector.shape_cast %reduce_sum3A_831 : vector<512xf32> to vector<512x1xf32>
      %add3A_833 = arith.addf %add3A_811, %broadcast_in_dim3A_832 : vector<512x1xf32>
      %broadcast_in_dim3A_834 = arith.constant 0.000000e+00 : f32
      %broadcast_in_dim3A_835 = vector.broadcast %broadcast_in_dim3A_834 : f32 to vector<1x512xf32>
      %slice3A_836 = vector.extract_strided_slice %add3A_833 {offsets = [0, 0], sizes = [128, 1], strides = [1, 1]} : vector<512x1xf32> to vector<128x1xf32>
      %slice3A_837 = vector.extract_strided_slice %select_n3A_742 {offsets = [0, 0], sizes = [128, 1], strides = [1, 1]} : vector<512x1xf32> to vector<128x1xf32>
      %eq3A_838 = vector.broadcast %slice3A_836 : vector<128x1xf32> to vector<128x512xf32>
      %eq3A_839 = vector.broadcast %convert_element_type3A_13 : vector<1x512xf32> to vector<128x512xf32>
      %eq3A_840 = arith.cmpf oeq, %eq3A_838, %eq3A_839 : vector<128x512xf32>
      %convert_element_type3A_841 = arith.extui %eq3A_840 : vector<128x512xi1> to vector<128x512xi32>
      %convert_element_type3A_842 = arith.sitofp %convert_element_type3A_841 : vector<128x512xi32> to vector<128x512xf32>
      %mul3A_843 = vector.broadcast %slice3A_837 : vector<128x1xf32> to vector<128x512xf32>
      %mul3A_844 = arith.mulf %convert_element_type3A_842, %mul3A_843 : vector<128x512xf32>
      %reduce_sum3A_845 = arith.constant dense<0.000000e+00> : vector<512xf32>
      %reduce_sum3A_846 = vector.multi_reduction <add>, %mul3A_844, %reduce_sum3A_845 [0] : vector<128x512xf32> to vector<512xf32>
      %broadcast_in_dim3A_847 = vector.shape_cast %reduce_sum3A_846 : vector<512xf32> to vector<1x512xf32>
      %add3A_848 = arith.addf %broadcast_in_dim3A_835, %broadcast_in_dim3A_847 : vector<1x512xf32>
      %slice3A_849 = vector.extract_strided_slice %add3A_833 {offsets = [128, 0], sizes = [128, 1], strides = [1, 1]} : vector<512x1xf32> to vector<128x1xf32>
      %slice3A_850 = vector.extract_strided_slice %select_n3A_742 {offsets = [128, 0], sizes = [128, 1], strides = [1, 1]} : vector<512x1xf32> to vector<128x1xf32>
      %eq3A_851 = vector.broadcast %slice3A_849 : vector<128x1xf32> to vector<128x512xf32>
      %eq3A_852 = vector.broadcast %convert_element_type3A_13 : vector<1x512xf32> to vector<128x512xf32>
      %eq3A_853 = arith.cmpf oeq, %eq3A_851, %eq3A_852 : vector<128x512xf32>
      %convert_element_type3A_854 = arith.extui %eq3A_853 : vector<128x512xi1> to vector<128x512xi32>
      %convert_element_type3A_855 = arith.sitofp %convert_element_type3A_854 : vector<128x512xi32> to vector<128x512xf32>
      %mul3A_856 = vector.broadcast %slice3A_850 : vector<128x1xf32> to vector<128x512xf32>
      %mul3A_857 = arith.mulf %convert_element_type3A_855, %mul3A_856 : vector<128x512xf32>
      %reduce_sum3A_858 = arith.constant dense<0.000000e+00> : vector<512xf32>
      %reduce_sum3A_859 = vector.multi_reduction <add>, %mul3A_857, %reduce_sum3A_858 [0] : vector<128x512xf32> to vector<512xf32>
      %broadcast_in_dim3A_860 = vector.shape_cast %reduce_sum3A_859 : vector<512xf32> to vector<1x512xf32>
      %add3A_861 = arith.addf %add3A_848, %broadcast_in_dim3A_860 : vector<1x512xf32>
      %slice3A_862 = vector.extract_strided_slice %add3A_833 {offsets = [256, 0], sizes = [128, 1], strides = [1, 1]} : vector<512x1xf32> to vector<128x1xf32>
      %slice3A_863 = vector.extract_strided_slice %select_n3A_742 {offsets = [256, 0], sizes = [128, 1], strides = [1, 1]} : vector<512x1xf32> to vector<128x1xf32>
      %eq3A_864 = vector.broadcast %slice3A_862 : vector<128x1xf32> to vector<128x512xf32>
      %eq3A_865 = vector.broadcast %convert_element_type3A_13 : vector<1x512xf32> to vector<128x512xf32>
      %eq3A_866 = arith.cmpf oeq, %eq3A_864, %eq3A_865 : vector<128x512xf32>
      %convert_element_type3A_867 = arith.extui %eq3A_866 : vector<128x512xi1> to vector<128x512xi32>
      %convert_element_type3A_868 = arith.sitofp %convert_element_type3A_867 : vector<128x512xi32> to vector<128x512xf32>
      %mul3A_869 = vector.broadcast %slice3A_863 : vector<128x1xf32> to vector<128x512xf32>
      %mul3A_870 = arith.mulf %convert_element_type3A_868, %mul3A_869 : vector<128x512xf32>
      %reduce_sum3A_871 = arith.constant dense<0.000000e+00> : vector<512xf32>
      %reduce_sum3A_872 = vector.multi_reduction <add>, %mul3A_870, %reduce_sum3A_871 [0] : vector<128x512xf32> to vector<512xf32>
      %broadcast_in_dim3A_873 = vector.shape_cast %reduce_sum3A_872 : vector<512xf32> to vector<1x512xf32>
      %add3A_874 = arith.addf %add3A_861, %broadcast_in_dim3A_873 : vector<1x512xf32>
      %slice3A_875 = vector.extract_strided_slice %add3A_833 {offsets = [384, 0], sizes = [128, 1], strides = [1, 1]} : vector<512x1xf32> to vector<128x1xf32>
      %slice3A_876 = vector.extract_strided_slice %select_n3A_742 {offsets = [384, 0], sizes = [128, 1], strides = [1, 1]} : vector<512x1xf32> to vector<128x1xf32>
      %eq3A_877 = vector.broadcast %slice3A_875 : vector<128x1xf32> to vector<128x512xf32>
      %eq3A_878 = vector.broadcast %convert_element_type3A_13 : vector<1x512xf32> to vector<128x512xf32>
      %eq3A_879 = arith.cmpf oeq, %eq3A_877, %eq3A_878 : vector<128x512xf32>
      %convert_element_type3A_880 = arith.extui %eq3A_879 : vector<128x512xi1> to vector<128x512xi32>
      %convert_element_type3A_881 = arith.sitofp %convert_element_type3A_880 : vector<128x512xi32> to vector<128x512xf32>
      %mul3A_882 = vector.broadcast %slice3A_876 : vector<128x1xf32> to vector<128x512xf32>
      %mul3A_883 = arith.mulf %convert_element_type3A_881, %mul3A_882 : vector<128x512xf32>
      %reduce_sum3A_884 = arith.constant dense<0.000000e+00> : vector<512xf32>
      %reduce_sum3A_885 = vector.multi_reduction <add>, %mul3A_883, %reduce_sum3A_884 [0] : vector<128x512xf32> to vector<512xf32>
      %broadcast_in_dim3A_886 = vector.shape_cast %reduce_sum3A_885 : vector<512xf32> to vector<1x512xf32>
      %add3A_887 = arith.addf %add3A_874, %broadcast_in_dim3A_886 : vector<1x512xf32>
      %jit3A_888 = arith.constant 0.000000e+00 : f32
      %broadcast_in_dim3A_889 = vector.broadcast %jit3A_888 : f32 to vector<1x512xf32>
      %select_n3A_890 = arith.select %lt3A_20, %add3A_887, %broadcast_in_dim3A_889 : vector<1x512xi1>, vector<1x512xf32>
      %transpose3A_891 = tpu.transpose %select_n3A_739, [1, 0] : vector<512x1xf32> -> vector<1x512xf32>
      %convert_element_type3A_892 = arith.fptosi %transpose3A_891 : vector<1x512xf32> to vector<1x512xi32>
      %add3A_893 = arith.constant 4096 : i32
      %add3A_894 = vector.broadcast %add3A_893 : i32 to vector<1x512xi32>
      %add3A_895 = arith.addi %convert_element_type3A_892, %add3A_894 : vector<1x512xi32>
      %swap3A_896 = arith.constant 1 : index
      %swap3A_897 = arith.constant 0 : index
      %swap3A_898 = vector.load %arg3[%swap3A_896, %swap3A_897] : memref<2x512xi32, #tpu.memory_space<vmem>>, vector<1x512xi32>
      tpu.vector_store %arg3[%swap3A_896, %swap3A_897], %add3A_895 {strides = array<i32>} : memref<2x512xi32, #tpu.memory_space<vmem>>, vector<1x512xi32>,
      %swap3A_899 = arith.constant 1 : index
      %swap3A_900 = arith.constant 0 : index
      %swap3A_901 = vector.load %arg4[%swap3A_899, %swap3A_900] : memref<2x512xf32, #tpu.memory_space<vmem>>, vector<1x512xf32>
      tpu.vector_store %arg4[%swap3A_899, %swap3A_900], %select_n3A_890 {strides = array<i32>} : memref<2x512xf32, #tpu.memory_space<vmem>>, vector<1x512xf32>,
      %get3A_902 = arith.constant 0 : index
      %get3A_903 = arith.constant 0 : index
      %get3A_904 = vector.load %arg7[%get3A_902, %get3A_903] : memref<2x4096xf32, #tpu.memory_space<vmem>>, vector<2x4096xf32>
      %logistic3A = arith.negf %get3A_904 : vector<2x4096xf32>
      %logistic3A_905 = math.exp %logistic3A : vector<2x4096xf32>
      %logistic3A_906 = arith.constant 1.000000e+00 : f32
      %logistic3A_907 = vector.broadcast %logistic3A_906 : f32 to vector<2x4096xf32>
      %logistic3A_908 = arith.addf %logistic3A_907, %logistic3A_905 : vector<2x4096xf32>
      %logistic3A_909 = arith.divf %logistic3A_907, %logistic3A_908 : vector<2x4096xf32>
      %jit3A_910 = arith.constant 1.000000e-07 : f32
      %jit3A_911 = arith.constant 0.99999988 : f32
      %max3A = vector.broadcast %jit3A_910 : f32 to vector<2x4096xf32>
      %max3A_912 = arith.maximumf %max3A, %logistic3A_909 : vector<2x4096xf32>
      %min3A = vector.broadcast %jit3A_911 : f32 to vector<2x4096xf32>
      %min3A_913 = arith.minimumf %min3A, %max3A_912 : vector<2x4096xf32>
      %log3A = math.log %min3A_913 : vector<2x4096xf32>
      %sub3A_914 = arith.constant 1.000000e+00 : f32
      %sub3A_915 = vector.broadcast %sub3A_914 : f32 to vector<2x4096xf32>
      %sub3A_916 = arith.subf %sub3A_915, %min3A_913 : vector<2x4096xf32>
      %log3A_917 = math.log %sub3A_916 : vector<2x4096xf32>
      %reduce_sum3A_918 = vector.shape_cast %log3A_917 : vector<2x4096xf32> to vector<1x2x4096xf32>
      %reduce_sum3A_919 = arith.constant dense<0.000000e+00> : vector<1xf32>
      %reduce_sum3A_920 = vector.multi_reduction <add>, %reduce_sum3A_918, %reduce_sum3A_919 [1, 2] : vector<1x2x4096xf32> to vector<1xf32>
      %reduce_sum3A_921 = vector.shape_cast %reduce_sum3A_920 : vector<1xf32> to vector<1x1x1xf32>
      %reduce_sum3A_922 = vector.extract %reduce_sum3A_921[0, 0, 0] : f32 from vector<1x1x1xf32>
      %add3A_923 = arith.addf %add3A_70, %add3A_513 : vector<32x128xf32>
      %min3A_924 = arith.constant 1.000000e+00 : f32
      %min3A_925 = vector.broadcast %min3A_924 : f32 to vector<32x128xf32>
      %min3A_926 = arith.minimumf %add3A_923, %min3A_925 : vector<32x128xf32>
      %slice3A_927 = vector.extract_strided_slice %log3A {offsets = [0, 0], sizes = [1, 4096], strides = [1, 1]} : vector<2x4096xf32> to vector<1x4096xf32>
      %squeeze3A = vector.shape_cast %slice3A_927 : vector<1x4096xf32> to vector<4096xf32>
      %slice3A_928 = vector.extract_strided_slice %log3A_917 {offsets = [0, 0], sizes = [1, 4096], strides = [1, 1]} : vector<2x4096xf32> to vector<1x4096xf32>
      %squeeze3A_929 = vector.shape_cast %slice3A_928 : vector<1x4096xf32> to vector<4096xf32>
      %sub3A_930 = arith.subf %squeeze3A, %squeeze3A_929 : vector<4096xf32>
      %reshape3A_931 = vector.shape_cast %sub3A_930 : vector<4096xf32> to vector<32x128xf32>
      %mul3A_932 = arith.mulf %min3A_926, %reshape3A_931 : vector<32x128xf32>
      %reduce_sum3A_933 = vector.shape_cast %mul3A_932 : vector<32x128xf32> to vector<1x32x128xf32>
      %reduce_sum3A_934 = arith.constant dense<0.000000e+00> : vector<1xf32>
      %reduce_sum3A_935 = vector.multi_reduction <add>, %reduce_sum3A_933, %reduce_sum3A_934 [1, 2] : vector<1x32x128xf32> to vector<1xf32>
      %reduce_sum3A_936 = vector.shape_cast %reduce_sum3A_935 : vector<1xf32> to vector<1x1x1xf32>
      %reduce_sum3A_937 = vector.extract %reduce_sum3A_936[0, 0, 0] : f32 from vector<1x1x1xf32>
      %add3A_938 = arith.addf %reduce_sum3A_922, %reduce_sum3A_937 : f32
      %neg3A = arith.constant 0.000000e+00 : f32
      %neg3A_939 = arith.subf %neg3A, %add3A_938 : f32
      %div3A = arith.constant 8.192000e+03 : f32
      %div3A_940 = arith.divf %neg3A_939, %div3A : f32
      %reshape3A_941 = vector.broadcast %div3A_940 : f32 to vector<1x1xf32>
      %swap3A_942 = arith.constant 0 : index
      %swap3A_943 = arith.constant 0 : index
      %swap3A_944 = vector.load %arg5[%swap3A_942, %swap3A_943] : memref<1x1xf32, #tpu.memory_space<vmem>>, vector<1x1xf32>
      tpu.vector_store %arg5[%swap3A_942, %swap3A_943], %reshape3A_941 {strides = array<i32>} : memref<1x1xf32, #tpu.memory_space<vmem>>, vector<1x1xf32>,
    } else {
    }
    return
  }
  func.func @transform_0(%arg0: i32) -> (i32, i32, i32) {
    %min3A = arith.constant 7 : i32
    %min3A_0 = arith.minsi %arg0, %min3A : i32
    %c0_i32 = arith.constant 0 : i32
    %c0_i32_1 = arith.constant 0 : i32
    %c0_i32_2 = arith.constant 0 : i32
    return %c0_i32, %min3A_0, %c0_i32_1 : i32, i32, i32
  }
  func.func @transform_1(%arg0: i32) -> (i32, i32) {
    %c0_i32 = arith.constant 0 : i32
    %c0_i32_0 = arith.constant 0 : i32
    %c0_i32_1 = arith.constant 0 : i32
    return %c0_i32, %c0_i32_0 : i32, i32
  }
  func.func @transform_2(%arg0: i32) -> (i32, i32) {
    %c0_i32 = arith.constant 0 : i32
    %c0_i32_0 = arith.constant 0 : i32
    %c0_i32_1 = arith.constant 0 : i32
    return %c0_i32, %c0_i32_0 : i32, i32
  }
  func.func @transform_3(%arg0: i32) -> (i32, i32) {
    %c0_i32 = arith.constant 0 : i32
    %c0_i32_0 = arith.constant 0 : i32
    %c0_i32_1 = arith.constant 0 : i32
    return %c0_i32, %c0_i32_0 : i32, i32
  }
  func.func @transform_4(%arg0: i32) -> (i32, i32) {
    %c0_i32 = arith.constant 0 : i32
    %c0_i32_0 = arith.constant 0 : i32
    %c0_i32_1 = arith.constant 0 : i32
    return %c0_i32, %c0_i32_0 : i32, i32
  }
}

module attributes {stable_mosaic.version = 14 : i64} {
  func.func @_mlp_body(%arg0: i32, %arg1: memref<1024x2048xf32, #tpu.memory_space<vmem>>, %arg2: memref<1024x1xf32, #tpu.memory_space<vmem>>, %arg3: memref<2048x512xf32, #tpu.memory_space<vmem>>, %arg4: memref<2048x512xf32, #tpu.memory_space<vmem>>, %arg5: memref<512x2048xf32, #tpu.memory_space<vmem>>, %arg6: memref<1024x2048xf32, #tpu.memory_space<vmem>>, %arg7: memref<1024x2048xbf16, #tpu.memory_space<vmem>>) attributes {dimension_semantics = [#tpu.dimension_semantics<arbitrary>], iteration_bounds = array<i64: 16>, scalar_prefetch = 0 : i64, scratch_operands = 1 : i64, tpu.core_type = #tpu.core_type<tc>, window_params = [{pipeline_mode = #tpu.pipeline_mode<synchronous>, transform_indices = @transform_0, window_bounds = array<i64: 1024, 2048>}, {pipeline_mode = #tpu.pipeline_mode<synchronous>, transform_indices = @transform_1, window_bounds = array<i64: 1024, 1>}, {transform_indices = @transform_2, window_bounds = array<i64: 2048, 512>}, {transform_indices = @transform_3, window_bounds = array<i64: 2048, 512>}, {transform_indices = @transform_4, window_bounds = array<i64: 512, 2048>}, {pipeline_mode = #tpu.pipeline_mode<synchronous>, transform_indices = @transform_5, window_bounds = array<i64: 1024, 2048>}]} {
    %eq3A = arith.constant 0 : i32
    %eq3A_0 = arith.cmpi eq, %arg0, %eq3A : i32
    %convert_element_type3A = arith.extui %eq3A_0 : i1 to i32
    %cond3A = arith.constant 0 : i32
    %cond3A_1 = arith.cmpi ne, %convert_element_type3A, %cond3A : i32
    scf.if %cond3A_1 {
      %get3A_38 = arith.constant 0 : index
      %get3A_39 = arith.constant 0 : index
      %get3A_40 = vector.load %arg1[%get3A_38, %get3A_39] : memref<1024x2048xf32, #tpu.memory_space<vmem>>, vector<1024x2048xf32>
      %convert_element_type3A_41 = arith.truncf %get3A_40 : vector<1024x2048xf32> to vector<1024x2048xbf16>
      %swap3A_42 = arith.constant 0 : index
      %swap3A_43 = arith.constant 0 : index
      %swap3A_44 = vector.load %arg7[%swap3A_42, %swap3A_43] : memref<1024x2048xbf16, #tpu.memory_space<vmem>>, vector<1024x2048xbf16>
      tpu.vector_store %arg7[%swap3A_42, %swap3A_43], %convert_element_type3A_41 {strides = array<i32>} : memref<1024x2048xbf16, #tpu.memory_space<vmem>>, vector<1024x2048xbf16>,
      %broadcast_in_dim3A = arith.constant 0.000000e+00 : f32
      %broadcast_in_dim3A_45 = vector.broadcast %broadcast_in_dim3A : f32 to vector<1024x2048xf32>
      %swap3A_46 = arith.constant 0 : index
      %swap3A_47 = arith.constant 0 : index
      %swap3A_48 = vector.load %arg6[%swap3A_46, %swap3A_47] : memref<1024x2048xf32, #tpu.memory_space<vmem>>, vector<1024x2048xf32>
      tpu.vector_store %arg6[%swap3A_46, %swap3A_47], %broadcast_in_dim3A_45 {strides = array<i32>} : memref<1024x2048xf32, #tpu.memory_space<vmem>>, vector<1024x2048xf32>,
    } else {
    }
    %get3A = arith.constant 0 : index
    %get3A_2 = arith.constant 0 : index
    %get3A_3 = vector.load %arg7[%get3A, %get3A_2] : memref<1024x2048xbf16, #tpu.memory_space<vmem>>, vector<1024x2048xbf16>
    %get3A_4 = arith.constant 0 : index
    %get3A_5 = arith.constant 0 : index
    %get3A_6 = vector.load %arg3[%get3A_4, %get3A_5] : memref<2048x512xf32, #tpu.memory_space<vmem>>, vector<2048x512xf32>
    %convert_element_type3A_7 = arith.truncf %get3A_6 : vector<2048x512xf32> to vector<2048x512xbf16>
    %dot_general3A = arith.constant dense<0.000000e+00> : vector<1024x512xf32>
    %dot_general3A_8 = tpu.matmul %get3A_3, %convert_element_type3A_7, %dot_general3A {dimension_numbers = #tpu.dot_dimension_numbers<[1], [0], [0], [1], [0, 0, 1, 1], [], []>, transpose_lhs_hint = false} : vector<1024x2048xbf16>, vector<2048x512xbf16>, vector<1024x512xf32> -> vector<1024x512xf32>
    %get3A_9 = arith.constant 0 : index
    %get3A_10 = arith.constant 0 : index
    %get3A_11 = vector.load %arg4[%get3A_9, %get3A_10] : memref<2048x512xf32, #tpu.memory_space<vmem>>, vector<2048x512xf32>
    %convert_element_type3A_12 = arith.truncf %get3A_11 : vector<2048x512xf32> to vector<2048x512xbf16>
    %dot_general3A_13 = arith.constant dense<0.000000e+00> : vector<1024x512xf32>
    %dot_general3A_14 = tpu.matmul %get3A_3, %convert_element_type3A_12, %dot_general3A_13 {dimension_numbers = #tpu.dot_dimension_numbers<[1], [0], [0], [1], [0, 0, 1, 1], [], []>, transpose_lhs_hint = false} : vector<1024x2048xbf16>, vector<2048x512xbf16>, vector<1024x512xf32> -> vector<1024x512xf32>
    %logistic3A = arith.negf %dot_general3A_8 : vector<1024x512xf32>
    %logistic3A_15 = math.exp %logistic3A : vector<1024x512xf32>
    %logistic3A_16 = arith.constant 1.000000e+00 : f32
    %logistic3A_17 = vector.broadcast %logistic3A_16 : f32 to vector<1024x512xf32>
    %logistic3A_18 = arith.addf %logistic3A_17, %logistic3A_15 : vector<1024x512xf32>
    %logistic3A_19 = arith.divf %logistic3A_17, %logistic3A_18 : vector<1024x512xf32>
    %mul3A = arith.mulf %dot_general3A_8, %logistic3A_19 : vector<1024x512xf32>
    %mul3A_20 = arith.mulf %mul3A, %dot_general3A_14 : vector<1024x512xf32>
    %convert_element_type3A_21 = arith.truncf %mul3A_20 : vector<1024x512xf32> to vector<1024x512xbf16>
    %get3A_22 = arith.constant 0 : index
    %get3A_23 = arith.constant 0 : index
    %get3A_24 = vector.load %arg6[%get3A_22, %get3A_23] : memref<1024x2048xf32, #tpu.memory_space<vmem>>, vector<1024x2048xf32>
    %get3A_25 = arith.constant 0 : index
    %get3A_26 = arith.constant 0 : index
    %get3A_27 = vector.load %arg5[%get3A_25, %get3A_26] : memref<512x2048xf32, #tpu.memory_space<vmem>>, vector<512x2048xf32>
    %convert_element_type3A_28 = arith.truncf %get3A_27 : vector<512x2048xf32> to vector<512x2048xbf16>
    %dot_general3A_29 = arith.constant dense<0.000000e+00> : vector<1024x2048xf32>
    %dot_general3A_30 = tpu.matmul %convert_element_type3A_21, %convert_element_type3A_28, %dot_general3A_29 {dimension_numbers = #tpu.dot_dimension_numbers<[1], [0], [0], [1], [0, 0, 1, 1], [], []>, transpose_lhs_hint = false} : vector<1024x512xbf16>, vector<512x2048xbf16>, vector<1024x2048xf32> -> vector<1024x2048xf32>
    %add3A = arith.addf %get3A_24, %dot_general3A_30 : vector<1024x2048xf32>
    %swap3A = arith.constant 0 : index
    %swap3A_31 = arith.constant 0 : index
    %swap3A_32 = vector.load %arg6[%swap3A, %swap3A_31] : memref<1024x2048xf32, #tpu.memory_space<vmem>>, vector<1024x2048xf32>
    tpu.vector_store %arg6[%swap3A, %swap3A_31], %add3A {strides = array<i32>} : memref<1024x2048xf32, #tpu.memory_space<vmem>>, vector<1024x2048xf32>,
    %eq3A_33 = arith.constant 15 : i32
    %eq3A_34 = arith.cmpi eq, %arg0, %eq3A_33 : i32
    %convert_element_type3A_35 = arith.extui %eq3A_34 : i1 to i32
    %cond3A_36 = arith.constant 0 : i32
    %cond3A_37 = arith.cmpi ne, %convert_element_type3A_35, %cond3A_36 : i32
    scf.if %cond3A_37 {
      %get3A_38 = arith.constant 0 : index
      %get3A_39 = arith.constant 0 : index
      %get3A_40 = vector.load %arg1[%get3A_38, %get3A_39] : memref<1024x2048xf32, #tpu.memory_space<vmem>>, vector<1024x2048xf32>
      %get3A_41 = arith.constant 0 : index
      %get3A_42 = arith.constant 0 : index
      %get3A_43 = vector.load %arg2[%get3A_41, %get3A_42] : memref<1024x1xf32, #tpu.memory_space<vmem>>, vector<1024x1xf32>
      %get3A_44 = arith.constant 0 : index
      %get3A_45 = arith.constant 0 : index
      %get3A_46 = vector.load %arg6[%get3A_44, %get3A_45] : memref<1024x2048xf32, #tpu.memory_space<vmem>>, vector<1024x2048xf32>
      %mul3A_47 = vector.broadcast %get3A_43 : vector<1024x1xf32> to vector<1024x2048xf32>
      %mul3A_48 = arith.mulf %mul3A_47, %get3A_46 : vector<1024x2048xf32>
      %add3A_49 = arith.addf %get3A_40, %mul3A_48 : vector<1024x2048xf32>
      %swap3A_50 = arith.constant 0 : index
      %swap3A_51 = arith.constant 0 : index
      %swap3A_52 = vector.load %arg6[%swap3A_50, %swap3A_51] : memref<1024x2048xf32, #tpu.memory_space<vmem>>, vector<1024x2048xf32>
      tpu.vector_store %arg6[%swap3A_50, %swap3A_51], %add3A_49 {strides = array<i32>} : memref<1024x2048xf32, #tpu.memory_space<vmem>>, vector<1024x2048xf32>,
    } else {
    }
    return
  }
  func.func @transform_0(%arg0: i32) -> (i32, i32) {
    %c0_i32 = arith.constant 0 : i32
    %c0_i32_0 = arith.constant 0 : i32
    %c0_i32_1 = arith.constant 0 : i32
    return %c0_i32, %c0_i32_0 : i32, i32
  }
  func.func @transform_1(%arg0: i32) -> (i32, i32) {
    %c0_i32 = arith.constant 0 : i32
    %c0_i32_0 = arith.constant 0 : i32
    %c0_i32_1 = arith.constant 0 : i32
    return %c0_i32, %c0_i32_0 : i32, i32
  }
  func.func @transform_2(%arg0: i32) -> (i32, i32) {
    %c0_i32 = arith.constant 0 : i32
    %c0_i32_0 = arith.constant 0 : i32
    return %c0_i32, %arg0 : i32, i32
  }
  func.func @transform_3(%arg0: i32) -> (i32, i32) {
    %c0_i32 = arith.constant 0 : i32
    %c0_i32_0 = arith.constant 0 : i32
    return %c0_i32, %arg0 : i32, i32
  }
  func.func @transform_4(%arg0: i32) -> (i32, i32) {
    %c0_i32 = arith.constant 0 : i32
    %c0_i32_0 = arith.constant 0 : i32
    return %arg0, %c0_i32 : i32, i32
  }
  func.func @transform_5(%arg0: i32) -> (i32, i32) {
    %c0_i32 = arith.constant 0 : i32
    %c0_i32_0 = arith.constant 0 : i32
    %c0_i32_1 = arith.constant 0 : i32
    return %c0_i32, %c0_i32_0 : i32, i32
  }
}

</mosaic_0001>

<sc_bundles>
// kernel: kernel.6.cloned.1.call-start
scs
__scs_entry_jumppad:
0x0: {  	(pc) =	sbr.rel $0x88, $3  }
0x1: {  	(tag) =	ssettag $0x0;
	lr =	simm.s32 $0x1  }
0x2: {  	[smem:$0x3F9B] =	sst lr;
	_ =	strace $0xD0000000  }
0x3: {  	_ = 	snop  }
0x4: {  	_ = 	snop  }
0x5: {  	_ = 	snop  }
0x6: {  	_ = 	snop  }
0x7: {  	_ = 	snop  }
__scs_overlays_trampoline_lowered:
0x8: {  	[smem:$0x3FAA] =	sst s0  }
0x9: {  	[smem:$0x3FAB] =	sst s1  }
0xa: {  	[smem:$0x3FAC] =	sst s2  }
0xb: {  	[smem:$0x3FAD] =	sst s3  }
0xc: {  	[smem:$0x3FAE] =	sst s4  }
0xd: {  	[smem:$0x3FAF] =	sst s5  }
0xe: {  	[smem:$0x3FB0] =	sst s6  }
0xf: {  	[smem:$0x3FB1] =	sst s7  }
0x10: {  	[smem:$0x3FB2] =	sst s8  }
0x11: {  	[smem:$0x3FB3] =	sst s9;
	s0 =	simm.s32 @!p0 $0x0  }
0x12: {  	s1 =	sld [smem:$0x3F99];
	s0 =	simm.s32 @p0 $0x1  }
0x13: {  	[smem:$0x3FB4] =	sst s0;
	s0 =	simm.s32 @!p1 $0x0  }
0x14: {  	s2 =	sld [smem:$0x3F98];
	s0 =	simm.s32 @p1 $0x1  }
0x15: {  	[smem:$0x3FB5] =	sst s0;
	s0 =	simm.s32 @!p2 $0x0  }
0x16: {  	s3 =	sld [smem:$0x3FDB];
	s0 =	simm.s32 @p2 $0x1  }
0x17: {  	s4 =	simm.s32 $0x1BF5;
	[smem:$0x3FB7] =	sst s0  }
0x18: {  	s0 =	sld [smem:$0x3F9A];
	_ =	swait.ge [sflag:s4], $0x0  }
0x19: {  	s7 =	sld [smem:$0x3F9B]  }
0x1a: {  	s8 =	sadd.s32 $0xFFFFE003, lr  }
0x1b: {  	s9 =	sadd.s32 $0xFFFFFEF7, lr;
	s5 =	simm.s32 $0xFFFFFFFF;
	p2 =	slt.u32 s8, $0xFFFFF086  }
0x1c: {  	p1 =	slt.u32 s9, $0xF7A;
	s5 =	simm.s32 @!p2 $0x0  }
0x1d: {  	s5 =	simm.s32 @p1 $0x1;
	p0 =	seq.s32 s7, s2  }
0x1e: {  	s7 =	smul.u32 @!p0 $0xF7A, s2;
	p2 =	seq.s32 @!p0 s5, $0x0  }
0x1f: {  	s9 =	smul.u32 $0xF7A, s1;
	s8 =	simm.s32 @!p0 $0x1BF5;
	p2 =	por !p2, p0  }
0x20: {  	[sflag:s8] =	ssyncset.s32 @!p0 $0xFFFFF086;
	s6 =	sadd.s32 @!p0 s3, s7;
	s7 =	simm.s32 @!p0 $0x108  }
0x21: {  	s3 =	sadd.s32 s3, s9;
	s6 =	sadd.s32 @!p0 $0x88, s6;
	s7 =	simm.s32 @p2 $0x1082  }
0x22: {  	[simem:s7], [sflag:s8] =	dma.local @!p0 [hbm:s6], $0xF7A  }
0x23: {  	s9 =	sor.u32 $0xD0000000, s2;
	s6 =	simm.s32 $0x108;
	_ =	swait.ge @!p0 [sflag:s8], $0x0  }
0x24: {  	s3 =	sadd.s32 $0x88, s3;
	s6 =	simm.s32 @!p1 $0x1082;
	[sflag:s4] =	ssyncset.s32 $0xFFFFF086  }
0x25: {  	[simem:s6], [sflag:s4] =	dma.local [hbm:s3], $0xF7A  }
0x26: {  	[smem:$0x3F9B] =	sst s1;
	(tag) =	ssettag s2;
	_ =	strace s9  }
0x27: {  	s1 =	sld [smem:$0x3FAB]  }
0x28: {  	s2 =	sld [smem:$0x3FAC]  }
0x29: {  	s4 =	sld [smem:$0x3FAE]  }
0x2a: {  	p0 =	seq.s32 s5, $0x0;
	s5 =	sld [smem:$0x3FAF]  }
0x2b: {  	s6 =	sld [smem:$0x3FB0]  }
0x2c: {  	s7 =	sld [smem:$0x3FB1]  }
0x2d: {  	s3 =	simm.s32 $0x108;
	s8 =	sld [smem:$0x3FB2]  }
0x2e: {  	s3 =	simm.s32 @!p0 $0x1082;
	s9 =	sld [smem:$0x3FB3]  }
0x2f: {  	lr =	sadd.s32 s0, s3;
	s0 =	sld [smem:$0x3FAA]  }
0x30: {  	s3 =	sld [smem:$0x3FAD]  }
0x31: {  	[smem:$0x3FB6] =	sst s10  }
0x32: {  	s10 =	sld [smem:$0x3FB4];
	_ =	sdelay $0x3  }
0x33: {  	p0 =	seq.s32 s10, $0x1;
	s10 =	sld [smem:$0x3FB6];
	_ =	sdelay $0x3  }
0x34: {  	[smem:$0x3FB6] =	sst s10  }
0x35: {  	s10 =	sld [smem:$0x3FB5];
	_ =	sdelay $0x3  }
0x36: {  	p1 =	seq.s32 s10, $0x1;
	s10 =	sld [smem:$0x3FB6];
	_ =	sdelay $0x3  }
0x37: {  	[smem:$0x3FB6] =	sst s10  }
0x38: {  	s10 =	sld [smem:$0x3FB7]  }
0x39: {  	_ = 	snop;
	(pc) =	sbr.ind lr, $3  }
0x3a: {  	_ = 	snop  }
0x3b: {  	_ = 	snop  }
0x3c: {  	p2 =	seq.s32 s10, $0x1;
	s10 =	sld [smem:$0x3FB6]  }
0x3d: {  	_ =	shalt  }
0x3e: {  	_ =	shalt  }
0x3f: {  	_ =	shalt  }
0x40: {  	_ =	shalt  }
0x41: {  	_ =	shalt  }
0x42: {  	_ =	shalt  }
0x43: {  	_ =	shalt  }
0x44: {  	_ =	shalt  }
0x45: {  	_ =	shalt  }
0x46: {  	_ =	shalt  }
0x47: {  	_ =	shalt  }
0x48: {  	_ =	shalt  }
0x49: {  	_ =	shalt  }
0x4a: {  	_ =	shalt  }
0x4b: {  	_ =	shalt  }
0x4c: {  	_ =	shalt  }
0x4d: {  	_ =	shalt  }
0x4e: {  	_ =	shalt  }
0x4f: {  	_ =	shalt  }
0x50: {  	_ =	shalt  }
0x51: {  	_ =	shalt  }
0x52: {  	_ =	shalt  }
0x53: {  	_ =	shalt  }
0x54: {  	_ =	shalt  }
0x55: {  	_ =	shalt  }
0x56: {  	_ =	shalt  }
0x57: {  	_ =	shalt  }
0x58: {  	_ =	shalt  }
0x59: {  	_ =	shalt  }
0x5a: {  	_ =	shalt  }
0x5b: {  	_ =	shalt  }
0x5c: {  	_ =	shalt  }
0x5d: {  	_ =	shalt  }
0x5e: {  	_ =	shalt  }
0x5f: {  	_ =	shalt  }
0x60: {  	_ =	shalt  }
0x61: {  	_ =	shalt  }
0x62: {  	_ =	shalt  }
0x63: {  	_ =	shalt  }
0x64: {  	_ =	shalt  }
0x65: {  	_ =	shalt  }
0x66: {  	_ =	shalt  }
0x67: {  	_ =	shalt  }
0x68: {  	_ =	shalt  }
0x69: {  	_ =	shalt  }
0x6a: {  	_ =	shalt  }
0x6b: {  	_ =	shalt  }
0x6c: {  	_ =	shalt  }
0x6d: {  	_ =	shalt  }
0x6e: {  	_ =	shalt  }
0x6f: {  	_ =	shalt  }
0x70: {  	_ =	shalt  }
0x71: {  	_ =	shalt  }
0x72: {  	_ =	shalt  }
0x73: {  	_ =	shalt  }
0x74: {  	_ =	shalt  }
0x75: {  	_ =	shalt  }
0x76: {  	_ =	shalt  }
0x77: {  	_ =	shalt  }
0x78: {  	_ =	shalt  }
0x79: {  	_ =	shalt  }
0x7a: {  	_ =	shalt  }
0x7b: {  	_ =	shalt  }
0x7c: {  	_ =	shalt  }
0x7d: {  	_ =	shalt  }
0x7e: {  	_ =	shalt  }
0x7f: {  	_ =	shalt  }
0x80: {  	_ =	shalt  }
0x81: {  	_ =	shalt  }
0x82: {  	_ =	shalt  }
0x83: {  	_ =	shalt  }
0x84: {  	_ =	shalt  }
0x85: {  	_ =	shalt  }
0x86: {  	_ =	shalt  }
0x87: {  	_ =	shalt  }
.Lfunc_end0:
.L_simem_size_0:
called_computation_lowered:
.L_overlay_start_0:
0x88: {  	s2 =	sld [smem:$0x3FD9]  }
0x89: {  	s3 =	sld [smem:$0x3FFE];
	_ =	sdelay $0x1  }
0x8a: {  	s1 =	srdreg.scid  }
0x8b: {  	s0 =	sand.u32 $0x1, s1  }
0x8c: {  	s14 =	sshll.u32 s0, $0xA;
	s2 =	sadd.s32 s3, s2  }
0x8d: {  	s2 =	sadd.s32 s2, s14  }
0x8e: {  	[smem:$0x3FC2] =	sst s2  }
0x8f: {  	_ = 	snop  }
0x90: {  	s2 =	sld [smem:$0x3FD0];
	_ =	sdelay $0x2  }
0x91: {  	s4 =	simm.s32 $0xA;
	s5 =	simm.s32 $0x10;
	s15 =	sld [smem:$0x3FC9]  }
0x92: {  	[smem:s5], [sflag:s4] =	dma.local [hbm:s2], $0x1  }
0x93: {  	_ =	swait.eq [sflag:s4], $0x1  }
0x94: {  	[sflag:s4] =	ssyncset.done $0x0  }
0x95: {  	[sflag:s4] =	ssyncadd.s32 $0xFFFFFFFF  }
0x96: {  	s16 =	sld [smem:$0x10];
	(tm) =	ssettm $0x1  }
0x97: {  	s17 =	sld [smem:$0x3FFB];
	_ =	sdelay $0x3  }
0x98: {  	_ =	strace s17  }
0x99: {  	s4 =	sld [smem:$0x3FFC];
	_ =	sdelay $0x3  }
0x9a: {  	_ =	strace s4  }
0x9b: {  	s4 =	sld [smem:$0x3FFD];
	_ =	sdelay $0x3  }
0x9c: {  	_ =	strace s4  }
0x9d: {  	_ =	strace $0x8FFFFFFF  }
0x9e: {  	s18 =	sld [smem:$0x3FDB];
	_ =	sdelay $0x1  }
0x9f: {  	s19 =	simm.s32 $_scs_section_size  }
0xa0: {  	s6 =	simm.s32 $_size__tile_overlayer_lowered;
	s7 =	simm.s32 $_tile_overlayer_lowered  }
0xa1: {  	s22 =	simm.s32 $0x1BFF;
	s21 =	sshll.u32 s7, $0x1;
	s4 =	sadd.s32 s19, s18  }
0xa2: {  	s8 =	simm.s32 $0x0;
	s20 =	sshll.u32 s6, $0x1;
	s6 =	sadd.s32 s21, s4  }
0xa3: {  	[timem:s8], [sflag:s22] =	dma.local [hbm:s6], s20  }
0xa4: {  	_ =	swait.ge [sflag:s22], s20  }
0xa5: {  	s5 =	ssub.s32 $0x0, s20;
	[sflag:s22] =	ssyncset.done $0x0  }
0xa6: {  	[sflag:s22] =	ssyncadd.s32 s5;
	_ =	sdelay $0x1  }
0xa7: {  	s23 =	simm.s32 $0x1B8B  }
0xa8: {  	_ =	swait.ge [sflag:s23], $0x1  }
0xa9: {  	[sflag:s23] =	ssyncset.done $0x0  }
0xaa: {  	s25 =	simm.s32 $0x1B8E;
	s24 =	sld [smem:$0x3FFE];
	[sflag:s23] =	ssyncadd.s32 $0xFFFFFFFF  }
0xab: {  	s26 =	simm.s32 $execute0_lowered;
	[smem:$0x3FD2] =	sst s25  }
0xac: {  	s6 =	sshll.u32 s26, $0x1;
	_ =	strace $0x80000046;
	[dreg:$0x1] =	wrdreg $0xFFFFFFFF  }
0xad: {  	s28 =	simm.s32 $_size_execute0_lowered;
	s4 =	sadd.s32 s4, s6;
	[dreg:$0x0] =	wrdreg $0x0  }
0xae: {  	s6 =	sshll.u32 s28, $0x1;
	[dreg:$0x2] =	wrdreg s4  }
0xaf: {  	[dreg:$0x3] =	wrdreg s6  }
0xb0: {  	[dreg:$0x4] =	wrdreg $0xC0  }
0xb1: {  	_ =	task [dreg:s8], $0x5FFFF  }
0xb2: {  	[dreg:$0x1] =	wrdreg $0xFFFFFFFF  }
0xb3: {  	[dreg:$0x0] =	wrdreg $0x60  }
0xb4: {  	[dreg:$0x2] =	wrdreg s15  }
0xb5: {  	[dreg:$0x3] =	wrdreg s24  }
0xb6: {  	[dreg:$0x4] =	wrdreg s16  }
0xb7: {  	[dreg:$0x5] =	wrdreg $0x9  }
0xb8: {  	_ =	task.clear_ibuf [dreg:s8], $0x6FFFF;
	_ =	strace $0x90000046  }
0xb9: {  	s29 =	simm.s32 $0x9;
	_ =	strace $0x80000048  }
0xba: {  	_ =	swait.ge [sflag:s29], $0x1  }
0xbb: {  	[sflag:s29] =	ssyncadd.s32 $0xFFFFFFFF  }
0xbc: {  	_ =	strace $0x90000048  }
0xbd: {  	_ =	sfence  }
0xbe: {  	s30 =	sld [smem:$0x0];
	_ =	sdelay $0x2  }
0xbf: {  	s31 =	sshll.u32 s1, $0xD;
	s1 =	sshrl.u32 s1, $0x2  }
0xc0: {  	s3 =	sand.u32 $0x4000, s31;
	s1 =	sadd.s32 s1, s30  }
0xc1: {  	s0 =	sor.u32 s3, s0;
	s1 =	sshll.u32 s1, $0x11  }
0xc2: {  	s0 =	sor.u32 s1, s0  }
0xc3: {  	s0 =	sadd.s32 $0x8F2B, s0  }
0xc4: {  	[sflag:s0] =	ssyncadd.remote.s32 $0x1  }
0xc5: {  	_ =	sfence.sel $0xFFFF  }
0xc6: {  	[dreg:$0x0] =	wrdreg $0xFFFFFFFF;
	(pc) =	sbr.abs _section_cstart, $3  }
0xc7: {  	[dreg:$0x1] =	wrdreg $0xFFFFFFFF  }
0xc8: {  	_ =	task.clear_ibuf [dreg:s8], $0x2FFFF;
	_ =	strace $0x9FFFFFFF  }
0xc9: {  	(tm) =	ssettm $0x7FFFFFFF  }
tec
execute0_lowered:
.L_overlay_start_1:
0x0: {  	(tag) =	ssettag $0x1  }
0x1: {  	s1 =	rddreg [dreg:$0x0]  }
0x2: {  	s0 =	srdreg.scid;
	s4 =	rddreg [dreg:$0x1]  }
0x3: {  	s12 =	stileid.u32;
	s5 =	rddreg [dreg:$0x2]  }
0x4: {  	s16 =	simm.s32 $0x880;
	s17 =	simm.s32 $0x1080;
	s18 =	simm.s32 $0x1880  }
0x5: {  	s19 =	simm.s32 $0x2080;
	s21 =	simm.s32 $0x2880;
	s2 =	sand.u32 $0x1, s0  }
0x6: {  	s22 =	simm.s32 $0x3080;
	s23 =	simm.s32 $0x3880;
	s3 =	sshll.u32 s2, $0x4  }
0x7: {  	s24 =	simm.s32 $0x4080;
	s7 =	sor.u32 s12, s3;
	s3 =	simm.s32 $0x0  }
0x8: {  	s25 =	simm.s32 $0x4880;
	s9 =	simm.s32 $0x5080;
	[smem:$0x7FF] =	sst s3  }
0x9: {  	s10 =	simm.s32 $0x5880;
	_ =	strace $0x80000047;
	[dreg:$0x6] =	wrdreg s16  }
0xa: {  	s11 =	simm.s32 $0x6080;
	s26 =	simm.s32 $0x7080;
	[dreg:$0x7] =	wrdreg s17  }
0xb: {  	s28 =	simm.s32 $0xE080;
	s29 =	simm.s32 $0xE880;
	[dreg:$0x8] =	wrdreg s18  }
0xc: {  	s30 =	simm.s32 $0xF080;
	s6 =	sshll.u32 s12, $0x4;
	[dreg:$0x9] =	wrdreg s19  }
0xd: {  	s31 =	simm.s32 $0xF880;
	s6 =	sand.u32 $0x70, s6;
	[dreg:$0xa] =	wrdreg s21  }
0xe: {  	s2 =	ssub.s32 $0x2, s2;
	s4 =	sadd.s32 s6, s4;
	[dreg:$0xb] =	wrdreg s22  }
0xf: {  	s20 =	sshrl.u32 s2, $0x1;
	s6 =	sadd.s32 $0x300, s1;
	[dreg:$0xc] =	wrdreg s23  }
0x10: {  	s12 =	simm.s32 $0x6880;
	s8 =	sshll.u32 s7, $0x4;
	[dreg:$0xd] =	wrdreg s24  }
0x11: {  	s14 =	sshll.u32 s7, $0xD;
	s2 =	ssub.s32 s2, s20;
	[dreg:$0xe] =	wrdreg s25  }
0x12: {  	s7 =	sadd.s32 $0x400, s1;
	s20 =	simm.s32 $0xA880;
	[dreg:$0xf] =	wrdreg s9  }
0x13: {  	s13 =	sand.u32 $0x180, s8;
	s15 =	sadd.s32 s5, s14;
	[dreg:$0x10] =	wrdreg s10  }
0x14: {  	s5 =	sadd.s32 $0x200, s1;
	s8 =	sadd.s32 $0x500, s1;
	[dreg:$0x11] =	wrdreg s11  }
0x15: {  	s9 =	sadd.s32 $0x600, s1;
	s10 =	sadd.s32 $0x700, s1;
	[dreg:$0x12] =	wrdreg s12  }
0x16: {  	s11 =	smax.u32 s2, $0x1;
	s12 =	simm.s32 $0x2;
	[dreg:$0x13] =	wrdreg s26  }
0x17: {  	s16 =	simm.s32 $0x8880;
	s17 =	simm.s32 $0x9080;
	s18 =	simm.s32 $0x9880  }
0x18: {  	s19 =	simm.s32 $0xA080;
	s21 =	simm.s32 $0xB080;
	s22 =	simm.s32 $0xB880  }
0x19: {  	s23 =	simm.s32 $0xC080;
	s24 =	simm.s32 $0xC880;
	s25 =	simm.s32 $0xD080  }
0x1a: {  	v2 =	vlaneseq.u32;
	s26 =	simm.s32 $0xD880;
	s2 =	simm.s32 $0x1;
	s4 =	sadd.s32 s13, s4  }
0x1b: {  	vm0 =	vmmov $0xffff;
	v1 =	vshrl.u32 v2, $0x3;
	[dreg:$0x5] =	wrdreg s15;
	s13 =	simm.s32 $0x80;
	s4 =	sadd.s32 $0xE00, s4  }
0x1c: {  	v0 =	vand.u32 $0x7, v2;
	v2 =	vor.u32 $0x8, v2;
	v1 =	vmul.u32 $0x8, v1;
	s15 =	simm.s32 $0x8080;
	[dreg:$0x4] =	wrdreg s4;
	s4 =	sadd.s32 $0x100, s1  }
.LBB2_1:
0x1d: {  	s0 =	rddreg [dreg:$0x4]  }
0x1e: {  	[tilespmem:s3], [sflag:$0x2] =	stream.linear.gather [hbm4b:s0+s3], $0x80, $0x38;
	[tilespmem:$0x10080] =	vst v63  }
0x1f: {  	_ =	swait.ge [sflag:s12], $0x80  }
0x20: {  	[sflag:s12] =	ssyncset.done $0x0  }
0x21: {  	[sflag:s12] =	ssyncadd.s32 $0xFFFFFF80  }
0x22: {  	v3 =	vld [tilespmem:$0x0];
	_ =	sdelay $0x4  }
0x23: {  	v4 =	vshll.u32 v3, $0x4  }
0x24: {  	v3 =	vand.u32 $0x7, v3;
	v4 =	vand.u32 $0xFFFFFF80, v4  }
0x25: {  	v3 =	vor.u32 v3, v4  }
0x26: {  	v4 =	vperm.xlane v3, v0;
	_ =	sdelay $0x1  }
0x27: {  	v4 =	vadd.s32 v1, v4;
	_ =	sdelay $0x4  }
0x28: {  	[tilespmem:s13], [sflag:$0x1] =	stream.indirect_vreg.gather [hbm4b:s1+s3], $0x80, v4, vm0, $0xb8;
	[tilespmem:$0x10080] =	vst v63  }
0x29: {  	s0 =	rddreg [dreg:$0x6]  }
0x2a: {  	[tilespmem:s0], [sflag:$0x1] =	stream.indirect_vreg.gather [hbm4b:s4+s3], $0x80, v4, vm0, $0xb8;
	[tilespmem:$0x10080] =	vst v63  }
0x2b: {  	s14 =	rddreg [dreg:$0x7]  }
0x2c: {  	[tilespmem:s14], [sflag:$0x1] =	stream.indirect_vreg.gather [hbm4b:s5+s3], $0x80, v4, vm0, $0xb8;
	[tilespmem:$0x10080] =	vst v63  }
0x2d: {  	s0 =	rddreg [dreg:$0x8]  }
0x2e: {  	[tilespmem:s0], [sflag:$0x1] =	stream.indirect_vreg.gather [hbm4b:s6+s3], $0x80, v4, vm0, $0xb8;
	[tilespmem:$0x10080] =	vst v63  }
0x2f: {  	s14 =	rddreg [dreg:$0x9]  }
0x30: {  	[tilespmem:s14], [sflag:$0x1] =	stream.indirect_vreg.gather [hbm4b:s7+s3], $0x80, v4, vm0, $0xb8;
	[tilespmem:$0x10080] =	vst v63  }
0x31: {  	v3 =	vperm.xlane v3, v2;
	s0 =	rddreg [dreg:$0xa]  }
0x32: {  	[tilespmem:s0], [sflag:$0x1] =	stream.indirect_vreg.gather [hbm4b:s8+s3], $0x80, v4, vm0, $0xb8;
	[tilespmem:$0x10080] =	vst v63  }
0x33: {  	v3 =	vadd.s32 v1, v3;
	s14 =	rddreg [dreg:$0xb]  }
0x34: {  	[tilespmem:s14], [sflag:$0x1] =	stream.indirect_vreg.gather [hbm4b:s9+s3], $0x80, v4, vm0, $0xb8;
	[tilespmem:$0x10080] =	vst v63  }
0x35: {  	s0 =	rddreg [dreg:$0xc]  }
0x36: {  	[tilespmem:s0], [sflag:$0x1] =	stream.indirect_vreg.gather [hbm4b:s10+s3], $0x80, v4, vm0, $0xb8;
	[tilespmem:$0x10080] =	vst v63  }
0x37: {  	s14 =	rddreg [dreg:$0xd]  }
0x38: {  	[tilespmem:s14], [sflag:$0x1] =	stream.indirect_vreg.gather [hbm4b:s1+s3], $0x80, v3, vm0, $0xb8;
	[tilespmem:$0x10080] =	vst v63  }
0x39: {  	s0 =	rddreg [dreg:$0xe]  }
0x3a: {  	[tilespmem:s0], [sflag:$0x1] =	stream.indirect_vreg.gather [hbm4b:s4+s3], $0x80, v3, vm0, $0xb8;
	[tilespmem:$0x10080] =	vst v63  }
0x3b: {  	s14 =	rddreg [dreg:$0xf]  }
0x3c: {  	[tilespmem:s14], [sflag:$0x1] =	stream.indirect_vreg.gather [hbm4b:s5+s3], $0x80, v3, vm0, $0xb8;
	[tilespmem:$0x10080] =	vst v63  }
0x3d: {  	s0 =	rddreg [dreg:$0x10]  }
0x3e: {  	[tilespmem:s0], [sflag:$0x1] =	stream.indirect_vreg.gather [hbm4b:s6+s3], $0x80, v3, vm0, $0xb8;
	[tilespmem:$0x10080] =	vst v63  }
0x3f: {  	s14 =	rddreg [dreg:$0x11]  }
0x40: {  	[tilespmem:s14], [sflag:$0x1] =	stream.indirect_vreg.gather [hbm4b:s7+s3], $0x80, v3, vm0, $0xb8;
	[tilespmem:$0x10080] =	vst v63  }
0x41: {  	s0 =	rddreg [dreg:$0x12]  }
0x42: {  	[tilespmem:s0], [sflag:$0x1] =	stream.indirect_vreg.gather [hbm4b:s8+s3], $0x80, v3, vm0, $0xb8;
	[tilespmem:$0x10080] =	vst v63  }
0x43: {  	s14 =	rddreg [dreg:$0x13]  }
0x44: {  	[tilespmem:s14], [sflag:$0x1] =	stream.indirect_vreg.gather [hbm4b:s9+s3], $0x80, v3, vm0, $0xb8;
	[tilespmem:$0x10080] =	vst v63  }
0x45: {  	s14 =	simm.s32 $0x7880  }
0x46: {  	[tilespmem:s14], [sflag:$0x1] =	stream.indirect_vreg.gather [hbm4b:s10+s3], $0x80, v3, vm0, $0xb8;
	[tilespmem:$0x10080] =	vst v63  }
0x47: {  	v3 =	vld [tilespmem:$0x10];
	_ =	sdelay $0x4  }
0x48: {  	v63 =	vshll.u32 v3, $0x4  }
0x49: {  	v3 =	vand.u32 $0x7, v3;
	v4 =	vand.u32 $0xFFFFFF80, v63  }
0x4a: {  	v3 =	vor.u32 v3, v4  }
0x4b: {  	v4 =	vperm.xlane v3, v0;
	_ =	sdelay $0x1  }
0x4c: {  	v4 =	vadd.s32 v1, v4;
	_ =	sdelay $0x4  }
0x4d: {  	[tilespmem:s15], [sflag:$0x1] =	stream.indirect_vreg.gather [hbm4b:s1+s3], $0x80, v4, vm0, $0xb8;
	[tilespmem:$0x10080] =	vst v63  }
0x4e: {  	_ = 	snop  }
0x4f: {  	[tilespmem:s16], [sflag:$0x1] =	stream.indirect_vreg.gather [hbm4b:s4+s3], $0x80, v4, vm0, $0xb8;
	[tilespmem:$0x10080] =	vst v63  }
0x50: {  	_ = 	snop  }
0x51: {  	[tilespmem:s17], [sflag:$0x1] =	stream.indirect_vreg.gather [hbm4b:s5+s3], $0x80, v4, vm0, $0xb8;
	[tilespmem:$0x10080] =	vst v63  }
0x52: {  	_ = 	snop  }
0x53: {  	[tilespmem:s18], [sflag:$0x1] =	stream.indirect_vreg.gather [hbm4b:s6+s3], $0x80, v4, vm0, $0xb8;
	[tilespmem:$0x10080] =	vst v63  }
0x54: {  	_ = 	snop  }
0x55: {  	[tilespmem:s19], [sflag:$0x1] =	stream.indirect_vreg.gather [hbm4b:s7+s3], $0x80, v4, vm0, $0xb8;
	[tilespmem:$0x10080] =	vst v63  }
0x56: {  	v3 =	vperm.xlane v3, v2  }
0x57: {  	[tilespmem:s20], [sflag:$0x1] =	stream.indirect_vreg.gather [hbm4b:s8+s3], $0x80, v4, vm0, $0xb8;
	[tilespmem:$0x10080] =	vst v63  }
0x58: {  	v3 =	vadd.s32 v1, v3  }
0x59: {  	[tilespmem:s21], [sflag:$0x1] =	stream.indirect_vreg.gather [hbm4b:s9+s3], $0x80, v4, vm0, $0xb8;
	[tilespmem:$0x10080] =	vst v63  }
0x5a: {  	_ = 	snop  }
0x5b: {  	[tilespmem:s22], [sflag:$0x1] =	stream.indirect_vreg.gather [hbm4b:s10+s3], $0x80, v4, vm0, $0xb8;
	[tilespmem:$0x10080] =	vst v63  }
0x5c: {  	_ = 	snop  }
0x5d: {  	[tilespmem:s23], [sflag:$0x1] =	stream.indirect_vreg.gather [hbm4b:s1+s3], $0x80, v3, vm0, $0xb8;
	[tilespmem:$0x10080] =	vst v63  }
0x5e: {  	_ = 	snop  }
0x5f: {  	[tilespmem:s24], [sflag:$0x1] =	stream.indirect_vreg.gather [hbm4b:s4+s3], $0x80, v3, vm0, $0xb8;
	[tilespmem:$0x10080] =	vst v63  }
0x60: {  	_ = 	snop  }
0x61: {  	[tilespmem:s25], [sflag:$0x1] =	stream.indirect_vreg.gather [hbm4b:s5+s3], $0x80, v3, vm0, $0xb8;
	[tilespmem:$0x10080] =	vst v63  }
0x62: {  	_ = 	snop  }
0x63: {  	[tilespmem:s26], [sflag:$0x1] =	stream.indirect_vreg.gather [hbm4b:s6+s3], $0x80, v3, vm0, $0xb8;
	[tilespmem:$0x10080] =	vst v63  }
0x64: {  	_ = 	snop  }
0x65: {  	[tilespmem:s28], [sflag:$0x1] =	stream.indirect_vreg.gather [hbm4b:s7+s3], $0x80, v3, vm0, $0xb8;
	[tilespmem:$0x10080] =	vst v63  }
0x66: {  	_ = 	snop  }
0x67: {  	[tilespmem:s29], [sflag:$0x1] =	stream.indirect_vreg.gather [hbm4b:s8+s3], $0x80, v3, vm0, $0xb8;
	[tilespmem:$0x10080] =	vst v63  }
0x68: {  	_ = 	snop  }
0x69: {  	[tilespmem:s30], [sflag:$0x1] =	stream.indirect_vreg.gather [hbm4b:s9+s3], $0x80, v3, vm0, $0xb8;
	[tilespmem:$0x10080] =	vst v63  }
0x6a: {  	_ = 	snop  }
0x6b: {  	[tilespmem:s31], [sflag:$0x1] =	stream.indirect_vreg.gather [hbm4b:s10+s3], $0x80, v3, vm0, $0xb8;
	[tilespmem:$0x10080] =	vst v63  }
0x6c: {  	_ =	swait.ge [sflag:s2], $0x10000  }
0x6d: {  	p0 =	sne.s32 s11, $0x1;
	[sflag:s2] =	ssyncset.done $0x0  }
.Ltmp0:
0x6e: {  	s14 =	rddreg [dreg:$0x5];
	[sflag:s2] =	ssyncadd.s32 $0xFFFF0000;
	(pc) =	sbr.rel @p0 .LBB2_1-.Ltmp0, $4  }
0x6f: {  	[hbm4b:s14+s3] =	stream.linear.scatter [tilespmem:s13], [sflag:$0x2], $0x10000, $0x38;
	[tilespmem:$0x10080] =	vst v63  }
0x70: {  	_ =	swait.ge [sflag:s12], $0x10000  }
0x71: {  	[sflag:s12] =	ssyncset.done $0x0  }
0x72: {  	s11 =	sadd.s32 $0xFFFFFFFF, s11;
	[sflag:s12] =	ssyncadd.s32 $0xFFFF0000  }
0x73: {  	_ =	sfence.sel $0x180000  }
0x74: {  	[bflag:$0x0] =	sbarrier.arrive $0xFFFF  }
0x75: {  	_ =	strace $0x90000047  }
0x76: {  	s0 =	stileid.u32;
	[bflag:$0x2] =	sbarrier.arrive $0xFFFF  }
0x77: {  	p0 =	sne.s32 s0, $0x0;
	s0 =	rddreg [dreg:$0x3]  }
0x78: {  	s0 =	sadd.s32 @!p0 $0x100000, s0  }
0x79: {  	[sflag:s0] =	ssyncadd.tile.s32 @!p0 $0x1;
	_ =	shalt  }
.Lfunc_end2:
_tile_overlayer_lowered:
.L_overlay_start_2:
0x7a: {  	(tag) =	ssettag $0x2  }
0x7b: {  	s0 =	rddreg [dreg:$0x0];
	s2 =	stileid.u32  }
0x7c: {  	s1 =	rddreg [dreg:$0x1];
	p0 =	sne.s32 s2, $0x0  }
0x7d: {  	s3 =	rddreg [dreg:$0x2];
	[bflag:$0x3] =	sbarrier.arrive $0xFFFF;
	s2 =	simm.s32 @!p0 $0x1C02  }
0x7e: {  	[timem:s3], [sflag:s2] =	dma.local @!p0 [hbm:s0], s1  }
0x7f: {  	s0 =	simm.s32 @!p0 $0x2  }
0x80: {  	_ =	swait.ge @!p0 [sflag:s0], s1  }
0x81: {  	s1 =	ssub.s32 @!p0 $0x0, s1;
	[sflag:s0] =	ssyncset.done @!p0 $0x0  }
0x82: {  	[sflag:s0] =	ssyncadd.s32 @!p0 s1  }
0x83: {  	[bflag:$0x3] =	sbarrier.arrive $0xFFFF  }
0x84: {  	_ =	shalt  }

// kernel: kernel.9.cloned.1.call-start
scs
__scs_entry_jumppad:
0x0: {  	(pc) =	sbr.rel $0x88, $3  }
0x1: {  	(tag) =	ssettag $0x0;
	lr =	simm.s32 $0x1  }
0x2: {  	[smem:$0x3F9B] =	sst lr;
	_ =	strace $0xD0000000  }
0x3: {  	_ = 	snop  }
0x4: {  	_ = 	snop  }
0x5: {  	_ = 	snop  }
0x6: {  	_ = 	snop  }
0x7: {  	_ = 	snop  }
__scs_overlays_trampoline_lowered:
0x8: {  	[smem:$0x3FAA] =	sst s0  }
0x9: {  	[smem:$0x3FAB] =	sst s1  }
0xa: {  	[smem:$0x3FAC] =	sst s2  }
0xb: {  	[smem:$0x3FAD] =	sst s3  }
0xc: {  	[smem:$0x3FAE] =	sst s4  }
0xd: {  	[smem:$0x3FAF] =	sst s5  }
0xe: {  	[smem:$0x3FB0] =	sst s6  }
0xf: {  	[smem:$0x3FB1] =	sst s7  }
0x10: {  	[smem:$0x3FB2] =	sst s8  }
0x11: {  	[smem:$0x3FB3] =	sst s9;
	s0 =	simm.s32 @!p0 $0x0  }
0x12: {  	s1 =	sld [smem:$0x3F99];
	s0 =	simm.s32 @p0 $0x1  }
0x13: {  	[smem:$0x3FB4] =	sst s0;
	s0 =	simm.s32 @!p1 $0x0  }
0x14: {  	s2 =	sld [smem:$0x3F98];
	s0 =	simm.s32 @p1 $0x1  }
0x15: {  	[smem:$0x3FB5] =	sst s0;
	s0 =	simm.s32 @!p2 $0x0  }
0x16: {  	s3 =	sld [smem:$0x3FDB];
	s0 =	simm.s32 @p2 $0x1  }
0x17: {  	s4 =	simm.s32 $0x1BF5;
	[smem:$0x3FB7] =	sst s0  }
0x18: {  	s0 =	sld [smem:$0x3F9A];
	_ =	swait.ge [sflag:s4], $0x0  }
0x19: {  	s7 =	sld [smem:$0x3F9B]  }
0x1a: {  	s8 =	sadd.s32 $0xFFFFE003, lr  }
0x1b: {  	s9 =	sadd.s32 $0xFFFFFEF7, lr;
	s5 =	simm.s32 $0xFFFFFFFF;
	p2 =	slt.u32 s8, $0xFFFFF086  }
0x1c: {  	p1 =	slt.u32 s9, $0xF7A;
	s5 =	simm.s32 @!p2 $0x0  }
0x1d: {  	s5 =	simm.s32 @p1 $0x1;
	p0 =	seq.s32 s7, s2  }
0x1e: {  	s7 =	smul.u32 @!p0 $0xF7A, s2;
	p2 =	seq.s32 @!p0 s5, $0x0  }
0x1f: {  	s9 =	smul.u32 $0xF7A, s1;
	s8 =	simm.s32 @!p0 $0x1BF5;
	p2 =	por !p2, p0  }
0x20: {  	[sflag:s8] =	ssyncset.s32 @!p0 $0xFFFFF086;
	s6 =	sadd.s32 @!p0 s3, s7;
	s7 =	simm.s32 @!p0 $0x108  }
0x21: {  	s3 =	sadd.s32 s3, s9;
	s6 =	sadd.s32 @!p0 $0x88, s6;
	s7 =	simm.s32 @p2 $0x1082  }
0x22: {  	[simem:s7], [sflag:s8] =	dma.local @!p0 [hbm:s6], $0xF7A  }
0x23: {  	s9 =	sor.u32 $0xD0000000, s2;
	s6 =	simm.s32 $0x108;
	_ =	swait.ge @!p0 [sflag:s8], $0x0  }
0x24: {  	s3 =	sadd.s32 $0x88, s3;
	s6 =	simm.s32 @!p1 $0x1082;
	[sflag:s4] =	ssyncset.s32 $0xFFFFF086  }
0x25: {  	[simem:s6], [sflag:s4] =	dma.local [hbm:s3], $0xF7A  }
0x26: {  	[smem:$0x3F9B] =	sst s1;
	(tag) =	ssettag s2;
	_ =	strace s9  }
0x27: {  	s1 =	sld [smem:$0x3FAB]  }
0x28: {  	s2 =	sld [smem:$0x3FAC]  }
0x29: {  	s4 =	sld [smem:$0x3FAE]  }
0x2a: {  	p0 =	seq.s32 s5, $0x0;
	s5 =	sld [smem:$0x3FAF]  }
0x2b: {  	s6 =	sld [smem:$0x3FB0]  }
0x2c: {  	s7 =	sld [smem:$0x3FB1]  }
0x2d: {  	s3 =	simm.s32 $0x108;
	s8 =	sld [smem:$0x3FB2]  }
0x2e: {  	s3 =	simm.s32 @!p0 $0x1082;
	s9 =	sld [smem:$0x3FB3]  }
0x2f: {  	lr =	sadd.s32 s0, s3;
	s0 =	sld [smem:$0x3FAA]  }
0x30: {  	s3 =	sld [smem:$0x3FAD]  }
0x31: {  	[smem:$0x3FB6] =	sst s10  }
0x32: {  	s10 =	sld [smem:$0x3FB4];
	_ =	sdelay $0x3  }
0x33: {  	p0 =	seq.s32 s10, $0x1;
	s10 =	sld [smem:$0x3FB6];
	_ =	sdelay $0x3  }
0x34: {  	[smem:$0x3FB6] =	sst s10  }
0x35: {  	s10 =	sld [smem:$0x3FB5];
	_ =	sdelay $0x3  }
0x36: {  	p1 =	seq.s32 s10, $0x1;
	s10 =	sld [smem:$0x3FB6];
	_ =	sdelay $0x3  }
0x37: {  	[smem:$0x3FB6] =	sst s10  }
0x38: {  	s10 =	sld [smem:$0x3FB7]  }
0x39: {  	_ = 	snop;
	(pc) =	sbr.ind lr, $3  }
0x3a: {  	_ = 	snop  }
0x3b: {  	_ = 	snop  }
0x3c: {  	p2 =	seq.s32 s10, $0x1;
	s10 =	sld [smem:$0x3FB6]  }
0x3d: {  	_ =	shalt  }
0x3e: {  	_ =	shalt  }
0x3f: {  	_ =	shalt  }
0x40: {  	_ =	shalt  }
0x41: {  	_ =	shalt  }
0x42: {  	_ =	shalt  }
0x43: {  	_ =	shalt  }
0x44: {  	_ =	shalt  }
0x45: {  	_ =	shalt  }
0x46: {  	_ =	shalt  }
0x47: {  	_ =	shalt  }
0x48: {  	_ =	shalt  }
0x49: {  	_ =	shalt  }
0x4a: {  	_ =	shalt  }
0x4b: {  	_ =	shalt  }
0x4c: {  	_ =	shalt  }
0x4d: {  	_ =	shalt  }
0x4e: {  	_ =	shalt  }
0x4f: {  	_ =	shalt  }
0x50: {  	_ =	shalt  }
0x51: {  	_ =	shalt  }
0x52: {  	_ =	shalt  }
0x53: {  	_ =	shalt  }
0x54: {  	_ =	shalt  }
0x55: {  	_ =	shalt  }
0x56: {  	_ =	shalt  }
0x57: {  	_ =	shalt  }
0x58: {  	_ =	shalt  }
0x59: {  	_ =	shalt  }
0x5a: {  	_ =	shalt  }
0x5b: {  	_ =	shalt  }
0x5c: {  	_ =	shalt  }
0x5d: {  	_ =	shalt  }
0x5e: {  	_ =	shalt  }
0x5f: {  	_ =	shalt  }
0x60: {  	_ =	shalt  }
0x61: {  	_ =	shalt  }
0x62: {  	_ =	shalt  }
0x63: {  	_ =	shalt  }
0x64: {  	_ =	shalt  }
0x65: {  	_ =	shalt  }
0x66: {  	_ =	shalt  }
0x67: {  	_ =	shalt  }
0x68: {  	_ =	shalt  }
0x69: {  	_ =	shalt  }
0x6a: {  	_ =	shalt  }
0x6b: {  	_ =	shalt  }
0x6c: {  	_ =	shalt  }
0x6d: {  	_ =	shalt  }
0x6e: {  	_ =	shalt  }
0x6f: {  	_ =	shalt  }
0x70: {  	_ =	shalt  }
0x71: {  	_ =	shalt  }
0x72: {  	_ =	shalt  }
0x73: {  	_ =	shalt  }
0x74: {  	_ =	shalt  }
0x75: {  	_ =	shalt  }
0x76: {  	_ =	shalt  }
0x77: {  	_ =	shalt  }
0x78: {  	_ =	shalt  }
0x79: {  	_ =	shalt  }
0x7a: {  	_ =	shalt  }
0x7b: {  	_ =	shalt  }
0x7c: {  	_ =	shalt  }
0x7d: {  	_ =	shalt  }
0x7e: {  	_ =	shalt  }
0x7f: {  	_ =	shalt  }
0x80: {  	_ =	shalt  }
0x81: {  	_ =	shalt  }
0x82: {  	_ =	shalt  }
0x83: {  	_ =	shalt  }
0x84: {  	_ =	shalt  }
0x85: {  	_ =	shalt  }
0x86: {  	_ =	shalt  }
0x87: {  	_ =	shalt  }
.Lfunc_end0:
.L_simem_size_0:
called_computation.1_lowered:
.L_overlay_start_0:
0x88: {  	s2 =	sld [smem:$0x3FD9]  }
0x89: {  	s3 =	sld [smem:$0x3FFE];
	_ =	sdelay $0x1  }
0x8a: {  	s1 =	srdreg.scid  }
0x8b: {  	s0 =	sand.u32 $0x1, s1  }
0x8c: {  	s14 =	sshll.u32 s0, $0xA;
	s2 =	sadd.s32 s3, s2  }
0x8d: {  	s2 =	sadd.s32 s2, s14  }
0x8e: {  	[smem:$0x3FC2] =	sst s2  }
0x8f: {  	_ = 	snop  }
0x90: {  	s2 =	sld [smem:$0x3FD0];
	_ =	sdelay $0x2  }
0x91: {  	s4 =	simm.s32 $0xA;
	s5 =	simm.s32 $0x10;
	s15 =	sld [smem:$0x3FC9]  }
0x92: {  	[smem:s5], [sflag:s4] =	dma.local [hbm:s2], $0x1  }
0x93: {  	_ =	swait.eq [sflag:s4], $0x1  }
0x94: {  	[sflag:s4] =	ssyncset.done $0x0  }
0x95: {  	[sflag:s4] =	ssyncadd.s32 $0xFFFFFFFF  }
0x96: {  	s16 =	sld [smem:$0x10];
	(tm) =	ssettm $0x1  }
0x97: {  	s17 =	sld [smem:$0x3FFB];
	_ =	sdelay $0x3  }
0x98: {  	_ =	strace s17  }
0x99: {  	s4 =	sld [smem:$0x3FFC];
	_ =	sdelay $0x3  }
0x9a: {  	_ =	strace s4  }
0x9b: {  	s4 =	sld [smem:$0x3FFD];
	_ =	sdelay $0x3  }
0x9c: {  	_ =	strace s4  }
0x9d: {  	_ =	strace $0x8FFFFFFF  }
0x9e: {  	s18 =	sld [smem:$0x3FDB];
	_ =	sdelay $0x1  }
0x9f: {  	s19 =	simm.s32 $_scs_section_size  }
0xa0: {  	s6 =	simm.s32 $_size__tile_overlayer_lowered;
	s7 =	simm.s32 $_tile_overlayer_lowered  }
0xa1: {  	s22 =	simm.s32 $0x1BFF;
	s21 =	sshll.u32 s7, $0x1;
	s4 =	sadd.s32 s19, s18  }
0xa2: {  	s8 =	simm.s32 $0x0;
	s20 =	sshll.u32 s6, $0x1;
	s6 =	sadd.s32 s21, s4  }
0xa3: {  	[timem:s8], [sflag:s22] =	dma.local [hbm:s6], s20  }
0xa4: {  	_ =	swait.ge [sflag:s22], s20  }
0xa5: {  	s5 =	ssub.s32 $0x0, s20;
	[sflag:s22] =	ssyncset.done $0x0  }
0xa6: {  	[sflag:s22] =	ssyncadd.s32 s5;
	_ =	sdelay $0x1  }
0xa7: {  	s23 =	simm.s32 $0x1B8B  }
0xa8: {  	_ =	swait.ge [sflag:s23], $0x1  }
0xa9: {  	[sflag:s23] =	ssyncset.done $0x0  }
0xaa: {  	s25 =	simm.s32 $0x1B8E;
	s24 =	sld [smem:$0x3FFE];
	[sflag:s23] =	ssyncadd.s32 $0xFFFFFFFF  }
0xab: {  	s26 =	simm.s32 $execute0_lowered;
	[smem:$0x3FD2] =	sst s25  }
0xac: {  	s6 =	sshll.u32 s26, $0x1;
	_ =	strace $0x80000049;
	[dreg:$0x1] =	wrdreg $0xFFFFFFFF  }
0xad: {  	s28 =	simm.s32 $_size_execute0_lowered;
	s4 =	sadd.s32 s4, s6;
	[dreg:$0x0] =	wrdreg $0x0  }
0xae: {  	s6 =	sshll.u32 s28, $0x1;
	[dreg:$0x2] =	wrdreg s4  }
0xaf: {  	[dreg:$0x3] =	wrdreg s6  }
0xb0: {  	[dreg:$0x4] =	wrdreg $0xC0  }
0xb1: {  	_ =	task [dreg:s8], $0x5FFFF  }
0xb2: {  	[dreg:$0x1] =	wrdreg $0xFFFFFFFF  }
0xb3: {  	[dreg:$0x0] =	wrdreg $0x60  }
0xb4: {  	[dreg:$0x2] =	wrdreg s15  }
0xb5: {  	[dreg:$0x3] =	wrdreg s24  }
0xb6: {  	[dreg:$0x4] =	wrdreg s16  }
0xb7: {  	[dreg:$0x5] =	wrdreg $0x9  }
0xb8: {  	_ =	task.clear_ibuf [dreg:s8], $0x6FFFF;
	_ =	strace $0x90000049  }
0xb9: {  	s29 =	simm.s32 $0x9;
	_ =	strace $0x8000004B  }
0xba: {  	_ =	swait.ge [sflag:s29], $0x1  }
0xbb: {  	[sflag:s29] =	ssyncadd.s32 $0xFFFFFFFF  }
0xbc: {  	_ =	strace $0x9000004B  }
0xbd: {  	_ =	sfence  }
0xbe: {  	s30 =	sld [smem:$0x0];
	_ =	sdelay $0x2  }
0xbf: {  	s31 =	sshll.u32 s1, $0xD;
	s1 =	sshrl.u32 s1, $0x2  }
0xc0: {  	s3 =	sand.u32 $0x4000, s31;
	s1 =	sadd.s32 s1, s30  }
0xc1: {  	s0 =	sor.u32 s3, s0;
	s1 =	sshll.u32 s1, $0x11  }
0xc2: {  	s0 =	sor.u32 s1, s0  }
0xc3: {  	s0 =	sadd.s32 $0x8F2B, s0  }
0xc4: {  	[sflag:s0] =	ssyncadd.remote.s32 $0x1  }
0xc5: {  	_ =	sfence.sel $0xFFFF  }
0xc6: {  	[dreg:$0x0] =	wrdreg $0xFFFFFFFF;
	(pc) =	sbr.abs _section_cstart, $3  }
0xc7: {  	[dreg:$0x1] =	wrdreg $0xFFFFFFFF  }
0xc8: {  	_ =	task.clear_ibuf [dreg:s8], $0x2FFFF;
	_ =	strace $0x9FFFFFFF  }
0xc9: {  	(tm) =	ssettm $0x7FFFFFFF  }
tec
execute0_lowered:
.L_overlay_start_1:
0x0: {  	(tag) =	ssettag $0x1  }
0x1: {  	s0 =	srdreg.scid  }
0x2: {  	s1 =	sand.u32 $0x1, s0  }
0x3: {  	s18 =	stileid.u32;
	s2 =	sshll.u32 s1, $0x4  }
0x4: {  	s6 =	sor.u32 s18, s2  }
0x5: {  	s7 =	sshll.u32 s18, $0x4;
	s3 =	sshll.u32 s6, $0x4  }
0x6: {  	s5 =	rddreg [dreg:$0x0];
	s7 =	sand.u32 $0x70, s7;
	s8 =	sand.u32 $0x180, s3  }
0x7: {  	s4 =	rddreg [dreg:$0x1];
	s3 =	simm.s32 $0x0;
	s7 =	sor.u32 s7, s8  }
0x8: {  	[smem:$0x7FF] =	sst s3;
	s7 =	sadd.s32 s7, s4  }
0x9: {  	s2 =	rddreg [dreg:$0x2];
	_ =	strace $0x8000004A;
	s19 =	sadd.s32 $0xE00, s7  }
0xa: {  	s20 =	sadd.s32 $0xE02, s7;
	s7 =	sshll.u32 s6, $0x10;
	[dreg:$0x4] =	wrdreg s19  }
0xb: {  	[dreg:$0x5] =	wrdreg s20;
	s21 =	sadd.s32 s5, s7  }
0xc: {  	s9 =	sor.u32 $0x1000, s7;
	s23 =	sadd.s32 s2, s7;
	[dreg:$0x6] =	wrdreg s21  }
0xd: {  	s10 =	sor.u32 $0x2000, s7;
	s22 =	sadd.s32 s5, s9;
	[dreg:$0x8] =	wrdreg s23  }
0xe: {  	s24 =	sadd.s32 s5, s10;
	[dreg:$0x7] =	wrdreg s22  }
0xf: {  	s26 =	sor.u32 $0x3000, s7;
	s25 =	sadd.s32 s2, s9;
	[dreg:$0x9] =	wrdreg s24  }
0x10: {  	s0 =	sadd.s32 s5, s26;
	[dreg:$0xa] =	wrdreg s25  }
0x11: {  	s12 =	sor.u32 $0x4000, s7;
	s11 =	sadd.s32 s2, s10;
	[dreg:$0xb] =	wrdreg s0  }
0x12: {  	s13 =	sadd.s32 s5, s12;
	[dreg:$0xc] =	wrdreg s11  }
0x13: {  	s15 =	sor.u32 $0x5000, s7;
	s14 =	sadd.s32 s2, s26;
	[dreg:$0xd] =	wrdreg s13  }
0x14: {  	s16 =	sadd.s32 s5, s15;
	[dreg:$0xe] =	wrdreg s14  }
0x15: {  	s18 =	sor.u32 $0x6000, s7;
	s17 =	sadd.s32 s2, s12;
	[dreg:$0xf] =	wrdreg s16  }
0x16: {  	s19 =	sadd.s32 s5, s18;
	[dreg:$0x10] =	wrdreg s17  }
0x17: {  	s20 =	sadd.s32 s2, s15;
	[dreg:$0x11] =	wrdreg s19  }
0x18: {  	s21 =	sor.u32 $0x7000, s7;
	s23 =	sadd.s32 s2, s18;
	[dreg:$0x12] =	wrdreg s20  }
0x19: {  	s22 =	sadd.s32 s5, s21;
	[dreg:$0x14] =	wrdreg s23  }
0x1a: {  	s24 =	sor.u32 $0x8000, s7;
	s26 =	sadd.s32 s2, s21;
	[dreg:$0x13] =	wrdreg s22  }
0x1b: {  	s0 =	sor.u32 $0x9000, s7;
	s25 =	sadd.s32 s5, s24;
	[dreg:$0x16] =	wrdreg s26  }
0x1c: {  	s28 =	simm.s32 $0xD900;
	s11 =	sadd.s32 s5, s0;
	[dreg:$0x15] =	wrdreg s25  }
0x1d: {  	s13 =	sor.u32 $0xA000, s7;
	s12 =	sadd.s32 s2, s24;
	[dreg:$0x17] =	wrdreg s11  }
0x1e: {  	s29 =	simm.s32 $0xE100;
	s14 =	sadd.s32 s5, s13;
	[dreg:$0x18] =	wrdreg s12  }
0x1f: {  	s16 =	sor.u32 $0xB000, s7;
	s15 =	sadd.s32 s2, s0;
	[dreg:$0x19] =	wrdreg s14  }
0x20: {  	s30 =	simm.s32 $0xE900;
	s17 =	sadd.s32 s5, s16;
	[dreg:$0x1a] =	wrdreg s15  }
0x21: {  	s19 =	sor.u32 $0xC000, s7;
	s18 =	sadd.s32 s2, s13;
	[dreg:$0x1b] =	wrdreg s17  }
0x22: {  	s31 =	simm.s32 $0xF100;
	s20 =	sadd.s32 s5, s19;
	[dreg:$0x1c] =	wrdreg s18  }
0x23: {  	s1 =	ssub.s32 $0x2, s1;
	s21 =	sadd.s32 s2, s16;
	[dreg:$0x1d] =	wrdreg s20  }
0x24: {  	s8 =	sadd.s32 $0x500, s2;
	s24 =	sadd.s32 s2, s19;
	[dreg:$0x1e] =	wrdreg s21  }
0x25: {  	s6 =	sshll.u32 s6, $0xD;
	s13 =	simm.s32 $0x900;
	[smem:$0x7E6] =	sst s24  }
0x26: {  	s4 =	sadd.s32 s6, s4;
	s16 =	simm.s32 $0x1900;
	[smem:$0x7EF] =	sst s13  }
0x27: {  	s22 =	sor.u32 $0xD000, s7;
	s19 =	simm.s32 $0x3100;
	[smem:$0x7F1] =	sst s16  }
0x28: {  	s6 =	sadd.s32 $0x300, s2;
	s23 =	sadd.s32 s5, s22;
	[smem:$0x7F4] =	sst s19  }
0x29: {  	s25 =	sor.u32 $0xE000, s7;
	s0 =	sadd.s32 s2, s22;
	[dreg:$0x1f] =	wrdreg s23  }
0x2a: {  	s7 =	sor.u32 $0xF000, s7;
	s11 =	sadd.s32 $0x1000, s4;
	[smem:$0x7E8] =	sst s0  }
0x2b: {  	s4 =	sadd.s32 $0x2000, s4;
	s12 =	simm.s32 $0x80;
	[smem:$0x7EC] =	sst s11  }
0x2c: {  	s14 =	simm.s32 $0x1100;
	s15 =	sshrl.u32 s1, $0x1;
	[smem:$0x7ED] =	sst s4  }
0x2d: {  	s17 =	simm.s32 $0x2100;
	s18 =	simm.s32 $0x2900;
	[smem:$0x7EE] =	sst s12  }
0x2e: {  	s20 =	simm.s32 $0x3900;
	s21 =	simm.s32 $0x4100;
	[smem:$0x7F0] =	sst s14  }
0x2f: {  	s22 =	simm.s32 $0x4900;
	s24 =	simm.s32 $0x6900;
	[smem:$0x7F2] =	sst s17  }
0x30: {  	s13 =	simm.s32 $0x100;
	s16 =	simm.s32 $0x2;
	[smem:$0x7F3] =	sst s18  }
0x31: {  	s19 =	simm.s32 $0x9900;
	s26 =	sadd.s32 s5, s25;
	[smem:$0x7F5] =	sst s20  }
0x32: {  	s5 =	sadd.s32 s5, s7;
	s9 =	sadd.s32 s2, s25;
	[smem:$0x7F6] =	sst s21  }
0x33: {  	s10 =	sadd.s32 s2, s7;
	s1 =	ssub.s32 s1, s15;
	[smem:$0x7F7] =	sst s22  }
0x34: {  	s4 =	sadd.s32 $0x100, s2;
	s7 =	sadd.s32 $0x400, s2;
	[smem:$0x7FB] =	sst s24  }
0x35: {  	s11 =	simm.s32 $0x5100;
	s12 =	simm.s32 $0x5900;
	[smem:$0x7E7] =	sst s26  }
0x36: {  	s23 =	simm.s32 $0x6100;
	s25 =	simm.s32 $0x7100;
	[smem:$0x7E9] =	sst s5  }
0x37: {  	s14 =	simm.s32 $0x1;
	s15 =	simm.s32 $0x8100;
	[smem:$0x7EA] =	sst s9  }
0x38: {  	s18 =	simm.s32 $0x9100;
	s20 =	simm.s32 $0xA100;
	[smem:$0x7EB] =	sst s10  }
0x39: {  	s21 =	simm.s32 $0xA900;
	s22 =	simm.s32 $0xB100;
	[smem:$0x7F8] =	sst s11  }
0x3a: {  	s24 =	simm.s32 $0xC100;
	s5 =	sadd.s32 $0x200, s2;
	[smem:$0x7F9] =	sst s12  }
0x3b: {  	s9 =	sadd.s32 $0x600, s2;
	s10 =	sadd.s32 $0x700, s2;
	[smem:$0x7FA] =	sst s23  }
0x3c: {  	v2 =	vlaneseq.u32;
	s11 =	smax.u32 s1, $0x1;
	s12 =	simm.s32 $0x3;
	[smem:$0x7FC] =	sst s25  }
0x3d: {  	vm0 =	vmmov $0xffff;
	v1 =	vshrl.u32 v2, $0x3;
	s26 =	simm.s32 $0x7900;
	s23 =	simm.s32 $0xB900;
	s25 =	simm.s32 $0xC900  }
0x3e: {  	v0 =	vand.u32 $0x7, v2;
	v2 =	vor.u32 $0x8, v2;
	v1 =	vmul.u32 $0x8, v1;
	s1 =	simm.s32 $0xF900;
	[smem:$0x7FD] =	sst s26;
	s26 =	simm.s32 $0xD100  }
.LBB2_1:
0x3f: {  	s0 =	rddreg [dreg:$0x4]  }
0x40: {  	[tilespmem:s3], [sflag:$0x3] =	stream.linear.gather [hbm4b:s0+s3], $0x10, $0x38;
	[tilespmem:$0x10100] =	vst v63  }
0x41: {  	_ =	swait.ge [sflag:s12], $0x10  }
0x42: {  	s17 =	sld [smem:$0x7EE]  }
0x43: {  	[sflag:s12] =	ssyncset.done $0x0  }
0x44: {  	s0 =	rddreg [dreg:$0x5];
	[sflag:s12] =	ssyncadd.s32 $0xFFFFFFF0  }
0x45: {  	[tilespmem:s17], [sflag:$0x3] =	stream.linear.gather [hbm4b:s0+s3], $0x10, $0x38;
	[tilespmem:$0x10100] =	vst v63  }
0x46: {  	_ =	swait.ge [sflag:s12], $0x10  }
0x47: {  	[sflag:s12] =	ssyncset.done $0x0  }
0x48: {  	s17 =	rddreg [dreg:$0x6];
	[sflag:s12] =	ssyncadd.s32 $0xFFFFFFF0  }
0x49: {  	[tilespmem:s13], [sflag:$0x1] =	stream.linear.gather [hbm4b:s17+s3], $0x8000, $0x38;
	[tilespmem:$0x10100] =	vst v63  }
0x4a: {  	_ =	swait.ge [sflag:s14], $0x8000  }
0x4b: {  	[sflag:s14] =	ssyncset.done $0x0  }
0x4c: {  	s0 =	rddreg [dreg:$0x7];
	[sflag:s14] =	ssyncadd.s32 $0xFFFF8000  }
0x4d: {  	[tilespmem:s15], [sflag:$0x2] =	stream.linear.gather [hbm4b:s0+s3], $0x8000, $0x38;
	[tilespmem:$0x10100] =	vst v63  }
0x4e: {  	s17 =	rddreg [dreg:$0x8]  }
0x4f: {  	[hbm4b:s17+s3] =	stream.linear.scatter [tilespmem:s13], [sflag:$0x3], $0x8000, $0x38;
	[tilespmem:$0x10100] =	vst v63  }
0x50: {  	_ =	swait.ge [sflag:s12], $0x8000  }
0x51: {  	[sflag:s12] =	ssyncset.done $0x0  }
0x52: {  	[sflag:s12] =	ssyncadd.s32 $0xFFFF8000  }
0x53: {  	_ =	swait.ge [sflag:s16], $0x8000  }
0x54: {  	[sflag:s16] =	ssyncset.done $0x0  }
0x55: {  	s0 =	rddreg [dreg:$0x9];
	[sflag:s16] =	ssyncadd.s32 $0xFFFF8000  }
0x56: {  	[tilespmem:s13], [sflag:$0x1] =	stream.linear.gather [hbm4b:s0+s3], $0x8000, $0x38;
	[tilespmem:$0x10100] =	vst v63  }
0x57: {  	s17 =	rddreg [dreg:$0xa]  }
0x58: {  	[hbm4b:s17+s3] =	stream.linear.scatter [tilespmem:s15], [sflag:$0x3], $0x8000, $0x38;
	[tilespmem:$0x10100] =	vst v63  }
0x59: {  	_ =	swait.ge [sflag:s12], $0x8000  }
0x5a: {  	[sflag:s12] =	ssyncset.done $0x0  }
0x5b: {  	[sflag:s12] =	ssyncadd.s32 $0xFFFF8000  }
0x5c: {  	_ =	swait.ge [sflag:s14], $0x8000  }
0x5d: {  	[sflag:s14] =	ssyncset.done $0x0  }
0x5e: {  	s0 =	rddreg [dreg:$0xb];
	[sflag:s14] =	ssyncadd.s32 $0xFFFF8000  }
0x5f: {  	[tilespmem:s15], [sflag:$0x2] =	stream.linear.gather [hbm4b:s0+s3], $0x8000, $0x38;
	[tilespmem:$0x10100] =	vst v63  }
0x60: {  	s17 =	rddreg [dreg:$0xc]  }
0x61: {  	[hbm4b:s17+s3] =	stream.linear.scatter [tilespmem:s13], [sflag:$0x3], $0x8000, $0x38;
	[tilespmem:$0x10100] =	vst v63  }
0x62: {  	_ =	swait.ge [sflag:s12], $0x8000  }
0x63: {  	[sflag:s12] =	ssyncset.done $0x0  }
0x64: {  	[sflag:s12] =	ssyncadd.s32 $0xFFFF8000  }
0x65: {  	_ =	swait.ge [sflag:s16], $0x8000  }
0x66: {  	[sflag:s16] =	ssyncset.done $0x0  }
0x67: {  	s0 =	rddreg [dreg:$0xd];
	[sflag:s16] =	ssyncadd.s32 $0xFFFF8000  }
0x68: {  	[tilespmem:s13], [sflag:$0x1] =	stream.linear.gather [hbm4b:s0+s3], $0x8000, $0x38;
	[tilespmem:$0x10100] =	vst v63  }
0x69: {  	s17 =	rddreg [dreg:$0xe]  }
0x6a: {  	[hbm4b:s17+s3] =	stream.linear.scatter [tilespmem:s15], [sflag:$0x3], $0x8000, $0x38;
	[tilespmem:$0x10100] =	vst v63  }
0x6b: {  	_ =	swait.ge [sflag:s12], $0x8000  }
0x6c: {  	[sflag:s12] =	ssyncset.done $0x0  }
0x6d: {  	[sflag:s12] =	ssyncadd.s32 $0xFFFF8000  }
0x6e: {  	_ =	swait.ge [sflag:s14], $0x8000  }
0x6f: {  	[sflag:s14] =	ssyncset.done $0x0  }
0x70: {  	s0 =	rddreg [dreg:$0xf];
	[sflag:s14] =	ssyncadd.s32 $0xFFFF8000  }
0x71: {  	[tilespmem:s15], [sflag:$0x2] =	stream.linear.gather [hbm4b:s0+s3], $0x8000, $0x38;
	[tilespmem:$0x10100] =	vst v63  }
0x72: {  	s17 =	rddreg [dreg:$0x10]  }
0x73: {  	[hbm4b:s17+s3] =	stream.linear.scatter [tilespmem:s13], [sflag:$0x3], $0x8000, $0x38;
	[tilespmem:$0x10100] =	vst v63  }
0x74: {  	_ =	swait.ge [sflag:s12], $0x8000  }
0x75: {  	[sflag:s12] =	ssyncset.done $0x0  }
0x76: {  	[sflag:s12] =	ssyncadd.s32 $0xFFFF8000  }
0x77: {  	_ =	swait.ge [sflag:s16], $0x8000  }
0x78: {  	[sflag:s16] =	ssyncset.done $0x0  }
0x79: {  	s0 =	rddreg [dreg:$0x11];
	[sflag:s16] =	ssyncadd.s32 $0xFFFF8000  }
0x7a: {  	[tilespmem:s13], [sflag:$0x1] =	stream.linear.gather [hbm4b:s0+s3], $0x8000, $0x38;
	[tilespmem:$0x10100] =	vst v63  }
0x7b: {  	s17 =	rddreg [dreg:$0x12]  }
0x7c: {  	[hbm4b:s17+s3] =	stream.linear.scatter [tilespmem:s15], [sflag:$0x3], $0x8000, $0x38;
	[tilespmem:$0x10100] =	vst v63  }
0x7d: {  	_ =	swait.ge [sflag:s12], $0x8000  }
0x7e: {  	[sflag:s12] =	ssyncset.done $0x0  }
0x7f: {  	[sflag:s12] =	ssyncadd.s32 $0xFFFF8000  }
0x80: {  	_ =	swait.ge [sflag:s14], $0x8000  }
0x81: {  	[sflag:s14] =	ssyncset.done $0x0  }
0x82: {  	s0 =	rddreg [dreg:$0x13];
	[sflag:s14] =	ssyncadd.s32 $0xFFFF8000  }
0x83: {  	[tilespmem:s15], [sflag:$0x2] =	stream.linear.gather [hbm4b:s0+s3], $0x8000, $0x38;
	[tilespmem:$0x10100] =	vst v63  }
0x84: {  	s17 =	rddreg [dreg:$0x14]  }
0x85: {  	[hbm4b:s17+s3] =	stream.linear.scatter [tilespmem:s13], [sflag:$0x3], $0x8000, $0x38;
	[tilespmem:$0x10100] =	vst v63  }
0x86: {  	_ =	swait.ge [sflag:s12], $0x8000  }
0x87: {  	[sflag:s12] =	ssyncset.done $0x0  }
0x88: {  	[sflag:s12] =	ssyncadd.s32 $0xFFFF8000  }
0x89: {  	_ =	swait.ge [sflag:s16], $0x8000  }
0x8a: {  	[sflag:s16] =	ssyncset.done $0x0  }
0x8b: {  	s0 =	rddreg [dreg:$0x15];
	[sflag:s16] =	ssyncadd.s32 $0xFFFF8000  }
0x8c: {  	[tilespmem:s13], [sflag:$0x1] =	stream.linear.gather [hbm4b:s0+s3], $0x8000, $0x38;
	[tilespmem:$0x10100] =	vst v63  }
0x8d: {  	s17 =	rddreg [dreg:$0x16]  }
0x8e: {  	[hbm4b:s17+s3] =	stream.linear.scatter [tilespmem:s15], [sflag:$0x3], $0x8000, $0x38;
	[tilespmem:$0x10100] =	vst v63  }
0x8f: {  	_ =	swait.ge [sflag:s12], $0x8000  }
0x90: {  	[sflag:s12] =	ssyncset.done $0x0  }
0x91: {  	[sflag:s12] =	ssyncadd.s32 $0xFFFF8000  }
0x92: {  	_ =	swait.ge [sflag:s14], $0x8000  }
0x93: {  	[sflag:s14] =	ssyncset.done $0x0  }
0x94: {  	s0 =	rddreg [dreg:$0x17];
	[sflag:s14] =	ssyncadd.s32 $0xFFFF8000  }
0x95: {  	[tilespmem:s15], [sflag:$0x2] =	stream.linear.gather [hbm4b:s0+s3], $0x8000, $0x38;
	[tilespmem:$0x10100] =	vst v63  }
0x96: {  	s17 =	rddreg [dreg:$0x18]  }
0x97: {  	[hbm4b:s17+s3] =	stream.linear.scatter [tilespmem:s13], [sflag:$0x3], $0x8000, $0x38;
	[tilespmem:$0x10100] =	vst v63  }
0x98: {  	_ =	swait.ge [sflag:s12], $0x8000  }
0x99: {  	[sflag:s12] =	ssyncset.done $0x0  }
0x9a: {  	[sflag:s12] =	ssyncadd.s32 $0xFFFF8000  }
0x9b: {  	_ =	swait.ge [sflag:s16], $0x8000  }
0x9c: {  	[sflag:s16] =	ssyncset.done $0x0  }
0x9d: {  	s0 =	rddreg [dreg:$0x19];
	[sflag:s16] =	ssyncadd.s32 $0xFFFF8000  }
0x9e: {  	[tilespmem:s13], [sflag:$0x1] =	stream.linear.gather [hbm4b:s0+s3], $0x8000, $0x38;
	[tilespmem:$0x10100] =	vst v63  }
0x9f: {  	s17 =	rddreg [dreg:$0x1a]  }
0xa0: {  	[hbm4b:s17+s3] =	stream.linear.scatter [tilespmem:s15], [sflag:$0x3], $0x8000, $0x38;
	[tilespmem:$0x10100] =	vst v63  }
0xa1: {  	_ =	swait.ge [sflag:s12], $0x8000  }
0xa2: {  	[sflag:s12] =	ssyncset.done $0x0  }
0xa3: {  	[sflag:s12] =	ssyncadd.s32 $0xFFFF8000  }
0xa4: {  	_ =	swait.ge [sflag:s14], $0x8000  }
0xa5: {  	[sflag:s14] =	ssyncset.done $0x0  }
0xa6: {  	s0 =	rddreg [dreg:$0x1b];
	[sflag:s14] =	ssyncadd.s32 $0xFFFF8000  }
0xa7: {  	[tilespmem:s15], [sflag:$0x2] =	stream.linear.gather [hbm4b:s0+s3], $0x8000, $0x38;
	[tilespmem:$0x10100] =	vst v63  }
0xa8: {  	s17 =	rddreg [dreg:$0x1c]  }
0xa9: {  	[hbm4b:s17+s3] =	stream.linear.scatter [tilespmem:s13], [sflag:$0x3], $0x8000, $0x38;
	[tilespmem:$0x10100] =	vst v63  }
0xaa: {  	_ =	swait.ge [sflag:s12], $0x8000  }
0xab: {  	[sflag:s12] =	ssyncset.done $0x0  }
0xac: {  	[sflag:s12] =	ssyncadd.s32 $0xFFFF8000  }
0xad: {  	_ =	swait.ge [sflag:s16], $0x8000  }
0xae: {  	[sflag:s16] =	ssyncset.done $0x0  }
0xaf: {  	s0 =	rddreg [dreg:$0x1d];
	[sflag:s16] =	ssyncadd.s32 $0xFFFF8000  }
0xb0: {  	[tilespmem:s13], [sflag:$0x1] =	stream.linear.gather [hbm4b:s0+s3], $0x8000, $0x38;
	[tilespmem:$0x10100] =	vst v63  }
0xb1: {  	s17 =	rddreg [dreg:$0x1e]  }
0xb2: {  	[hbm4b:s17+s3] =	stream.linear.scatter [tilespmem:s15], [sflag:$0x3], $0x8000, $0x38;
	[tilespmem:$0x10100] =	vst v63  }
0xb3: {  	_ =	swait.ge [sflag:s12], $0x8000  }
0xb4: {  	[sflag:s12] =	ssyncset.done $0x0  }
0xb5: {  	[sflag:s12] =	ssyncadd.s32 $0xFFFF8000  }
0xb6: {  	_ =	swait.ge [sflag:s14], $0x8000  }
0xb7: {  	s0 =	rddreg [dreg:$0x1f];
	[sflag:s14] =	ssyncset.done $0x0  }
0xb8: {  	s17 =	sld [smem:$0x7E6];
	[sflag:s14] =	ssyncadd.s32 $0xFFFF8000  }
0xb9: {  	[tilespmem:s15], [sflag:$0x2] =	stream.linear.gather [hbm4b:s0+s3], $0x8000, $0x38;
	[tilespmem:$0x10100] =	vst v63  }
0xba: {  	_ = 	snop  }
0xbb: {  	[hbm4b:s17+s3] =	stream.linear.scatter [tilespmem:s13], [sflag:$0x3], $0x8000, $0x38;
	[tilespmem:$0x10100] =	vst v63  }
0xbc: {  	_ =	swait.ge [sflag:s12], $0x8000  }
0xbd: {  	[sflag:s12] =	ssyncset.done $0x0  }
0xbe: {  	[sflag:s12] =	ssyncadd.s32 $0xFFFF8000  }
0xbf: {  	_ =	swait.ge [sflag:s16], $0x8000  }
0xc0: {  	s0 =	sld [smem:$0x7E7]  }
0xc1: {  	[sflag:s16] =	ssyncset.done $0x0  }
0xc2: {  	s17 =	sld [smem:$0x7E8];
	[sflag:s16] =	ssyncadd.s32 $0xFFFF8000  }
0xc3: {  	[tilespmem:s13], [sflag:$0x1] =	stream.linear.gather [hbm4b:s0+s3], $0x8000, $0x38;
	[tilespmem:$0x10100] =	vst v63  }
0xc4: {  	_ = 	snop  }
0xc5: {  	[hbm4b:s17+s3] =	stream.linear.scatter [tilespmem:s15], [sflag:$0x3], $0x8000, $0x38;
	[tilespmem:$0x10100] =	vst v63  }
0xc6: {  	_ =	swait.ge [sflag:s12], $0x8000  }
0xc7: {  	[sflag:s12] =	ssyncset.done $0x0  }
0xc8: {  	[sflag:s12] =	ssyncadd.s32 $0xFFFF8000  }
0xc9: {  	_ =	swait.ge [sflag:s14], $0x8000  }
0xca: {  	s0 =	sld [smem:$0x7E9]  }
0xcb: {  	[sflag:s14] =	ssyncset.done $0x0  }
0xcc: {  	s17 =	sld [smem:$0x7EA];
	[sflag:s14] =	ssyncadd.s32 $0xFFFF8000  }
0xcd: {  	[tilespmem:s15], [sflag:$0x2] =	stream.linear.gather [hbm4b:s0+s3], $0x8000, $0x38;
	[tilespmem:$0x10100] =	vst v63  }
0xce: {  	_ = 	snop  }
0xcf: {  	[hbm4b:s17+s3] =	stream.linear.scatter [tilespmem:s13], [sflag:$0x3], $0x8000, $0x38;
	[tilespmem:$0x10100] =	vst v63  }
0xd0: {  	_ =	swait.ge [sflag:s12], $0x8000  }
0xd1: {  	[sflag:s12] =	ssyncset.done $0x0  }
0xd2: {  	[sflag:s12] =	ssyncadd.s32 $0xFFFF8000  }
0xd3: {  	_ =	swait.ge [sflag:s16], $0x8000  }
0xd4: {  	s17 =	sld [smem:$0x7EB]  }
0xd5: {  	[sflag:s16] =	ssyncset.done $0x0  }
0xd6: {  	[sflag:s16] =	ssyncadd.s32 $0xFFFF8000  }
0xd7: {  	[hbm4b:s17+s3] =	stream.linear.scatter [tilespmem:s15], [sflag:$0x3], $0x8000, $0x38;
	[tilespmem:$0x10100] =	vst v63  }
0xd8: {  	_ =	swait.ge [sflag:s12], $0x8000  }
0xd9: {  	[sflag:s12] =	ssyncset.done $0x0  }
0xda: {  	[sflag:s12] =	ssyncadd.s32 $0xFFFF8000  }
0xdb: {  	[bflag:$0x0] =	sbarrier.arrive $0xFFFF  }
0xdc: {  	s17 =	sld [smem:$0x7EC];
	_ =	sdelay $0x2  }
0xdd: {  	[tilespmem:s13], [sflag:$0x1] =	stream.linear.gather [hbm4b:s17+s3], $0x8000, $0x38;
	[tilespmem:$0x10100] =	vst v63  }
0xde: {  	_ =	swait.ge [sflag:s14], $0x8000  }
0xdf: {  	s17 =	sld [smem:$0x7ED]  }
0xe0: {  	[sflag:s14] =	ssyncset.done $0x0  }
0xe1: {  	[sflag:s14] =	ssyncadd.s32 $0xFFFF8000  }
0xe2: {  	[tilespmem:s15], [sflag:$0x2] =	stream.linear.gather [hbm4b:s17+s3], $0x8000, $0x38;
	[tilespmem:$0x10100] =	vst v63  }
0xe3: {  	v3 =	vld [tilespmem:$0x0];
	_ =	sdelay $0x4  }
0xe4: {  	v4 =	vshll.u32 v3, $0x4  }
0xe5: {  	v3 =	vand.u32 $0x7, v3;
	v4 =	vand.u32 $0xFFFFFF80, v4  }
0xe6: {  	v3 =	vor.u32 v3, v4  }
0xe7: {  	v4 =	vperm.xlane v3, v0;
	_ =	sdelay $0x1  }
0xe8: {  	v4 =	vadd.s32 v1, v4;
	_ =	sdelay $0x3  }
0xe9: {  	s0 =	sld [smem:$0x7EF]  }
0xea: {  	[hbm4b:s2+s3] =	stream.indirect_vreg.scatter [tilespmem:s13], [sflag:$0x1], $0x80, v4, vm0, $0xb8;
	[tilespmem:$0x10100] =	vst v63  }
0xeb: {  	s17 =	sld [smem:$0x7F0]  }
0xec: {  	[hbm4b:s4+s3] =	stream.indirect_vreg.scatter [tilespmem:s0], [sflag:$0x1], $0x80, v4, vm0, $0xb8;
	[tilespmem:$0x10100] =	vst v63  }
0xed: {  	s0 =	sld [smem:$0x7F1]  }
0xee: {  	[hbm4b:s5+s3] =	stream.indirect_vreg.scatter [tilespmem:s17], [sflag:$0x1], $0x80, v4, vm0, $0xb8;
	[tilespmem:$0x10100] =	vst v63  }
0xef: {  	s17 =	sld [smem:$0x7F2]  }
0xf0: {  	[hbm4b:s6+s3] =	stream.indirect_vreg.scatter [tilespmem:s0], [sflag:$0x1], $0x80, v4, vm0, $0xb8;
	[tilespmem:$0x10100] =	vst v63  }
0xf1: {  	s0 =	sld [smem:$0x7F3]  }
0xf2: {  	[hbm4b:s7+s3] =	stream.indirect_vreg.scatter [tilespmem:s17], [sflag:$0x1], $0x80, v4, vm0, $0xb8;
	[tilespmem:$0x10100] =	vst v63  }
0xf3: {  	v3 =	vperm.xlane v3, v2;
	s17 =	sld [smem:$0x7F4]  }
0xf4: {  	[hbm4b:s8+s3] =	stream.indirect_vreg.scatter [tilespmem:s0], [sflag:$0x1], $0x80, v4, vm0, $0xb8;
	[tilespmem:$0x10100] =	vst v63  }
0xf5: {  	v3 =	vadd.s32 v1, v3;
	s0 =	sld [smem:$0x7F5]  }
0xf6: {  	[hbm4b:s9+s3] =	stream.indirect_vreg.scatter [tilespmem:s17], [sflag:$0x1], $0x80, v4, vm0, $0xb8;
	[tilespmem:$0x10100] =	vst v63  }
0xf7: {  	s17 =	sld [smem:$0x7F6]  }
0xf8: {  	[hbm4b:s10+s3] =	stream.indirect_vreg.scatter [tilespmem:s0], [sflag:$0x1], $0x80, v4, vm0, $0xb8;
	[tilespmem:$0x10100] =	vst v63  }
0xf9: {  	s0 =	sld [smem:$0x7F7]  }
0xfa: {  	[hbm4b:s2+s3] =	stream.indirect_vreg.scatter [tilespmem:s17], [sflag:$0x1], $0x80, v3, vm0, $0xb8;
	[tilespmem:$0x10100] =	vst v63  }
0xfb: {  	s17 =	sld [smem:$0x7F8]  }
0xfc: {  	[hbm4b:s4+s3] =	stream.indirect_vreg.scatter [tilespmem:s0], [sflag:$0x1], $0x80, v3, vm0, $0xb8;
	[tilespmem:$0x10100] =	vst v63  }
0xfd: {  	s0 =	sld [smem:$0x7F9]  }
0xfe: {  	[hbm4b:s5+s3] =	stream.indirect_vreg.scatter [tilespmem:s17], [sflag:$0x1], $0x80, v3, vm0, $0xb8;
	[tilespmem:$0x10100] =	vst v63  }
0xff: {  	s17 =	sld [smem:$0x7FA]  }
0x100: {  	[hbm4b:s6+s3] =	stream.indirect_vreg.scatter [tilespmem:s0], [sflag:$0x1], $0x80, v3, vm0, $0xb8;
	[tilespmem:$0x10100] =	vst v63  }
0x101: {  	s0 =	sld [smem:$0x7FB]  }
0x102: {  	[hbm4b:s7+s3] =	stream.indirect_vreg.scatter [tilespmem:s17], [sflag:$0x1], $0x80, v3, vm0, $0xb8;
	[tilespmem:$0x10100] =	vst v63  }
0x103: {  	s17 =	sld [smem:$0x7FC]  }
0x104: {  	[hbm4b:s8+s3] =	stream.indirect_vreg.scatter [tilespmem:s0], [sflag:$0x1], $0x80, v3, vm0, $0xb8;
	[tilespmem:$0x10100] =	vst v63  }
0x105: {  	s0 =	sld [smem:$0x7FD]  }
0x106: {  	[hbm4b:s9+s3] =	stream.indirect_vreg.scatter [tilespmem:s17], [sflag:$0x1], $0x80, v3, vm0, $0xb8;
	[tilespmem:$0x10100] =	vst v63  }
0x107: {  	_ = 	snop  }
0x108: {  	[hbm4b:s10+s3] =	stream.indirect_vreg.scatter [tilespmem:s0], [sflag:$0x1], $0x80, v3, vm0, $0xb8;
	[tilespmem:$0x10100] =	vst v63  }
0x109: {  	_ =	swait.ge [sflag:s14], $0x8000  }
0x10a: {  	[sflag:s14] =	ssyncset.done $0x0  }
0x10b: {  	[sflag:s14] =	ssyncadd.s32 $0xFFFF8000  }
0x10c: {  	_ =	swait.ge [sflag:s16], $0x8000  }
0x10d: {  	[sflag:s16] =	ssyncset.done $0x0  }
0x10e: {  	[sflag:s16] =	ssyncadd.s32 $0xFFFF8000  }
0x10f: {  	v3 =	vld [tilespmem:$0x80];
	_ =	sdelay $0x4  }
0x110: {  	v63 =	vshll.u32 v3, $0x4  }
0x111: {  	v3 =	vand.u32 $0x7, v3;
	v4 =	vand.u32 $0xFFFFFF80, v63  }
0x112: {  	v3 =	vor.u32 v3, v4  }
0x113: {  	v4 =	vperm.xlane v3, v0;
	_ =	sdelay $0x1  }
0x114: {  	v4 =	vadd.s32 v1, v4;
	_ =	sdelay $0x4  }
0x115: {  	[hbm4b:s2+s3] =	stream.indirect_vreg.scatter [tilespmem:s15], [sflag:$0x2], $0x80, v4, vm0, $0xb8;
	[tilespmem:$0x10100] =	vst v63  }
0x116: {  	s17 =	simm.s32 $0x8900  }
0x117: {  	[hbm4b:s4+s3] =	stream.indirect_vreg.scatter [tilespmem:s17], [sflag:$0x2], $0x80, v4, vm0, $0xb8;
	[tilespmem:$0x10100] =	vst v63  }
0x118: {  	_ = 	snop  }
0x119: {  	[hbm4b:s5+s3] =	stream.indirect_vreg.scatter [tilespmem:s18], [sflag:$0x2], $0x80, v4, vm0, $0xb8;
	[tilespmem:$0x10100] =	vst v63  }
0x11a: {  	_ = 	snop  }
0x11b: {  	[hbm4b:s6+s3] =	stream.indirect_vreg.scatter [tilespmem:s19], [sflag:$0x2], $0x80, v4, vm0, $0xb8;
	[tilespmem:$0x10100] =	vst v63  }
0x11c: {  	_ = 	snop  }
0x11d: {  	[hbm4b:s7+s3] =	stream.indirect_vreg.scatter [tilespmem:s20], [sflag:$0x2], $0x80, v4, vm0, $0xb8;
	[tilespmem:$0x10100] =	vst v63  }
0x11e: {  	v3 =	vperm.xlane v3, v2  }
0x11f: {  	[hbm4b:s8+s3] =	stream.indirect_vreg.scatter [tilespmem:s21], [sflag:$0x2], $0x80, v4, vm0, $0xb8;
	[tilespmem:$0x10100] =	vst v63  }
0x120: {  	v3 =	vadd.s32 v1, v3  }
0x121: {  	[hbm4b:s9+s3] =	stream.indirect_vreg.scatter [tilespmem:s22], [sflag:$0x2], $0x80, v4, vm0, $0xb8;
	[tilespmem:$0x10100] =	vst v63  }
0x122: {  	_ = 	snop  }
0x123: {  	[hbm4b:s10+s3] =	stream.indirect_vreg.scatter [tilespmem:s23], [sflag:$0x2], $0x80, v4, vm0, $0xb8;
	[tilespmem:$0x10100] =	vst v63  }
0x124: {  	_ = 	snop  }
0x125: {  	[hbm4b:s2+s3] =	stream.indirect_vreg.scatter [tilespmem:s24], [sflag:$0x2], $0x80, v3, vm0, $0xb8;
	[tilespmem:$0x10100] =	vst v63  }
0x126: {  	_ = 	snop  }
0x127: {  	[hbm4b:s4+s3] =	stream.indirect_vreg.scatter [tilespmem:s25], [sflag:$0x2], $0x80, v3, vm0, $0xb8;
	[tilespmem:$0x10100] =	vst v63  }
0x128: {  	_ = 	snop  }
0x129: {  	[hbm4b:s5+s3] =	stream.indirect_vreg.scatter [tilespmem:s26], [sflag:$0x2], $0x80, v3, vm0, $0xb8;
	[tilespmem:$0x10100] =	vst v63  }
0x12a: {  	_ = 	snop  }
0x12b: {  	[hbm4b:s6+s3] =	stream.indirect_vreg.scatter [tilespmem:s28], [sflag:$0x2], $0x80, v3, vm0, $0xb8;
	[tilespmem:$0x10100] =	vst v63  }
0x12c: {  	_ = 	snop  }
0x12d: {  	[hbm4b:s7+s3] =	stream.indirect_vreg.scatter [tilespmem:s29], [sflag:$0x2], $0x80, v3, vm0, $0xb8;
	[tilespmem:$0x10100] =	vst v63  }
0x12e: {  	_ = 	snop  }
0x12f: {  	[hbm4b:s8+s3] =	stream.indirect_vreg.scatter [tilespmem:s30], [sflag:$0x2], $0x80, v3, vm0, $0xb8;
	[tilespmem:$0x10100] =	vst v63  }
0x130: {  	p0 =	sne.s32 s11, $0x1  }
0x131: {  	[hbm4b:s9+s3] =	stream.indirect_vreg.scatter [tilespmem:s31], [sflag:$0x2], $0x80, v3, vm0, $0xb8;
	[tilespmem:$0x10100] =	vst v63  }
.Ltmp0:
0x132: {  	_ = 	snop;
	(pc) =	sbr.rel @p0 .LBB2_1-.Ltmp0, $4  }
0x133: {  	[hbm4b:s10+s3] =	stream.indirect_vreg.scatter [tilespmem:s1], [sflag:$0x2], $0x80, v3, vm0, $0xb8;
	[tilespmem:$0x10100] =	vst v63  }
0x134: {  	_ =	swait.ge [sflag:s16], $0x8000  }
0x135: {  	[sflag:s16] =	ssyncset.done $0x0  }
0x136: {  	s11 =	sadd.s32 $0xFFFFFFFF, s11;
	[sflag:s16] =	ssyncadd.s32 $0xFFFF8000  }
0x137: {  	_ =	sfence.sel $0x180000  }
0x138: {  	[bflag:$0x0] =	sbarrier.arrive $0xFFFF  }
0x139: {  	_ =	strace $0x9000004A  }
0x13a: {  	s0 =	stileid.u32;
	[bflag:$0x2] =	sbarrier.arrive $0xFFFF  }
0x13b: {  	p0 =	sne.s32 s0, $0x0;
	s0 =	rddreg [dreg:$0x3]  }
0x13c: {  	s0 =	sadd.s32 @!p0 $0x100000, s0  }
0x13d: {  	[sflag:s0] =	ssyncadd.tile.s32 @!p0 $0x1;
	_ =	shalt  }
.Lfunc_end2:
_tile_overlayer_lowered:
.L_overlay_start_2:
0x13e: {  	(tag) =	ssettag $0x2  }
0x13f: {  	s0 =	rddreg [dreg:$0x0];
	s2 =	stileid.u32  }
0x140: {  	s1 =	rddreg [dreg:$0x1];
	p0 =	sne.s32 s2, $0x0  }
0x141: {  	s3 =	rddreg [dreg:$0x2];
	[bflag:$0x3] =	sbarrier.arrive $0xFFFF;
	s2 =	simm.s32 @!p0 $0x1C03  }
0x142: {  	[timem:s3], [sflag:s2] =	dma.local @!p0 [hbm:s0], s1  }
0x143: {  	s0 =	simm.s32 @!p0 $0x3  }
0x144: {  	_ =	swait.ge @!p0 [sflag:s0], s1  }
0x145: {  	s1 =	ssub.s32 @!p0 $0x0, s1;
	[sflag:s0] =	ssyncset.done @!p0 $0x0  }
0x146: {  	[sflag:s0] =	ssyncadd.s32 @!p0 s1  }
0x147: {  	[bflag:$0x3] =	sbarrier.arrive $0xFFFF  }
0x148: {  	_ =	shalt  }

</sc_bundles>
